<compile_context>
chip_gen: v7x
topology: tpu7x:2x2x1
jax: 0.10.2.dev20260603
libtpu: 0.0.44.dev20260713+nightly
codegen_flags: <defaults>
</compile_context>

<pallas_src>
import functools

import jax
import jax.numpy as jnp
from jax import lax
from jax.experimental import pallas as pl
from jax.experimental.pallas import tpu as pltpu
from jax.experimental.pallas import tpu_sc as plsc

_L = 16
_NGROUP = 8
_NQ = 4
_CHUNK = 4096
_CSHIFT = 12 + (_CHUNK.bit_length() - 1)

_QLO = (0, 25088, 50176, 75264)


@functools.lru_cache(maxsize=None)
def _build(B, V, D):
    assert D == _NGROUP * 8
    n_full = 25088 // _CHUNK
    tail_a = 25088 - n_full * _CHUNK
    tail_b = (V - _QLO[3]) - n_full * _CHUNK
    mesh = plsc.VectorSubcoreMesh(core_axis_name="c", subcore_axis_name="s")

    out_sds = jax.ShapeDtypeStruct((D, B), jnp.float32)

    @functools.partial(
        pl.kernel,
        mesh=mesh,
        out_type=(out_sds, out_sds, out_sds, out_sds),
        scratch_types=[
            pltpu.VMEM((B,), jnp.int32),
            pltpu.VMEM((B,), jnp.int32),
            pltpu.VMEM((B,), jnp.int32),
            pltpu.VMEM((2, 8, _CHUNK), jnp.float32),
            pltpu.VMEM((8, B + _L), jnp.float32),
            pltpu.SemaphoreType.DMA((2,)),
        ],
        compiler_params=pltpu.CompilerParams(needs_layout_passes=False),
    )
    def gather_kernel(idx_hbm, tableT_hbm, o0, o1, o2, o3,
                      idx_v, pk_v, cpk_v, buf_v, stage_v, sems):
        wid = lax.axis_index("s") * 2 + lax.axis_index("c")
        g = lax.rem(wid, _NGROUP)
        q = wid // _NGROUP
        d0 = pl.multiple_of(g * 8, 8)
        q_lo = jnp.int32(25088) * q
        q_hi = jnp.where(q == _NQ - 1, jnp.int32(V), q_lo + 25088)
        v0 = pl.multiple_of(q_lo, 128)

        iota = lax.iota(jnp.int32, _L)

        def start_chunk(c, slot):
            pltpu.make_async_copy(
                tableT_hbm.at[pl.ds(d0, 8), pl.ds(v0 + c * _CHUNK, _CHUNK)],
                buf_v.at[slot], sems.at[slot]).start()

        def wait_chunk(c, slot):
            pltpu.make_async_copy(
                tableT_hbm.at[pl.ds(d0, 8), pl.ds(v0 + c * _CHUNK, _CHUNK)],
                buf_v.at[slot], sems.at[slot]).wait()

        start_chunk(0, 0)
        start_chunk(1, 1)
        pltpu.sync_copy(idx_hbm, idx_v)

        def pre_body(i, cnt):
            for u in range(4):
                ii = i * 4 + u
                ids16 = idx_v[pl.ds(ii * _L, _L)]
                m = (ids16 >= q_lo) & (ids16 < q_hi)
                packed = lax.shift_left(ids16 - v0, 12) | (ii * _L + iota)
                plsc.store_compressed(pk_v.at[pl.ds(cnt, _L)], packed, mask=m)
                cnt = cnt + plsc.all_reduce_population_count(m)[0]
            return cnt

        cnt = lax.fori_loop(0, B // _L // 4, pre_body, jnp.int32(0))

        def process(c, slot, cnt):
            def re_body(j, ccnt):
                for u in range(4):
                    off = (j * 4 + u) * _L
                    lane_ok = iota < (cnt - off)
                    pk16 = pk_v[pl.ds(off, _L)]
                    m = (lax.shift_right_logical(pk16, _CSHIFT) == c) & lane_ok
                    plsc.store_compressed(cpk_v.at[pl.ds(ccnt, _L)], pk16,
                                          mask=m)
                    ccnt = ccnt + plsc.all_reduce_population_count(m)[0]
                return ccnt

            ccnt = lax.fori_loop(0, (cnt + 4 * _L - 1) // (4 * _L), re_body,
                                 jnp.int32(0))

            def hit_body(j, carry):
                off = j * _L
                lane_ok = iota < (ccnt - off)
                pk16 = cpk_v[pl.ds(off, _L)]
                vl = jnp.where(
                    lane_ok,
                    lax.shift_right_logical(pk16, 12) & (_CHUNK - 1), 0)
                p16 = jnp.where(lane_ok, pk16 & (B - 1), B + iota)
                for d in range(8):
                    dsplat = jnp.full((_L,), d, jnp.int32)
                    vals = plsc.load_gather(buf_v.at[slot], [dsplat, vl])
                    plsc.store_scatter(stage_v, [dsplat, p16], vals)
                return carry

            lax.fori_loop(0, (ccnt + _L - 1) // _L, hit_body, jnp.int32(0))

        def chunk_body(c, cnt):
            slot = lax.rem(c, 2)
            wait_chunk(c, slot)
            process(c, slot, cnt)

            @pl.when(c + 2 < n_full)
            def _():
                start_chunk(c + 2, slot)

            return cnt

        lax.fori_loop(0, n_full, chunk_body, cnt)

        t_lo = jnp.int32(n_full * _CHUNK)

        @pl.when(q < _NQ - 1)
        def _():
            pltpu.sync_copy(
                tableT_hbm.at[pl.ds(d0, 8),
                              pl.ds(v0 + n_full * _CHUNK, tail_a)],
                buf_v.at[0, :, pl.ds(0, tail_a)])
            process(jnp.int32(n_full), 0, cnt)

        @pl.when(q == _NQ - 1)
        def _():
            pltpu.sync_copy(
                tableT_hbm.at[pl.ds(d0, 8),
                              pl.ds(v0 + n_full * _CHUNK, 256)],
                buf_v.at[0, :, pl.ds(0, 256)])
            process(jnp.int32(n_full), 0, cnt)

        for qq, o in enumerate((o0, o1, o2, o3)):
            @pl.when(q == qq)
            def _(o=o):
                pltpu.sync_copy(stage_v.at[:, pl.ds(0, B)], o.at[pl.ds(d0, 8)])

    return gather_kernel


def kernel(node_ids, table):
    B = node_ids.shape[0]
    V, D = table.shape
    ids = node_ids.astype(jnp.int32)
    o0, o1, o2, o3 = _build(B, V, D)(ids, table.T)
    b = ids[None, :]
    outT = jnp.where(
        b < 25088, o0,
        jnp.where(b < 50176, o1, jnp.where(b < 75264, o2, o3)))
    return outT.T

# --- scband reference (transcript-rebuilt; emitter-appended) ---
"""Pipeline reference for scband-dynamic-node-embedding-model-62165356642900 (READ-ONLY COPY).

The authoritative reference and input builder live on the scoring server;
editing this copy changes nothing except your own understanding.
"""

import jax, jax.numpy as jnp
import numpy as np

VOCAB = 100000
EMBED_DIM = 64
BATCH = 4096

def setup_inputs(seed: int = 0) -> dict:
    key = jax.random.key(seed)
    k1, k2 = jax.random.split(key)
    node_ids = jax.random.randint(k1, (BATCH,), 0, VOCAB, dtype=jnp.int64 if jax.config.jax_enable_x64 else jnp.int32)
    # torch init: torch.randn(dim).uniform_(-1, 1) -> final values are uniform(-1, 1)
    table = jax.random.uniform(k2, (VOCAB, EMBED_DIM), dtype=jnp.float32, minval=-1.0, maxval=1.0)
    return {"node_ids": node_ids, "table": table}

def reference(node_ids, table):
    # Dynamic per-node embedding lookup: torch.stack([emb[str(i)] for i in ids])
    # is equivalent to a row gather from a dense table of all seen node embeddings.
    return jnp.take(table, node_ids, axis=0)

if __name__ == "__main__":
    import jax
    _d = setup_inputs()
    print(jax.jit(kernel)(*tuple(_d.values())))

</pallas_src>

<mosaic_0001>
#map = affine_map<(d0, d1) -> (0)>
#map1 = affine_map<(d0, d1) -> (0, 0)>
module attributes {stable_mosaic.version = 14 : i64} {
  func.func @gather_kernel(%arg0: i32, %arg1: i32, %arg2: memref<4096xi32, #tpu.memory_space<hbm>>, %arg3: memref<64x100000xf32, #tpu.memory_space<hbm>>, %arg4: memref<64x4096xf32, #tpu.memory_space<hbm>>, %arg5: memref<64x4096xf32, #tpu.memory_space<hbm>>, %arg6: memref<64x4096xf32, #tpu.memory_space<hbm>>, %arg7: memref<64x4096xf32, #tpu.memory_space<hbm>>, %arg8: memref<4096xi32, #tpu.memory_space<vmem>>, %arg9: memref<4096xi32, #tpu.memory_space<vmem>>, %arg10: memref<4096xi32, #tpu.memory_space<vmem>>, %arg11: memref<2x8x4096xf32, #tpu.memory_space<vmem>>, %arg12: memref<8x4112xf32, #tpu.memory_space<vmem>>, %arg13: memref<2x!tpu.dma_semaphore, #tpu.memory_space<semaphore_mem>>) attributes {dimension_semantics = [#tpu.dimension_semantics<core_parallel>, #tpu.dimension_semantics<subcore_parallel>], iteration_bounds = array<i64: 2, 16>, scalar_prefetch = 0 : i64, scratch_operands = 6 : i64, tpu.core_type = #tpu.core_type<sc_vector_subcore>, window_params = [{transform_indices = #map}, {transform_indices = #map1}, {transform_indices = #map1}, {transform_indices = #map1}, {transform_indices = #map1}, {transform_indices = #map1}]} {
    %mul3A = arith.constant 2 : i32
    %mul3A_0 = arith.muli %arg1, %mul3A : i32
    %add3A = arith.addi %mul3A_0, %arg0 : i32
    %rem3A = arith.constant 8 : i32
    %rem3A_1 = arith.remsi %add3A, %rem3A : i32
    %jit3A = arith.constant 8 : i32
    %div3A = arith.divsi %add3A, %jit3A : i32
    %sign3A = arith.constant 0 : i32
    %sign3A_2 = arith.cmpi sgt, %add3A, %sign3A : i32
    %sign3A_3 = arith.extui %sign3A_2 : i1 to i32
    %sign3A_4 = arith.constant 0 : i32
    %sign3A_5 = arith.cmpi slt, %add3A, %sign3A_4 : i32
    %sign3A_6 = arith.extui %sign3A_5 : i1 to i32
    %sign3A_7 = arith.subi %sign3A_3, %sign3A_6 : i32
    %sign3A_8 = arith.constant 0 : i32
    %sign3A_9 = arith.cmpi sgt, %jit3A, %sign3A_8 : i32
    %sign3A_10 = arith.extui %sign3A_9 : i1 to i32
    %sign3A_11 = arith.constant 0 : i32
    %sign3A_12 = arith.cmpi slt, %jit3A, %sign3A_11 : i32
    %sign3A_13 = arith.extui %sign3A_12 : i1 to i32
    %sign3A_14 = arith.subi %sign3A_10, %sign3A_13 : i32
    %ne3A = arith.cmpi ne, %sign3A_7, %sign3A_14 : i32
    %rem3A_15 = arith.remsi %add3A, %jit3A : i32
    %ne3A_16 = arith.constant 0 : i32
    %ne3A_17 = arith.cmpi ne, %rem3A_15, %ne3A_16 : i32
    %and3A = arith.andi %ne3A, %ne3A_17 : i1
    %sub3A = arith.constant 1 : i32
    %sub3A_18 = arith.subi %div3A, %sub3A : i32
    %select_n3A = arith.select %and3A, %sub3A_18, %div3A : i32
    %mul3A_19 = arith.constant 8 : i32
    %mul3A_20 = arith.muli %rem3A_1, %mul3A_19 : i32
    %multiple_of3A = tpu.assume_multiple %mul3A_20, 8 : i32
    %mul3A_21 = arith.constant 25088 : i32
    %mul3A_22 = arith.muli %mul3A_21, %select_n3A : i32
    %eq3A = arith.constant 3 : i32
    %eq3A_23 = arith.cmpi eq, %select_n3A, %eq3A : i32
    %add3A_24 = arith.constant 25088 : i32
    %add3A_25 = arith.addi %mul3A_22, %add3A_24 : i32
    %jit3A_26 = arith.constant 100000 : i32
    %select_n3A_27 = arith.select %eq3A_23, %jit3A_26, %add3A_25 : i32
    %multiple_of3A_28 = tpu.assume_multiple %mul3A_22, 128 : i32
    %iota3A = tpu.iota {dimensions = array<i32: 0>} : vector<16xi32>
    %add3A_29 = arith.constant 0 : i32
    %add3A_30 = arith.addi %multiple_of3A_28, %add3A_29 : i32
    %dma_start3A = arith.constant 0 : i32
    %dma_start3A_31 = arith.constant 0 : i32
    %dma_start3A_32 = arith.constant 0 : i32
    %dma_start3A_33 = arith.constant 0 : i32
    %dma_start3A_34 = tpu.memref_slice %arg11[%dma_start3A, %dma_start3A_32, %dma_start3A_33] : memref<2x8x4096xf32, #tpu.memory_space<vmem>> -> memref<1x8x4096xf32, #tpu.memory_space<vmem>>
    %dma_start3A_35 = tpu.memref_squeeze %dma_start3A_34 : memref<1x8x4096xf32, #tpu.memory_space<vmem>> -> memref<8x4096xf32, #tpu.memory_space<vmem>>
    %dma_start3A_36 = tpu.memref_slice %arg3[%multiple_of3A, %add3A_30] : memref<64x100000xf32, #tpu.memory_space<hbm>> -> memref<8x4096xf32, #tpu.memory_space<hbm>>
    %dma_start3A_37 = tpu.memref_slice %arg13[%dma_start3A_31] : memref<2x!tpu.dma_semaphore, #tpu.memory_space<semaphore_mem>> -> memref<1x!tpu.dma_semaphore, #tpu.memory_space<semaphore_mem>>
    %dma_start3A_38 = tpu.memref_squeeze %dma_start3A_37 : memref<1x!tpu.dma_semaphore, #tpu.memory_space<semaphore_mem>> -> memref<!tpu.dma_semaphore, #tpu.memory_space<semaphore_mem>>
    %dma_start3A_39 = arith.constant 0 : i32
    %dma_start3A_40 = arith.constant 0 : i32
    %dma_start3A_41 = tpu.memref_slice %arg11[%dma_start3A, %dma_start3A_39, %dma_start3A_40] : memref<2x8x4096xf32, #tpu.memory_space<vmem>> -> memref<1x8x4096xf32, #tpu.memory_space<vmem>>
    %dma_start3A_42 = tpu.memref_squeeze %dma_start3A_41 : memref<1x8x4096xf32, #tpu.memory_space<vmem>> -> memref<8x4096xf32, #tpu.memory_space<vmem>>
    %dma_start3A_43 = tpu.memref_slice %arg3[%multiple_of3A, %add3A_30] : memref<64x100000xf32, #tpu.memory_space<hbm>> -> memref<8x4096xf32, #tpu.memory_space<hbm>>
    tpu.enqueue_dma source(%dma_start3A_43 : memref<8x4096xf32, #tpu.memory_space<hbm>>) target(%dma_start3A_42 : memref<8x4096xf32, #tpu.memory_space<vmem>>) target_semaphore(%dma_start3A_38 : memref<!tpu.dma_semaphore, #tpu.memory_space<semaphore_mem>>)
    %add3A_44 = arith.constant 4096 : i32
    %add3A_45 = arith.addi %multiple_of3A_28, %add3A_44 : i32
    %dma_start3A_46 = arith.constant 1 : i32
    %dma_start3A_47 = arith.constant 1 : i32
    %dma_start3A_48 = arith.constant 0 : i32
    %dma_start3A_49 = arith.constant 0 : i32
    %dma_start3A_50 = tpu.memref_slice %arg11[%dma_start3A_46, %dma_start3A_48, %dma_start3A_49] : memref<2x8x4096xf32, #tpu.memory_space<vmem>> -> memref<1x8x4096xf32, #tpu.memory_space<vmem>>
    %dma_start3A_51 = tpu.memref_squeeze %dma_start3A_50 : memref<1x8x4096xf32, #tpu.memory_space<vmem>> -> memref<8x4096xf32, #tpu.memory_space<vmem>>
    %dma_start3A_52 = tpu.memref_slice %arg3[%multiple_of3A, %add3A_45] : memref<64x100000xf32, #tpu.memory_space<hbm>> -> memref<8x4096xf32, #tpu.memory_space<hbm>>
    %dma_start3A_53 = tpu.memref_slice %arg13[%dma_start3A_47] : memref<2x!tpu.dma_semaphore, #tpu.memory_space<semaphore_mem>> -> memref<1x!tpu.dma_semaphore, #tpu.memory_space<semaphore_mem>>
    %dma_start3A_54 = tpu.memref_squeeze %dma_start3A_53 : memref<1x!tpu.dma_semaphore, #tpu.memory_space<semaphore_mem>> -> memref<!tpu.dma_semaphore, #tpu.memory_space<semaphore_mem>>
    %dma_start3A_55 = arith.constant 0 : i32
    %dma_start3A_56 = arith.constant 0 : i32
    %dma_start3A_57 = tpu.memref_slice %arg11[%dma_start3A_46, %dma_start3A_55, %dma_start3A_56] : memref<2x8x4096xf32, #tpu.memory_space<vmem>> -> memref<1x8x4096xf32, #tpu.memory_space<vmem>>
    %dma_start3A_58 = tpu.memref_squeeze %dma_start3A_57 : memref<1x8x4096xf32, #tpu.memory_space<vmem>> -> memref<8x4096xf32, #tpu.memory_space<vmem>>
    %dma_start3A_59 = tpu.memref_slice %arg3[%multiple_of3A, %add3A_45] : memref<64x100000xf32, #tpu.memory_space<hbm>> -> memref<8x4096xf32, #tpu.memory_space<hbm>>
    tpu.enqueue_dma source(%dma_start3A_59 : memref<8x4096xf32, #tpu.memory_space<hbm>>) target(%dma_start3A_58 : memref<8x4096xf32, #tpu.memory_space<vmem>>) target_semaphore(%dma_start3A_54 : memref<!tpu.dma_semaphore, #tpu.memory_space<semaphore_mem>>)
    "tpu.region"() ({
      %run_scoped3A = tpu.sem_alloc : memref<!tpu.dma_semaphore, #tpu.memory_space<semaphore_mem>>
      tpu.enqueue_dma source(%arg2 : memref<4096xi32, #tpu.memory_space<hbm>>) target(%arg8 : memref<4096xi32, #tpu.memory_space<vmem>>) target_semaphore(%run_scoped3A : memref<!tpu.dma_semaphore, #tpu.memory_space<semaphore_mem>>)
      tpu.wait_dma2 semaphore(%run_scoped3A : memref<!tpu.dma_semaphore, #tpu.memory_space<semaphore_mem>>) src(%arg2 : memref<4096xi32, #tpu.memory_space<hbm>>) dst(%arg8 : memref<4096xi32, #tpu.memory_space<vmem>>)
      tpu.yield
    }) : () -> ()
    %scan3A = arith.constant 0 : i32
    %scan3A_60 = arith.constant 0 : i32
    %scan3A_61 = arith.constant 64 : i32
    %scan3A_62 = arith.addi %scan3A_60, %scan3A_61 : i32
    %scan3A_63 = arith.constant 1 : i32
    %scan3A_64 = scf.for %scan3A_98 = %scan3A_60 to %scan3A_62 step %scan3A_63 iter_args(%scan3A_99 = %scan3A) -> (i32)  : i32 {
      %mul3A_100 = arith.constant 4 : i32
      %mul3A_101 = arith.muli %scan3A_98, %mul3A_100 : i32
      %add3A_102 = arith.constant 0 : i32
      %add3A_103 = arith.addi %mul3A_101, %add3A_102 : i32
      %mul3A_104 = arith.constant 16 : i32
      %mul3A_105 = arith.muli %add3A_103, %mul3A_104 : i32
      %get3A = arith.index_cast %mul3A_105 : i32 to index
      %get3A_106 = tpu.vector_load %arg8[%get3A] {strides = array<i32>} : memref<4096xi32, #tpu.memory_space<vmem>>, vector<16xi32>,
      %ge3A = vector.broadcast %mul3A_22 : i32 to vector<16xi32>
      %ge3A_107 = arith.cmpi sge, %get3A_106, %ge3A : vector<16xi32>
      %lt3A_108 = vector.broadcast %select_n3A_27 : i32 to vector<16xi32>
      %lt3A_109 = arith.cmpi slt, %get3A_106, %lt3A_108 : vector<16xi32>
      %and3A_110 = arith.andi %ge3A_107, %lt3A_109 : vector<16xi1>
      %sub3A_111 = vector.broadcast %multiple_of3A_28 : i32 to vector<16xi32>
      %sub3A_112 = arith.subi %get3A_106, %sub3A_111 : vector<16xi32>
      %shift_left3A = arith.constant 12 : i32
      %shift_left3A_113 = vector.broadcast %shift_left3A : i32 to vector<16xi32>
      %shift_left3A_114 = arith.shli %sub3A_112, %shift_left3A_113 : vector<16xi32>
      %mul3A_115 = arith.constant 16 : i32
      %mul3A_116 = arith.muli %add3A_103, %mul3A_115 : i32
      %add3A_117 = vector.broadcast %mul3A_116 : i32 to vector<16xi32>
      %add3A_118 = arith.addi %add3A_117, %iota3A : vector<16xi32>
      %or3A = arith.ori %shift_left3A_114, %add3A_118 : vector<16xi32>
      %swap3A = arith.index_cast %scan3A_99 : i32 to index
      %swap3A_119 = tpu.vector_load %arg9[%swap3A] masked %and3A_110 {strides = array<i32>} : memref<4096xi32, #tpu.memory_space<vmem>>, vector<16xi32>, vector<16xi1>
      tpu.vector_store %arg9[%swap3A], %or3A masked %and3A_110 {strides = array<i32>} : memref<4096xi32, #tpu.memory_space<vmem>>, vector<16xi32>, vector<16xi1>
      %all_reduce_population_count3A = tpu.all_reduce %and3A_110 {dim = 0 : i64, kind = #tpu.reduction_kind<sum>} : vector<16xi1> -> vector<16xi32>
      %slice3A = vector.extract_strided_slice %all_reduce_population_count3A {offsets = [0], sizes = [1], strides = [1]} : vector<16xi32> to vector<1xi32>
      %squeeze3A = vector.extract %slice3A[0] : i32 from vector<1xi32>
      %add3A_120 = arith.addi %scan3A_99, %squeeze3A : i32
      %mul3A_121 = arith.constant 4 : i32
      %mul3A_122 = arith.muli %scan3A_98, %mul3A_121 : i32
      %add3A_123 = arith.constant 1 : i32
      %add3A_124 = arith.addi %mul3A_122, %add3A_123 : i32
      %mul3A_125 = arith.constant 16 : i32
      %mul3A_126 = arith.muli %add3A_124, %mul3A_125 : i32
      %get3A_127 = arith.index_cast %mul3A_126 : i32 to index
      %get3A_128 = tpu.vector_load %arg8[%get3A_127] {strides = array<i32>} : memref<4096xi32, #tpu.memory_space<vmem>>, vector<16xi32>,
      %ge3A_129 = vector.broadcast %mul3A_22 : i32 to vector<16xi32>
      %ge3A_130 = arith.cmpi sge, %get3A_128, %ge3A_129 : vector<16xi32>
      %lt3A_131 = vector.broadcast %select_n3A_27 : i32 to vector<16xi32>
      %lt3A_132 = arith.cmpi slt, %get3A_128, %lt3A_131 : vector<16xi32>
      %and3A_133 = arith.andi %ge3A_130, %lt3A_132 : vector<16xi1>
      %sub3A_134 = vector.broadcast %multiple_of3A_28 : i32 to vector<16xi32>
      %sub3A_135 = arith.subi %get3A_128, %sub3A_134 : vector<16xi32>
      %shift_left3A_136 = arith.constant 12 : i32
      %shift_left3A_137 = vector.broadcast %shift_left3A_136 : i32 to vector<16xi32>
      %shift_left3A_138 = arith.shli %sub3A_135, %shift_left3A_137 : vector<16xi32>
      %mul3A_139 = arith.constant 16 : i32
      %mul3A_140 = arith.muli %add3A_124, %mul3A_139 : i32
      %add3A_141 = vector.broadcast %mul3A_140 : i32 to vector<16xi32>
      %add3A_142 = arith.addi %add3A_141, %iota3A : vector<16xi32>
      %or3A_143 = arith.ori %shift_left3A_138, %add3A_142 : vector<16xi32>
      %swap3A_144 = arith.index_cast %add3A_120 : i32 to index
      %swap3A_145 = tpu.vector_load %arg9[%swap3A_144] masked %and3A_133 {strides = array<i32>} : memref<4096xi32, #tpu.memory_space<vmem>>, vector<16xi32>, vector<16xi1>
      tpu.vector_store %arg9[%swap3A_144], %or3A_143 masked %and3A_133 {strides = array<i32>} : memref<4096xi32, #tpu.memory_space<vmem>>, vector<16xi32>, vector<16xi1>
      %all_reduce_population_count3A_146 = tpu.all_reduce %and3A_133 {dim = 0 : i64, kind = #tpu.reduction_kind<sum>} : vector<16xi1> -> vector<16xi32>
      %slice3A_147 = vector.extract_strided_slice %all_reduce_population_count3A_146 {offsets = [0], sizes = [1], strides = [1]} : vector<16xi32> to vector<1xi32>
      %squeeze3A_148 = vector.extract %slice3A_147[0] : i32 from vector<1xi32>
      %add3A_149 = arith.addi %add3A_120, %squeeze3A_148 : i32
      %mul3A_150 = arith.constant 4 : i32
      %mul3A_151 = arith.muli %scan3A_98, %mul3A_150 : i32
      %add3A_152 = arith.constant 2 : i32
      %add3A_153 = arith.addi %mul3A_151, %add3A_152 : i32
      %mul3A_154 = arith.constant 16 : i32
      %mul3A_155 = arith.muli %add3A_153, %mul3A_154 : i32
      %get3A_156 = arith.index_cast %mul3A_155 : i32 to index
      %get3A_157 = tpu.vector_load %arg8[%get3A_156] {strides = array<i32>} : memref<4096xi32, #tpu.memory_space<vmem>>, vector<16xi32>,
      %ge3A_158 = vector.broadcast %mul3A_22 : i32 to vector<16xi32>
      %ge3A_159 = arith.cmpi sge, %get3A_157, %ge3A_158 : vector<16xi32>
      %lt3A_160 = vector.broadcast %select_n3A_27 : i32 to vector<16xi32>
      %lt3A_161 = arith.cmpi slt, %get3A_157, %lt3A_160 : vector<16xi32>
      %and3A_162 = arith.andi %ge3A_159, %lt3A_161 : vector<16xi1>
      %sub3A_163 = vector.broadcast %multiple_of3A_28 : i32 to vector<16xi32>
      %sub3A_164 = arith.subi %get3A_157, %sub3A_163 : vector<16xi32>
      %shift_left3A_165 = arith.constant 12 : i32
      %shift_left3A_166 = vector.broadcast %shift_left3A_165 : i32 to vector<16xi32>
      %shift_left3A_167 = arith.shli %sub3A_164, %shift_left3A_166 : vector<16xi32>
      %mul3A_168 = arith.constant 16 : i32
      %mul3A_169 = arith.muli %add3A_153, %mul3A_168 : i32
      %add3A_170 = vector.broadcast %mul3A_169 : i32 to vector<16xi32>
      %add3A_171 = arith.addi %add3A_170, %iota3A : vector<16xi32>
      %or3A_172 = arith.ori %shift_left3A_167, %add3A_171 : vector<16xi32>
      %swap3A_173 = arith.index_cast %add3A_149 : i32 to index
      %swap3A_174 = tpu.vector_load %arg9[%swap3A_173] masked %and3A_162 {strides = array<i32>} : memref<4096xi32, #tpu.memory_space<vmem>>, vector<16xi32>, vector<16xi1>
      tpu.vector_store %arg9[%swap3A_173], %or3A_172 masked %and3A_162 {strides = array<i32>} : memref<4096xi32, #tpu.memory_space<vmem>>, vector<16xi32>, vector<16xi1>
      %all_reduce_population_count3A_175 = tpu.all_reduce %and3A_162 {dim = 0 : i64, kind = #tpu.reduction_kind<sum>} : vector<16xi1> -> vector<16xi32>
      %slice3A_176 = vector.extract_strided_slice %all_reduce_population_count3A_175 {offsets = [0], sizes = [1], strides = [1]} : vector<16xi32> to vector<1xi32>
      %squeeze3A_177 = vector.extract %slice3A_176[0] : i32 from vector<1xi32>
      %add3A_178 = arith.addi %add3A_149, %squeeze3A_177 : i32
      %mul3A_179 = arith.constant 4 : i32
      %mul3A_180 = arith.muli %scan3A_98, %mul3A_179 : i32
      %add3A_181 = arith.constant 3 : i32
      %add3A_182 = arith.addi %mul3A_180, %add3A_181 : i32
      %mul3A_183 = arith.constant 16 : i32
      %mul3A_184 = arith.muli %add3A_182, %mul3A_183 : i32
      %get3A_185 = arith.index_cast %mul3A_184 : i32 to index
      %get3A_186 = tpu.vector_load %arg8[%get3A_185] {strides = array<i32>} : memref<4096xi32, #tpu.memory_space<vmem>>, vector<16xi32>,
      %ge3A_187 = vector.broadcast %mul3A_22 : i32 to vector<16xi32>
      %ge3A_188 = arith.cmpi sge, %get3A_186, %ge3A_187 : vector<16xi32>
      %lt3A_189 = vector.broadcast %select_n3A_27 : i32 to vector<16xi32>
      %lt3A_190 = arith.cmpi slt, %get3A_186, %lt3A_189 : vector<16xi32>
      %and3A_191 = arith.andi %ge3A_188, %lt3A_190 : vector<16xi1>
      %sub3A_192 = vector.broadcast %multiple_of3A_28 : i32 to vector<16xi32>
      %sub3A_193 = arith.subi %get3A_186, %sub3A_192 : vector<16xi32>
      %shift_left3A_194 = arith.constant 12 : i32
      %shift_left3A_195 = vector.broadcast %shift_left3A_194 : i32 to vector<16xi32>
      %shift_left3A_196 = arith.shli %sub3A_193, %shift_left3A_195 : vector<16xi32>
      %mul3A_197 = arith.constant 16 : i32
      %mul3A_198 = arith.muli %add3A_182, %mul3A_197 : i32
      %add3A_199 = vector.broadcast %mul3A_198 : i32 to vector<16xi32>
      %add3A_200 = arith.addi %add3A_199, %iota3A : vector<16xi32>
      %or3A_201 = arith.ori %shift_left3A_196, %add3A_200 : vector<16xi32>
      %swap3A_202 = arith.index_cast %add3A_178 : i32 to index
      %swap3A_203 = tpu.vector_load %arg9[%swap3A_202] masked %and3A_191 {strides = array<i32>} : memref<4096xi32, #tpu.memory_space<vmem>>, vector<16xi32>, vector<16xi1>
      tpu.vector_store %arg9[%swap3A_202], %or3A_201 masked %and3A_191 {strides = array<i32>} : memref<4096xi32, #tpu.memory_space<vmem>>, vector<16xi32>, vector<16xi1>
      %all_reduce_population_count3A_204 = tpu.all_reduce %and3A_191 {dim = 0 : i64, kind = #tpu.reduction_kind<sum>} : vector<16xi1> -> vector<16xi32>
      %slice3A_205 = vector.extract_strided_slice %all_reduce_population_count3A_204 {offsets = [0], sizes = [1], strides = [1]} : vector<16xi32> to vector<1xi32>
      %squeeze3A_206 = vector.extract %slice3A_205[0] : i32 from vector<1xi32>
      %add3A_207 = arith.addi %add3A_178, %squeeze3A_206 : i32
      scf.yield %add3A_207 : i32
    }
    %scan3A_65 = arith.constant 64 : i32
    %scan3A_66 = arith.constant 0 : i32
    %scan3A_67 = arith.constant 6 : i32
    %scan3A_68 = arith.addi %scan3A_66, %scan3A_67 : i32
    %scan3A_69 = arith.constant 1 : i32
    scf.for %scan3A_98 = %scan3A_66 to %scan3A_68 step %scan3A_69  : i32 {
      %rem3A_99 = arith.constant 2 : i32
      %rem3A_100 = arith.remsi %scan3A_98, %rem3A_99 : i32
      %mul3A_101 = arith.constant 4096 : i32
      %mul3A_102 = arith.muli %scan3A_98, %mul3A_101 : i32
      %add3A_103 = arith.addi %multiple_of3A_28, %mul3A_102 : i32
      %dma_wait3A = arith.constant 0 : i32
      %dma_wait3A_104 = arith.constant 0 : i32
      %dma_wait3A_105 = tpu.memref_slice %arg11[%rem3A_100, %dma_wait3A, %dma_wait3A_104] : memref<2x8x4096xf32, #tpu.memory_space<vmem>> -> memref<1x8x4096xf32, #tpu.memory_space<vmem>>
      %dma_wait3A_106 = tpu.memref_squeeze %dma_wait3A_105 : memref<1x8x4096xf32, #tpu.memory_space<vmem>> -> memref<8x4096xf32, #tpu.memory_space<vmem>>
      %dma_wait3A_107 = tpu.memref_slice %arg3[%multiple_of3A, %add3A_103] : memref<64x100000xf32, #tpu.memory_space<hbm>> -> memref<8x4096xf32, #tpu.memory_space<hbm>>
      %dma_wait3A_108 = tpu.memref_slice %arg13[%rem3A_100] : memref<2x!tpu.dma_semaphore, #tpu.memory_space<semaphore_mem>> -> memref<1x!tpu.dma_semaphore, #tpu.memory_space<semaphore_mem>>
      %dma_wait3A_109 = tpu.memref_squeeze %dma_wait3A_108 : memref<1x!tpu.dma_semaphore, #tpu.memory_space<semaphore_mem>> -> memref<!tpu.dma_semaphore, #tpu.memory_space<semaphore_mem>>
      %dma_wait3A_110 = arith.constant 0 : i32
      %dma_wait3A_111 = arith.constant 0 : i32
      %dma_wait3A_112 = tpu.memref_slice %arg11[%rem3A_100, %dma_wait3A_110, %dma_wait3A_111] : memref<2x8x4096xf32, #tpu.memory_space<vmem>> -> memref<1x8x4096xf32, #tpu.memory_space<vmem>>
      %dma_wait3A_113 = tpu.memref_squeeze %dma_wait3A_112 : memref<1x8x4096xf32, #tpu.memory_space<vmem>> -> memref<8x4096xf32, #tpu.memory_space<vmem>>
      %dma_wait3A_114 = tpu.memref_slice %arg3[%multiple_of3A, %add3A_103] : memref<64x100000xf32, #tpu.memory_space<hbm>> -> memref<8x4096xf32, #tpu.memory_space<hbm>>
      tpu.wait_dma2 semaphore(%dma_wait3A_109 : memref<!tpu.dma_semaphore, #tpu.memory_space<semaphore_mem>>) src(%dma_wait3A_114 : memref<8x4096xf32, #tpu.memory_space<hbm>>) dst(%dma_wait3A_113 : memref<8x4096xf32, #tpu.memory_space<vmem>>)
      %add3A_115 = arith.constant 64 : i32
      %add3A_116 = arith.addi %scan3A_64, %add3A_115 : i32
      %sub3A_117 = arith.constant 1 : i32
      %sub3A_118 = arith.subi %add3A_116, %sub3A_117 : i32
      %jit3A_119 = arith.constant 64 : i32
      %div3A_120 = arith.divsi %sub3A_118, %jit3A_119 : i32
      %sign3A_121 = arith.constant 0 : i32
      %sign3A_122 = arith.cmpi sgt, %sub3A_118, %sign3A_121 : i32
      %sign3A_123 = arith.extui %sign3A_122 : i1 to i32
      %sign3A_124 = arith.constant 0 : i32
      %sign3A_125 = arith.cmpi slt, %sub3A_118, %sign3A_124 : i32
      %sign3A_126 = arith.extui %sign3A_125 : i1 to i32
      %sign3A_127 = arith.subi %sign3A_123, %sign3A_126 : i32
      %sign3A_128 = arith.constant 0 : i32
      %sign3A_129 = arith.cmpi sgt, %jit3A_119, %sign3A_128 : i32
      %sign3A_130 = arith.extui %sign3A_129 : i1 to i32
      %sign3A_131 = arith.constant 0 : i32
      %sign3A_132 = arith.cmpi slt, %jit3A_119, %sign3A_131 : i32
      %sign3A_133 = arith.extui %sign3A_132 : i1 to i32
      %sign3A_134 = arith.subi %sign3A_130, %sign3A_133 : i32
      %ne3A_135 = arith.cmpi ne, %sign3A_127, %sign3A_134 : i32
      %rem3A_136 = arith.remsi %sub3A_118, %jit3A_119 : i32
      %ne3A_137 = arith.constant 0 : i32
      %ne3A_138 = arith.cmpi ne, %rem3A_136, %ne3A_137 : i32
      %and3A_139 = arith.andi %ne3A_135, %ne3A_138 : i1
      %sub3A_140 = arith.constant 1 : i32
      %sub3A_141 = arith.subi %div3A_120, %sub3A_140 : i32
      %select_n3A_142 = arith.select %and3A_139, %sub3A_141, %div3A_120 : i32
      %while3A = arith.constant 0 : i32
      %while3A_143 = arith.constant 0 : i32
      %while3A_144 = arith.subi %select_n3A_142, %while3A : i32
      %while3A_145 = arith.addi %while3A, %while3A_144 : i32
      %while3A_146 = arith.constant 1 : i32
      %while3A_147 = arith.divsi %while3A_144, %while3A_146 : i32
      %while3A_148 = arith.muli %while3A_147, %while3A_146 : i32
      %while3A_149 = arith.addi %while3A, %while3A_148 : i32
      %while3A_150 = arith.constant 1 : i32
      %while3A_151 = scf.for %while3A_199 = %while3A to %while3A_149 step %while3A_150 iter_args(%while3A_200 = %while3A_143) -> (i32)  : i32 {
        %mul3A_201 = arith.constant 4 : i32
        %mul3A_202 = arith.muli %while3A_199, %mul3A_201 : i32
        %add3A_203 = arith.constant 0 : i32
        %add3A_204 = arith.addi %mul3A_202, %add3A_203 : i32
        %mul3A_205 = arith.constant 16 : i32
        %mul3A_206 = arith.muli %add3A_204, %mul3A_205 : i32
        %sub3A_207 = arith.subi %scan3A_64, %mul3A_206 : i32
        %lt3A_208 = vector.broadcast %sub3A_207 : i32 to vector<16xi32>
        %lt3A_209 = arith.cmpi slt, %iota3A, %lt3A_208 : vector<16xi32>
        %get3A = arith.index_cast %mul3A_206 : i32 to index
        %get3A_210 = tpu.vector_load %arg9[%get3A] {strides = array<i32>} : memref<4096xi32, #tpu.memory_space<vmem>>, vector<16xi32>,
        %shift_right_logical3A = arith.constant 24 : i32
        %shift_right_logical3A_211 = vector.broadcast %shift_right_logical3A : i32 to vector<16xi32>
        %shift_right_logical3A_212 = arith.shrui %get3A_210, %shift_right_logical3A_211 : vector<16xi32>
        %eq3A_213 = vector.broadcast %scan3A_98 : i32 to vector<16xi32>
        %eq3A_214 = arith.cmpi eq, %shift_right_logical3A_212, %eq3A_213 : vector<16xi32>
        %and3A_215 = arith.andi %eq3A_214, %lt3A_209 : vector<16xi1>
        %swap3A = arith.index_cast %while3A_200 : i32 to index
        %swap3A_216 = tpu.vector_load %arg10[%swap3A] masked %and3A_215 {strides = array<i32>} : memref<4096xi32, #tpu.memory_space<vmem>>, vector<16xi32>, vector<16xi1>
        tpu.vector_store %arg10[%swap3A], %get3A_210 masked %and3A_215 {strides = array<i32>} : memref<4096xi32, #tpu.memory_space<vmem>>, vector<16xi32>, vector<16xi1>
        %all_reduce_population_count3A = tpu.all_reduce %and3A_215 {dim = 0 : i64, kind = #tpu.reduction_kind<sum>} : vector<16xi1> -> vector<16xi32>
        %slice3A = vector.extract_strided_slice %all_reduce_population_count3A {offsets = [0], sizes = [1], strides = [1]} : vector<16xi32> to vector<1xi32>
        %squeeze3A = vector.extract %slice3A[0] : i32 from vector<1xi32>
        %add3A_217 = arith.addi %while3A_200, %squeeze3A : i32
        %mul3A_218 = arith.constant 4 : i32
        %mul3A_219 = arith.muli %while3A_199, %mul3A_218 : i32
        %add3A_220 = arith.constant 1 : i32
        %add3A_221 = arith.addi %mul3A_219, %add3A_220 : i32
        %mul3A_222 = arith.constant 16 : i32
        %mul3A_223 = arith.muli %add3A_221, %mul3A_222 : i32
        %sub3A_224 = arith.subi %scan3A_64, %mul3A_223 : i32
        %lt3A_225 = vector.broadcast %sub3A_224 : i32 to vector<16xi32>
        %lt3A_226 = arith.cmpi slt, %iota3A, %lt3A_225 : vector<16xi32>
        %get3A_227 = arith.index_cast %mul3A_223 : i32 to index
        %get3A_228 = tpu.vector_load %arg9[%get3A_227] {strides = array<i32>} : memref<4096xi32, #tpu.memory_space<vmem>>, vector<16xi32>,
        %shift_right_logical3A_229 = arith.constant 24 : i32
        %shift_right_logical3A_230 = vector.broadcast %shift_right_logical3A_229 : i32 to vector<16xi32>
        %shift_right_logical3A_231 = arith.shrui %get3A_228, %shift_right_logical3A_230 : vector<16xi32>
        %eq3A_232 = vector.broadcast %scan3A_98 : i32 to vector<16xi32>
        %eq3A_233 = arith.cmpi eq, %shift_right_logical3A_231, %eq3A_232 : vector<16xi32>
        %and3A_234 = arith.andi %eq3A_233, %lt3A_226 : vector<16xi1>
        %swap3A_235 = arith.index_cast %add3A_217 : i32 to index
        %swap3A_236 = tpu.vector_load %arg10[%swap3A_235] masked %and3A_234 {strides = array<i32>} : memref<4096xi32, #tpu.memory_space<vmem>>, vector<16xi32>, vector<16xi1>
        tpu.vector_store %arg10[%swap3A_235], %get3A_228 masked %and3A_234 {strides = array<i32>} : memref<4096xi32, #tpu.memory_space<vmem>>, vector<16xi32>, vector<16xi1>
        %all_reduce_population_count3A_237 = tpu.all_reduce %and3A_234 {dim = 0 : i64, kind = #tpu.reduction_kind<sum>} : vector<16xi1> -> vector<16xi32>
        %slice3A_238 = vector.extract_strided_slice %all_reduce_population_count3A_237 {offsets = [0], sizes = [1], strides = [1]} : vector<16xi32> to vector<1xi32>
        %squeeze3A_239 = vector.extract %slice3A_238[0] : i32 from vector<1xi32>
        %add3A_240 = arith.addi %add3A_217, %squeeze3A_239 : i32
        %mul3A_241 = arith.constant 4 : i32
        %mul3A_242 = arith.muli %while3A_199, %mul3A_241 : i32
        %add3A_243 = arith.constant 2 : i32
        %add3A_244 = arith.addi %mul3A_242, %add3A_243 : i32
        %mul3A_245 = arith.constant 16 : i32
        %mul3A_246 = arith.muli %add3A_244, %mul3A_245 : i32
        %sub3A_247 = arith.subi %scan3A_64, %mul3A_246 : i32
        %lt3A_248 = vector.broadcast %sub3A_247 : i32 to vector<16xi32>
        %lt3A_249 = arith.cmpi slt, %iota3A, %lt3A_248 : vector<16xi32>
        %get3A_250 = arith.index_cast %mul3A_246 : i32 to index
        %get3A_251 = tpu.vector_load %arg9[%get3A_250] {strides = array<i32>} : memref<4096xi32, #tpu.memory_space<vmem>>, vector<16xi32>,
        %shift_right_logical3A_252 = arith.constant 24 : i32
        %shift_right_logical3A_253 = vector.broadcast %shift_right_logical3A_252 : i32 to vector<16xi32>
        %shift_right_logical3A_254 = arith.shrui %get3A_251, %shift_right_logical3A_253 : vector<16xi32>
        %eq3A_255 = vector.broadcast %scan3A_98 : i32 to vector<16xi32>
        %eq3A_256 = arith.cmpi eq, %shift_right_logical3A_254, %eq3A_255 : vector<16xi32>
        %and3A_257 = arith.andi %eq3A_256, %lt3A_249 : vector<16xi1>
        %swap3A_258 = arith.index_cast %add3A_240 : i32 to index
        %swap3A_259 = tpu.vector_load %arg10[%swap3A_258] masked %and3A_257 {strides = array<i32>} : memref<4096xi32, #tpu.memory_space<vmem>>, vector<16xi32>, vector<16xi1>
        tpu.vector_store %arg10[%swap3A_258], %get3A_251 masked %and3A_257 {strides = array<i32>} : memref<4096xi32, #tpu.memory_space<vmem>>, vector<16xi32>, vector<16xi1>
        %all_reduce_population_count3A_260 = tpu.all_reduce %and3A_257 {dim = 0 : i64, kind = #tpu.reduction_kind<sum>} : vector<16xi1> -> vector<16xi32>
        %slice3A_261 = vector.extract_strided_slice %all_reduce_population_count3A_260 {offsets = [0], sizes = [1], strides = [1]} : vector<16xi32> to vector<1xi32>
        %squeeze3A_262 = vector.extract %slice3A_261[0] : i32 from vector<1xi32>
        %add3A_263 = arith.addi %add3A_240, %squeeze3A_262 : i32
        %mul3A_264 = arith.constant 4 : i32
        %mul3A_265 = arith.muli %while3A_199, %mul3A_264 : i32
        %add3A_266 = arith.constant 3 : i32
        %add3A_267 = arith.addi %mul3A_265, %add3A_266 : i32
        %mul3A_268 = arith.constant 16 : i32
        %mul3A_269 = arith.muli %add3A_267, %mul3A_268 : i32
        %sub3A_270 = arith.subi %scan3A_64, %mul3A_269 : i32
        %lt3A_271 = vector.broadcast %sub3A_270 : i32 to vector<16xi32>
        %lt3A_272 = arith.cmpi slt, %iota3A, %lt3A_271 : vector<16xi32>
        %get3A_273 = arith.index_cast %mul3A_269 : i32 to index
        %get3A_274 = tpu.vector_load %arg9[%get3A_273] {strides = array<i32>} : memref<4096xi32, #tpu.memory_space<vmem>>, vector<16xi32>,
        %shift_right_logical3A_275 = arith.constant 24 : i32
        %shift_right_logical3A_276 = vector.broadcast %shift_right_logical3A_275 : i32 to vector<16xi32>
        %shift_right_logical3A_277 = arith.shrui %get3A_274, %shift_right_logical3A_276 : vector<16xi32>
        %eq3A_278 = vector.broadcast %scan3A_98 : i32 to vector<16xi32>
        %eq3A_279 = arith.cmpi eq, %shift_right_logical3A_277, %eq3A_278 : vector<16xi32>
        %and3A_280 = arith.andi %eq3A_279, %lt3A_272 : vector<16xi1>
        %swap3A_281 = arith.index_cast %add3A_263 : i32 to index
        %swap3A_282 = tpu.vector_load %arg10[%swap3A_281] masked %and3A_280 {strides = array<i32>} : memref<4096xi32, #tpu.memory_space<vmem>>, vector<16xi32>, vector<16xi1>
        tpu.vector_store %arg10[%swap3A_281], %get3A_274 masked %and3A_280 {strides = array<i32>} : memref<4096xi32, #tpu.memory_space<vmem>>, vector<16xi32>, vector<16xi1>
        %all_reduce_population_count3A_283 = tpu.all_reduce %and3A_280 {dim = 0 : i64, kind = #tpu.reduction_kind<sum>} : vector<16xi1> -> vector<16xi32>
        %slice3A_284 = vector.extract_strided_slice %all_reduce_population_count3A_283 {offsets = [0], sizes = [1], strides = [1]} : vector<16xi32> to vector<1xi32>
        %squeeze3A_285 = vector.extract %slice3A_284[0] : i32 from vector<1xi32>
        %add3A_286 = arith.addi %add3A_263, %squeeze3A_285 : i32
        scf.yield %add3A_286 : i32
      }
      %while3A_152 = arith.constant 1 : i32
      %while3A_153 = scf.for %while3A_199 = %while3A_149 to %while3A_145 step %while3A_152 iter_args(%while3A_200 = %while3A_151) -> (i32)  : i32 {
        %mul3A_201 = arith.constant 4 : i32
        %mul3A_202 = arith.muli %while3A_199, %mul3A_201 : i32
        %add3A_203 = arith.constant 0 : i32
        %add3A_204 = arith.addi %mul3A_202, %add3A_203 : i32
        %mul3A_205 = arith.constant 16 : i32
        %mul3A_206 = arith.muli %add3A_204, %mul3A_205 : i32
        %sub3A_207 = arith.subi %scan3A_64, %mul3A_206 : i32
        %lt3A_208 = vector.broadcast %sub3A_207 : i32 to vector<16xi32>
        %lt3A_209 = arith.cmpi slt, %iota3A, %lt3A_208 : vector<16xi32>
        %get3A = arith.index_cast %mul3A_206 : i32 to index
        %get3A_210 = tpu.vector_load %arg9[%get3A] {strides = array<i32>} : memref<4096xi32, #tpu.memory_space<vmem>>, vector<16xi32>,
        %shift_right_logical3A = arith.constant 24 : i32
        %shift_right_logical3A_211 = vector.broadcast %shift_right_logical3A : i32 to vector<16xi32>
        %shift_right_logical3A_212 = arith.shrui %get3A_210, %shift_right_logical3A_211 : vector<16xi32>
        %eq3A_213 = vector.broadcast %scan3A_98 : i32 to vector<16xi32>
        %eq3A_214 = arith.cmpi eq, %shift_right_logical3A_212, %eq3A_213 : vector<16xi32>
        %and3A_215 = arith.andi %eq3A_214, %lt3A_209 : vector<16xi1>
        %swap3A = arith.index_cast %while3A_200 : i32 to index
        %swap3A_216 = tpu.vector_load %arg10[%swap3A] masked %and3A_215 {strides = array<i32>} : memref<4096xi32, #tpu.memory_space<vmem>>, vector<16xi32>, vector<16xi1>
        tpu.vector_store %arg10[%swap3A], %get3A_210 masked %and3A_215 {strides = array<i32>} : memref<4096xi32, #tpu.memory_space<vmem>>, vector<16xi32>, vector<16xi1>
        %all_reduce_population_count3A = tpu.all_reduce %and3A_215 {dim = 0 : i64, kind = #tpu.reduction_kind<sum>} : vector<16xi1> -> vector<16xi32>
        %slice3A = vector.extract_strided_slice %all_reduce_population_count3A {offsets = [0], sizes = [1], strides = [1]} : vector<16xi32> to vector<1xi32>
        %squeeze3A = vector.extract %slice3A[0] : i32 from vector<1xi32>
        %add3A_217 = arith.addi %while3A_200, %squeeze3A : i32
        %mul3A_218 = arith.constant 4 : i32
        %mul3A_219 = arith.muli %while3A_199, %mul3A_218 : i32
        %add3A_220 = arith.constant 1 : i32
        %add3A_221 = arith.addi %mul3A_219, %add3A_220 : i32
        %mul3A_222 = arith.constant 16 : i32
        %mul3A_223 = arith.muli %add3A_221, %mul3A_222 : i32
        %sub3A_224 = arith.subi %scan3A_64, %mul3A_223 : i32
        %lt3A_225 = vector.broadcast %sub3A_224 : i32 to vector<16xi32>
        %lt3A_226 = arith.cmpi slt, %iota3A, %lt3A_225 : vector<16xi32>
        %get3A_227 = arith.index_cast %mul3A_223 : i32 to index
        %get3A_228 = tpu.vector_load %arg9[%get3A_227] {strides = array<i32>} : memref<4096xi32, #tpu.memory_space<vmem>>, vector<16xi32>,
        %shift_right_logical3A_229 = arith.constant 24 : i32
        %shift_right_logical3A_230 = vector.broadcast %shift_right_logical3A_229 : i32 to vector<16xi32>
        %shift_right_logical3A_231 = arith.shrui %get3A_228, %shift_right_logical3A_230 : vector<16xi32>
        %eq3A_232 = vector.broadcast %scan3A_98 : i32 to vector<16xi32>
        %eq3A_233 = arith.cmpi eq, %shift_right_logical3A_231, %eq3A_232 : vector<16xi32>
        %and3A_234 = arith.andi %eq3A_233, %lt3A_226 : vector<16xi1>
        %swap3A_235 = arith.index_cast %add3A_217 : i32 to index
        %swap3A_236 = tpu.vector_load %arg10[%swap3A_235] masked %and3A_234 {strides = array<i32>} : memref<4096xi32, #tpu.memory_space<vmem>>, vector<16xi32>, vector<16xi1>
        tpu.vector_store %arg10[%swap3A_235], %get3A_228 masked %and3A_234 {strides = array<i32>} : memref<4096xi32, #tpu.memory_space<vmem>>, vector<16xi32>, vector<16xi1>
        %all_reduce_population_count3A_237 = tpu.all_reduce %and3A_234 {dim = 0 : i64, kind = #tpu.reduction_kind<sum>} : vector<16xi1> -> vector<16xi32>
        %slice3A_238 = vector.extract_strided_slice %all_reduce_population_count3A_237 {offsets = [0], sizes = [1], strides = [1]} : vector<16xi32> to vector<1xi32>
        %squeeze3A_239 = vector.extract %slice3A_238[0] : i32 from vector<1xi32>
        %add3A_240 = arith.addi %add3A_217, %squeeze3A_239 : i32
        %mul3A_241 = arith.constant 4 : i32
        %mul3A_242 = arith.muli %while3A_199, %mul3A_241 : i32
        %add3A_243 = arith.constant 2 : i32
        %add3A_244 = arith.addi %mul3A_242, %add3A_243 : i32
        %mul3A_245 = arith.constant 16 : i32
        %mul3A_246 = arith.muli %add3A_244, %mul3A_245 : i32
        %sub3A_247 = arith.subi %scan3A_64, %mul3A_246 : i32
        %lt3A_248 = vector.broadcast %sub3A_247 : i32 to vector<16xi32>
        %lt3A_249 = arith.cmpi slt, %iota3A, %lt3A_248 : vector<16xi32>
        %get3A_250 = arith.index_cast %mul3A_246 : i32 to index
        %get3A_251 = tpu.vector_load %arg9[%get3A_250] {strides = array<i32>} : memref<4096xi32, #tpu.memory_space<vmem>>, vector<16xi32>,
        %shift_right_logical3A_252 = arith.constant 24 : i32
        %shift_right_logical3A_253 = vector.broadcast %shift_right_logical3A_252 : i32 to vector<16xi32>
        %shift_right_logical3A_254 = arith.shrui %get3A_251, %shift_right_logical3A_253 : vector<16xi32>
        %eq3A_255 = vector.broadcast %scan3A_98 : i32 to vector<16xi32>
        %eq3A_256 = arith.cmpi eq, %shift_right_logical3A_254, %eq3A_255 : vector<16xi32>
        %and3A_257 = arith.andi %eq3A_256, %lt3A_249 : vector<16xi1>
        %swap3A_258 = arith.index_cast %add3A_240 : i32 to index
        %swap3A_259 = tpu.vector_load %arg10[%swap3A_258] masked %and3A_257 {strides = array<i32>} : memref<4096xi32, #tpu.memory_space<vmem>>, vector<16xi32>, vector<16xi1>
        tpu.vector_store %arg10[%swap3A_258], %get3A_251 masked %and3A_257 {strides = array<i32>} : memref<4096xi32, #tpu.memory_space<vmem>>, vector<16xi32>, vector<16xi1>
        %all_reduce_population_count3A_260 = tpu.all_reduce %and3A_257 {dim = 0 : i64, kind = #tpu.reduction_kind<sum>} : vector<16xi1> -> vector<16xi32>
        %slice3A_261 = vector.extract_strided_slice %all_reduce_population_count3A_260 {offsets = [0], sizes = [1], strides = [1]} : vector<16xi32> to vector<1xi32>
        %squeeze3A_262 = vector.extract %slice3A_261[0] : i32 from vector<1xi32>
        %add3A_263 = arith.addi %add3A_240, %squeeze3A_262 : i32
        %mul3A_264 = arith.constant 4 : i32
        %mul3A_265 = arith.muli %while3A_199, %mul3A_264 : i32
        %add3A_266 = arith.constant 3 : i32
        %add3A_267 = arith.addi %mul3A_265, %add3A_266 : i32
        %mul3A_268 = arith.constant 16 : i32
        %mul3A_269 = arith.muli %add3A_267, %mul3A_268 : i32
        %sub3A_270 = arith.subi %scan3A_64, %mul3A_269 : i32
        %lt3A_271 = vector.broadcast %sub3A_270 : i32 to vector<16xi32>
        %lt3A_272 = arith.cmpi slt, %iota3A, %lt3A_271 : vector<16xi32>
        %get3A_273 = arith.index_cast %mul3A_269 : i32 to index
        %get3A_274 = tpu.vector_load %arg9[%get3A_273] {strides = array<i32>} : memref<4096xi32, #tpu.memory_space<vmem>>, vector<16xi32>,
        %shift_right_logical3A_275 = arith.constant 24 : i32
        %shift_right_logical3A_276 = vector.broadcast %shift_right_logical3A_275 : i32 to vector<16xi32>
        %shift_right_logical3A_277 = arith.shrui %get3A_274, %shift_right_logical3A_276 : vector<16xi32>
        %eq3A_278 = vector.broadcast %scan3A_98 : i32 to vector<16xi32>
        %eq3A_279 = arith.cmpi eq, %shift_right_logical3A_277, %eq3A_278 : vector<16xi32>
        %and3A_280 = arith.andi %eq3A_279, %lt3A_272 : vector<16xi1>
        %swap3A_281 = arith.index_cast %add3A_263 : i32 to index
        %swap3A_282 = tpu.vector_load %arg10[%swap3A_281] masked %and3A_280 {strides = array<i32>} : memref<4096xi32, #tpu.memory_space<vmem>>, vector<16xi32>, vector<16xi1>
        tpu.vector_store %arg10[%swap3A_281], %get3A_274 masked %and3A_280 {strides = array<i32>} : memref<4096xi32, #tpu.memory_space<vmem>>, vector<16xi32>, vector<16xi1>
        %all_reduce_population_count3A_283 = tpu.all_reduce %and3A_280 {dim = 0 : i64, kind = #tpu.reduction_kind<sum>} : vector<16xi1> -> vector<16xi32>
        %slice3A_284 = vector.extract_strided_slice %all_reduce_population_count3A_283 {offsets = [0], sizes = [1], strides = [1]} : vector<16xi32> to vector<1xi32>
        %squeeze3A_285 = vector.extract %slice3A_284[0] : i32 from vector<1xi32>
        %add3A_286 = arith.addi %add3A_263, %squeeze3A_285 : i32
        scf.yield %add3A_286 : i32
      }
      %add3A_154 = arith.constant 16 : i32
      %add3A_155 = arith.addi %while3A_153, %add3A_154 : i32
      %sub3A_156 = arith.constant 1 : i32
      %sub3A_157 = arith.subi %add3A_155, %sub3A_156 : i32
      %jit3A_158 = arith.constant 16 : i32
      %div3A_159 = arith.divsi %sub3A_157, %jit3A_158 : i32
      %sign3A_160 = arith.constant 0 : i32
      %sign3A_161 = arith.cmpi sgt, %sub3A_157, %sign3A_160 : i32
      %sign3A_162 = arith.extui %sign3A_161 : i1 to i32
      %sign3A_163 = arith.constant 0 : i32
      %sign3A_164 = arith.cmpi slt, %sub3A_157, %sign3A_163 : i32
      %sign3A_165 = arith.extui %sign3A_164 : i1 to i32
      %sign3A_166 = arith.subi %sign3A_162, %sign3A_165 : i32
      %sign3A_167 = arith.constant 0 : i32
      %sign3A_168 = arith.cmpi sgt, %jit3A_158, %sign3A_167 : i32
      %sign3A_169 = arith.extui %sign3A_168 : i1 to i32
      %sign3A_170 = arith.constant 0 : i32
      %sign3A_171 = arith.cmpi slt, %jit3A_158, %sign3A_170 : i32
      %sign3A_172 = arith.extui %sign3A_171 : i1 to i32
      %sign3A_173 = arith.subi %sign3A_169, %sign3A_172 : i32
      %ne3A_174 = arith.cmpi ne, %sign3A_166, %sign3A_173 : i32
      %rem3A_175 = arith.remsi %sub3A_157, %jit3A_158 : i32
      %ne3A_176 = arith.constant 0 : i32
      %ne3A_177 = arith.cmpi ne, %rem3A_175, %ne3A_176 : i32
      %and3A_178 = arith.andi %ne3A_174, %ne3A_177 : i1
      %sub3A_179 = arith.constant 1 : i32
      %sub3A_180 = arith.subi %div3A_159, %sub3A_179 : i32
      %select_n3A_181 = arith.select %and3A_178, %sub3A_180, %div3A_159 : i32
      %while3A_182 = arith.constant 0 : i32
      %while3A_183 = arith.constant 0 : i32
      %while3A_184 = arith.subi %select_n3A_181, %while3A_183 : i32
      %while3A_185 = arith.addi %while3A_183, %while3A_184 : i32
      %while3A_186 = arith.constant 1 : i32
      %while3A_187 = arith.divsi %while3A_184, %while3A_186 : i32
      %while3A_188 = arith.muli %while3A_187, %while3A_186 : i32
      %while3A_189 = arith.addi %while3A_183, %while3A_188 : i32
      %while3A_190 = arith.constant 1 : i32
      scf.for %while3A_199 = %while3A_183 to %while3A_189 step %while3A_190  : i32 {
        %mul3A_200 = arith.constant 16 : i32
        %mul3A_201 = arith.muli %while3A_199, %mul3A_200 : i32
        %sub3A_202 = arith.subi %while3A_153, %mul3A_201 : i32
        %lt3A_203 = vector.broadcast %sub3A_202 : i32 to vector<16xi32>
        %lt3A_204 = arith.cmpi slt, %iota3A, %lt3A_203 : vector<16xi32>
        %get3A = arith.index_cast %mul3A_201 : i32 to index
        %get3A_205 = tpu.vector_load %arg10[%get3A] {strides = array<i32>} : memref<4096xi32, #tpu.memory_space<vmem>>, vector<16xi32>,
        %shift_right_logical3A = arith.constant 12 : i32
        %shift_right_logical3A_206 = vector.broadcast %shift_right_logical3A : i32 to vector<16xi32>
        %shift_right_logical3A_207 = arith.shrui %get3A_205, %shift_right_logical3A_206 : vector<16xi32>
        %and3A_208 = arith.constant 4095 : i32
        %and3A_209 = vector.broadcast %and3A_208 : i32 to vector<16xi32>
        %and3A_210 = arith.andi %shift_right_logical3A_207, %and3A_209 : vector<16xi32>
        %jit3A_211 = arith.constant 0 : i32
        %broadcast_in_dim3A = vector.broadcast %jit3A_211 : i32 to vector<16xi32>
        %select_n3A_212 = arith.select %lt3A_204, %and3A_210, %broadcast_in_dim3A : vector<16xi1>, vector<16xi32>
        %and3A_213 = arith.constant 4095 : i32
        %and3A_214 = vector.broadcast %and3A_213 : i32 to vector<16xi32>
        %and3A_215 = arith.andi %get3A_205, %and3A_214 : vector<16xi32>
        %add3A_216 = arith.constant 4096 : i32
        %add3A_217 = vector.broadcast %add3A_216 : i32 to vector<16xi32>
        %add3A_218 = arith.addi %add3A_217, %iota3A : vector<16xi32>
        %select_n3A_219 = arith.select %lt3A_204, %and3A_215, %add3A_218 : vector<16xi1>, vector<16xi32>
        %broadcast_in_dim3A_220 = arith.constant 0 : i32
        %broadcast_in_dim3A_221 = vector.broadcast %broadcast_in_dim3A_220 : i32 to vector<16xi32>
        %gather3A = arith.constant 0 : i32
        %gather3A_222 = arith.constant 0 : i32
        %gather3A_223 = tpu.memref_slice %arg11[%rem3A_100, %gather3A, %gather3A_222] : memref<2x8x4096xf32, #tpu.memory_space<vmem>> -> memref<1x8x4096xf32, #tpu.memory_space<vmem>>
        %gather3A_224 = tpu.memref_squeeze %gather3A_223 : memref<1x8x4096xf32, #tpu.memory_space<vmem>> -> memref<8x4096xf32, #tpu.memory_space<vmem>>
        %gather3A_225 = tpu.vector_load_idx %gather3A_224[%broadcast_in_dim3A_221, %select_n3A_212] : memref<8x4096xf32, #tpu.memory_space<vmem>>[vector<16xi32>, vector<16xi32>], vector<16xf32>,
        tpu.vector_store_idx %arg12[%broadcast_in_dim3A_221, %select_n3A_219], %gather3A_225 : memref<8x4112xf32, #tpu.memory_space<vmem>>[vector<16xi32>, vector<16xi32>], vector<16xf32>,
        %broadcast_in_dim3A_226 = arith.constant 1 : i32
        %broadcast_in_dim3A_227 = vector.broadcast %broadcast_in_dim3A_226 : i32 to vector<16xi32>
        %gather3A_228 = arith.constant 0 : i32
        %gather3A_229 = arith.constant 0 : i32
        %gather3A_230 = tpu.memref_slice %arg11[%rem3A_100, %gather3A_228, %gather3A_229] : memref<2x8x4096xf32, #tpu.memory_space<vmem>> -> memref<1x8x4096xf32, #tpu.memory_space<vmem>>
        %gather3A_231 = tpu.memref_squeeze %gather3A_230 : memref<1x8x4096xf32, #tpu.memory_space<vmem>> -> memref<8x4096xf32, #tpu.memory_space<vmem>>
        %gather3A_232 = tpu.vector_load_idx %gather3A_231[%broadcast_in_dim3A_227, %select_n3A_212] : memref<8x4096xf32, #tpu.memory_space<vmem>>[vector<16xi32>, vector<16xi32>], vector<16xf32>,
        tpu.vector_store_idx %arg12[%broadcast_in_dim3A_227, %select_n3A_219], %gather3A_232 : memref<8x4112xf32, #tpu.memory_space<vmem>>[vector<16xi32>, vector<16xi32>], vector<16xf32>,
        %broadcast_in_dim3A_233 = arith.constant 2 : i32
        %broadcast_in_dim3A_234 = vector.broadcast %broadcast_in_dim3A_233 : i32 to vector<16xi32>
        %gather3A_235 = arith.constant 0 : i32
        %gather3A_236 = arith.constant 0 : i32
        %gather3A_237 = tpu.memref_slice %arg11[%rem3A_100, %gather3A_235, %gather3A_236] : memref<2x8x4096xf32, #tpu.memory_space<vmem>> -> memref<1x8x4096xf32, #tpu.memory_space<vmem>>
        %gather3A_238 = tpu.memref_squeeze %gather3A_237 : memref<1x8x4096xf32, #tpu.memory_space<vmem>> -> memref<8x4096xf32, #tpu.memory_space<vmem>>
        %gather3A_239 = tpu.vector_load_idx %gather3A_238[%broadcast_in_dim3A_234, %select_n3A_212] : memref<8x4096xf32, #tpu.memory_space<vmem>>[vector<16xi32>, vector<16xi32>], vector<16xf32>,
        tpu.vector_store_idx %arg12[%broadcast_in_dim3A_234, %select_n3A_219], %gather3A_239 : memref<8x4112xf32, #tpu.memory_space<vmem>>[vector<16xi32>, vector<16xi32>], vector<16xf32>,
        %broadcast_in_dim3A_240 = arith.constant 3 : i32
        %broadcast_in_dim3A_241 = vector.broadcast %broadcast_in_dim3A_240 : i32 to vector<16xi32>
        %gather3A_242 = arith.constant 0 : i32
        %gather3A_243 = arith.constant 0 : i32
        %gather3A_244 = tpu.memref_slice %arg11[%rem3A_100, %gather3A_242, %gather3A_243] : memref<2x8x4096xf32, #tpu.memory_space<vmem>> -> memref<1x8x4096xf32, #tpu.memory_space<vmem>>
        %gather3A_245 = tpu.memref_squeeze %gather3A_244 : memref<1x8x4096xf32, #tpu.memory_space<vmem>> -> memref<8x4096xf32, #tpu.memory_space<vmem>>
        %gather3A_246 = tpu.vector_load_idx %gather3A_245[%broadcast_in_dim3A_241, %select_n3A_212] : memref<8x4096xf32, #tpu.memory_space<vmem>>[vector<16xi32>, vector<16xi32>], vector<16xf32>,
        tpu.vector_store_idx %arg12[%broadcast_in_dim3A_241, %select_n3A_219], %gather3A_246 : memref<8x4112xf32, #tpu.memory_space<vmem>>[vector<16xi32>, vector<16xi32>], vector<16xf32>,
        %broadcast_in_dim3A_247 = arith.constant 4 : i32
        %broadcast_in_dim3A_248 = vector.broadcast %broadcast_in_dim3A_247 : i32 to vector<16xi32>
        %gather3A_249 = arith.constant 0 : i32
        %gather3A_250 = arith.constant 0 : i32
        %gather3A_251 = tpu.memref_slice %arg11[%rem3A_100, %gather3A_249, %gather3A_250] : memref<2x8x4096xf32, #tpu.memory_space<vmem>> -> memref<1x8x4096xf32, #tpu.memory_space<vmem>>
        %gather3A_252 = tpu.memref_squeeze %gather3A_251 : memref<1x8x4096xf32, #tpu.memory_space<vmem>> -> memref<8x4096xf32, #tpu.memory_space<vmem>>
        %gather3A_253 = tpu.vector_load_idx %gather3A_252[%broadcast_in_dim3A_248, %select_n3A_212] : memref<8x4096xf32, #tpu.memory_space<vmem>>[vector<16xi32>, vector<16xi32>], vector<16xf32>,
        tpu.vector_store_idx %arg12[%broadcast_in_dim3A_248, %select_n3A_219], %gather3A_253 : memref<8x4112xf32, #tpu.memory_space<vmem>>[vector<16xi32>, vector<16xi32>], vector<16xf32>,
        %broadcast_in_dim3A_254 = arith.constant 5 : i32
        %broadcast_in_dim3A_255 = vector.broadcast %broadcast_in_dim3A_254 : i32 to vector<16xi32>
        %gather3A_256 = arith.constant 0 : i32
        %gather3A_257 = arith.constant 0 : i32
        %gather3A_258 = tpu.memref_slice %arg11[%rem3A_100, %gather3A_256, %gather3A_257] : memref<2x8x4096xf32, #tpu.memory_space<vmem>> -> memref<1x8x4096xf32, #tpu.memory_space<vmem>>
        %gather3A_259 = tpu.memref_squeeze %gather3A_258 : memref<1x8x4096xf32, #tpu.memory_space<vmem>> -> memref<8x4096xf32, #tpu.memory_space<vmem>>
        %gather3A_260 = tpu.vector_load_idx %gather3A_259[%broadcast_in_dim3A_255, %select_n3A_212] : memref<8x4096xf32, #tpu.memory_space<vmem>>[vector<16xi32>, vector<16xi32>], vector<16xf32>,
        tpu.vector_store_idx %arg12[%broadcast_in_dim3A_255, %select_n3A_219], %gather3A_260 : memref<8x4112xf32, #tpu.memory_space<vmem>>[vector<16xi32>, vector<16xi32>], vector<16xf32>,
        %broadcast_in_dim3A_261 = arith.constant 6 : i32
        %broadcast_in_dim3A_262 = vector.broadcast %broadcast_in_dim3A_261 : i32 to vector<16xi32>
        %gather3A_263 = arith.constant 0 : i32
        %gather3A_264 = arith.constant 0 : i32
        %gather3A_265 = tpu.memref_slice %arg11[%rem3A_100, %gather3A_263, %gather3A_264] : memref<2x8x4096xf32, #tpu.memory_space<vmem>> -> memref<1x8x4096xf32, #tpu.memory_space<vmem>>
        %gather3A_266 = tpu.memref_squeeze %gather3A_265 : memref<1x8x4096xf32, #tpu.memory_space<vmem>> -> memref<8x4096xf32, #tpu.memory_space<vmem>>
        %gather3A_267 = tpu.vector_load_idx %gather3A_266[%broadcast_in_dim3A_262, %select_n3A_212] : memref<8x4096xf32, #tpu.memory_space<vmem>>[vector<16xi32>, vector<16xi32>], vector<16xf32>,
        tpu.vector_store_idx %arg12[%broadcast_in_dim3A_262, %select_n3A_219], %gather3A_267 : memref<8x4112xf32, #tpu.memory_space<vmem>>[vector<16xi32>, vector<16xi32>], vector<16xf32>,
        %broadcast_in_dim3A_268 = arith.constant 7 : i32
        %broadcast_in_dim3A_269 = vector.broadcast %broadcast_in_dim3A_268 : i32 to vector<16xi32>
        %gather3A_270 = arith.constant 0 : i32
        %gather3A_271 = arith.constant 0 : i32
        %gather3A_272 = tpu.memref_slice %arg11[%rem3A_100, %gather3A_270, %gather3A_271] : memref<2x8x4096xf32, #tpu.memory_space<vmem>> -> memref<1x8x4096xf32, #tpu.memory_space<vmem>>
        %gather3A_273 = tpu.memref_squeeze %gather3A_272 : memref<1x8x4096xf32, #tpu.memory_space<vmem>> -> memref<8x4096xf32, #tpu.memory_space<vmem>>
        %gather3A_274 = tpu.vector_load_idx %gather3A_273[%broadcast_in_dim3A_269, %select_n3A_212] : memref<8x4096xf32, #tpu.memory_space<vmem>>[vector<16xi32>, vector<16xi32>], vector<16xf32>,
        tpu.vector_store_idx %arg12[%broadcast_in_dim3A_269, %select_n3A_219], %gather3A_274 : memref<8x4112xf32, #tpu.memory_space<vmem>>[vector<16xi32>, vector<16xi32>], vector<16xf32>,
      }
      %while3A_191 = arith.constant 1 : i32
      scf.for %while3A_199 = %while3A_189 to %while3A_185 step %while3A_191  : i32 {
        %mul3A_200 = arith.constant 16 : i32
        %mul3A_201 = arith.muli %while3A_199, %mul3A_200 : i32
        %sub3A_202 = arith.subi %while3A_153, %mul3A_201 : i32
        %lt3A_203 = vector.broadcast %sub3A_202 : i32 to vector<16xi32>
        %lt3A_204 = arith.cmpi slt, %iota3A, %lt3A_203 : vector<16xi32>
        %get3A = arith.index_cast %mul3A_201 : i32 to index
        %get3A_205 = tpu.vector_load %arg10[%get3A] {strides = array<i32>} : memref<4096xi32, #tpu.memory_space<vmem>>, vector<16xi32>,
        %shift_right_logical3A = arith.constant 12 : i32
        %shift_right_logical3A_206 = vector.broadcast %shift_right_logical3A : i32 to vector<16xi32>
        %shift_right_logical3A_207 = arith.shrui %get3A_205, %shift_right_logical3A_206 : vector<16xi32>
        %and3A_208 = arith.constant 4095 : i32
        %and3A_209 = vector.broadcast %and3A_208 : i32 to vector<16xi32>
        %and3A_210 = arith.andi %shift_right_logical3A_207, %and3A_209 : vector<16xi32>
        %jit3A_211 = arith.constant 0 : i32
        %broadcast_in_dim3A = vector.broadcast %jit3A_211 : i32 to vector<16xi32>
        %select_n3A_212 = arith.select %lt3A_204, %and3A_210, %broadcast_in_dim3A : vector<16xi1>, vector<16xi32>
        %and3A_213 = arith.constant 4095 : i32
        %and3A_214 = vector.broadcast %and3A_213 : i32 to vector<16xi32>
        %and3A_215 = arith.andi %get3A_205, %and3A_214 : vector<16xi32>
        %add3A_216 = arith.constant 4096 : i32
        %add3A_217 = vector.broadcast %add3A_216 : i32 to vector<16xi32>
        %add3A_218 = arith.addi %add3A_217, %iota3A : vector<16xi32>
        %select_n3A_219 = arith.select %lt3A_204, %and3A_215, %add3A_218 : vector<16xi1>, vector<16xi32>
        %broadcast_in_dim3A_220 = arith.constant 0 : i32
        %broadcast_in_dim3A_221 = vector.broadcast %broadcast_in_dim3A_220 : i32 to vector<16xi32>
        %gather3A = arith.constant 0 : i32
        %gather3A_222 = arith.constant 0 : i32
        %gather3A_223 = tpu.memref_slice %arg11[%rem3A_100, %gather3A, %gather3A_222] : memref<2x8x4096xf32, #tpu.memory_space<vmem>> -> memref<1x8x4096xf32, #tpu.memory_space<vmem>>
        %gather3A_224 = tpu.memref_squeeze %gather3A_223 : memref<1x8x4096xf32, #tpu.memory_space<vmem>> -> memref<8x4096xf32, #tpu.memory_space<vmem>>
        %gather3A_225 = tpu.vector_load_idx %gather3A_224[%broadcast_in_dim3A_221, %select_n3A_212] : memref<8x4096xf32, #tpu.memory_space<vmem>>[vector<16xi32>, vector<16xi32>], vector<16xf32>,
        tpu.vector_store_idx %arg12[%broadcast_in_dim3A_221, %select_n3A_219], %gather3A_225 : memref<8x4112xf32, #tpu.memory_space<vmem>>[vector<16xi32>, vector<16xi32>], vector<16xf32>,
        %broadcast_in_dim3A_226 = arith.constant 1 : i32
        %broadcast_in_dim3A_227 = vector.broadcast %broadcast_in_dim3A_226 : i32 to vector<16xi32>
        %gather3A_228 = arith.constant 0 : i32
        %gather3A_229 = arith.constant 0 : i32
        %gather3A_230 = tpu.memref_slice %arg11[%rem3A_100, %gather3A_228, %gather3A_229] : memref<2x8x4096xf32, #tpu.memory_space<vmem>> -> memref<1x8x4096xf32, #tpu.memory_space<vmem>>
        %gather3A_231 = tpu.memref_squeeze %gather3A_230 : memref<1x8x4096xf32, #tpu.memory_space<vmem>> -> memref<8x4096xf32, #tpu.memory_space<vmem>>
        %gather3A_232 = tpu.vector_load_idx %gather3A_231[%broadcast_in_dim3A_227, %select_n3A_212] : memref<8x4096xf32, #tpu.memory_space<vmem>>[vector<16xi32>, vector<16xi32>], vector<16xf32>,
        tpu.vector_store_idx %arg12[%broadcast_in_dim3A_227, %select_n3A_219], %gather3A_232 : memref<8x4112xf32, #tpu.memory_space<vmem>>[vector<16xi32>, vector<16xi32>], vector<16xf32>,
        %broadcast_in_dim3A_233 = arith.constant 2 : i32
        %broadcast_in_dim3A_234 = vector.broadcast %broadcast_in_dim3A_233 : i32 to vector<16xi32>
        %gather3A_235 = arith.constant 0 : i32
        %gather3A_236 = arith.constant 0 : i32
        %gather3A_237 = tpu.memref_slice %arg11[%rem3A_100, %gather3A_235, %gather3A_236] : memref<2x8x4096xf32, #tpu.memory_space<vmem>> -> memref<1x8x4096xf32, #tpu.memory_space<vmem>>
        %gather3A_238 = tpu.memref_squeeze %gather3A_237 : memref<1x8x4096xf32, #tpu.memory_space<vmem>> -> memref<8x4096xf32, #tpu.memory_space<vmem>>
        %gather3A_239 = tpu.vector_load_idx %gather3A_238[%broadcast_in_dim3A_234, %select_n3A_212] : memref<8x4096xf32, #tpu.memory_space<vmem>>[vector<16xi32>, vector<16xi32>], vector<16xf32>,
        tpu.vector_store_idx %arg12[%broadcast_in_dim3A_234, %select_n3A_219], %gather3A_239 : memref<8x4112xf32, #tpu.memory_space<vmem>>[vector<16xi32>, vector<16xi32>], vector<16xf32>,
        %broadcast_in_dim3A_240 = arith.constant 3 : i32
        %broadcast_in_dim3A_241 = vector.broadcast %broadcast_in_dim3A_240 : i32 to vector<16xi32>
        %gather3A_242 = arith.constant 0 : i32
        %gather3A_243 = arith.constant 0 : i32
        %gather3A_244 = tpu.memref_slice %arg11[%rem3A_100, %gather3A_242, %gather3A_243] : memref<2x8x4096xf32, #tpu.memory_space<vmem>> -> memref<1x8x4096xf32, #tpu.memory_space<vmem>>
        %gather3A_245 = tpu.memref_squeeze %gather3A_244 : memref<1x8x4096xf32, #tpu.memory_space<vmem>> -> memref<8x4096xf32, #tpu.memory_space<vmem>>
        %gather3A_246 = tpu.vector_load_idx %gather3A_245[%broadcast_in_dim3A_241, %select_n3A_212] : memref<8x4096xf32, #tpu.memory_space<vmem>>[vector<16xi32>, vector<16xi32>], vector<16xf32>,
        tpu.vector_store_idx %arg12[%broadcast_in_dim3A_241, %select_n3A_219], %gather3A_246 : memref<8x4112xf32, #tpu.memory_space<vmem>>[vector<16xi32>, vector<16xi32>], vector<16xf32>,
        %broadcast_in_dim3A_247 = arith.constant 4 : i32
        %broadcast_in_dim3A_248 = vector.broadcast %broadcast_in_dim3A_247 : i32 to vector<16xi32>
        %gather3A_249 = arith.constant 0 : i32
        %gather3A_250 = arith.constant 0 : i32
        %gather3A_251 = tpu.memref_slice %arg11[%rem3A_100, %gather3A_249, %gather3A_250] : memref<2x8x4096xf32, #tpu.memory_space<vmem>> -> memref<1x8x4096xf32, #tpu.memory_space<vmem>>
        %gather3A_252 = tpu.memref_squeeze %gather3A_251 : memref<1x8x4096xf32, #tpu.memory_space<vmem>> -> memref<8x4096xf32, #tpu.memory_space<vmem>>
        %gather3A_253 = tpu.vector_load_idx %gather3A_252[%broadcast_in_dim3A_248, %select_n3A_212] : memref<8x4096xf32, #tpu.memory_space<vmem>>[vector<16xi32>, vector<16xi32>], vector<16xf32>,
        tpu.vector_store_idx %arg12[%broadcast_in_dim3A_248, %select_n3A_219], %gather3A_253 : memref<8x4112xf32, #tpu.memory_space<vmem>>[vector<16xi32>, vector<16xi32>], vector<16xf32>,
        %broadcast_in_dim3A_254 = arith.constant 5 : i32
        %broadcast_in_dim3A_255 = vector.broadcast %broadcast_in_dim3A_254 : i32 to vector<16xi32>
        %gather3A_256 = arith.constant 0 : i32
        %gather3A_257 = arith.constant 0 : i32
        %gather3A_258 = tpu.memref_slice %arg11[%rem3A_100, %gather3A_256, %gather3A_257] : memref<2x8x4096xf32, #tpu.memory_space<vmem>> -> memref<1x8x4096xf32, #tpu.memory_space<vmem>>
        %gather3A_259 = tpu.memref_squeeze %gather3A_258 : memref<1x8x4096xf32, #tpu.memory_space<vmem>> -> memref<8x4096xf32, #tpu.memory_space<vmem>>
        %gather3A_260 = tpu.vector_load_idx %gather3A_259[%broadcast_in_dim3A_255, %select_n3A_212] : memref<8x4096xf32, #tpu.memory_space<vmem>>[vector<16xi32>, vector<16xi32>], vector<16xf32>,
        tpu.vector_store_idx %arg12[%broadcast_in_dim3A_255, %select_n3A_219], %gather3A_260 : memref<8x4112xf32, #tpu.memory_space<vmem>>[vector<16xi32>, vector<16xi32>], vector<16xf32>,
        %broadcast_in_dim3A_261 = arith.constant 6 : i32
        %broadcast_in_dim3A_262 = vector.broadcast %broadcast_in_dim3A_261 : i32 to vector<16xi32>
        %gather3A_263 = arith.constant 0 : i32
        %gather3A_264 = arith.constant 0 : i32
        %gather3A_265 = tpu.memref_slice %arg11[%rem3A_100, %gather3A_263, %gather3A_264] : memref<2x8x4096xf32, #tpu.memory_space<vmem>> -> memref<1x8x4096xf32, #tpu.memory_space<vmem>>
        %gather3A_266 = tpu.memref_squeeze %gather3A_265 : memref<1x8x4096xf32, #tpu.memory_space<vmem>> -> memref<8x4096xf32, #tpu.memory_space<vmem>>
        %gather3A_267 = tpu.vector_load_idx %gather3A_266[%broadcast_in_dim3A_262, %select_n3A_212] : memref<8x4096xf32, #tpu.memory_space<vmem>>[vector<16xi32>, vector<16xi32>], vector<16xf32>,
        tpu.vector_store_idx %arg12[%broadcast_in_dim3A_262, %select_n3A_219], %gather3A_267 : memref<8x4112xf32, #tpu.memory_space<vmem>>[vector<16xi32>, vector<16xi32>], vector<16xf32>,
        %broadcast_in_dim3A_268 = arith.constant 7 : i32
        %broadcast_in_dim3A_269 = vector.broadcast %broadcast_in_dim3A_268 : i32 to vector<16xi32>
        %gather3A_270 = arith.constant 0 : i32
        %gather3A_271 = arith.constant 0 : i32
        %gather3A_272 = tpu.memref_slice %arg11[%rem3A_100, %gather3A_270, %gather3A_271] : memref<2x8x4096xf32, #tpu.memory_space<vmem>> -> memref<1x8x4096xf32, #tpu.memory_space<vmem>>
        %gather3A_273 = tpu.memref_squeeze %gather3A_272 : memref<1x8x4096xf32, #tpu.memory_space<vmem>> -> memref<8x4096xf32, #tpu.memory_space<vmem>>
        %gather3A_274 = tpu.vector_load_idx %gather3A_273[%broadcast_in_dim3A_269, %select_n3A_212] : memref<8x4096xf32, #tpu.memory_space<vmem>>[vector<16xi32>, vector<16xi32>], vector<16xf32>,
        tpu.vector_store_idx %arg12[%broadcast_in_dim3A_269, %select_n3A_219], %gather3A_274 : memref<8x4112xf32, #tpu.memory_space<vmem>>[vector<16xi32>, vector<16xi32>], vector<16xf32>,
      }
      %add3A_192 = arith.constant 2 : i32
      %add3A_193 = arith.addi %scan3A_98, %add3A_192 : i32
      %lt3A_194 = arith.constant 6 : i32
      %lt3A_195 = arith.cmpi slt, %add3A_193, %lt3A_194 : i32
      %convert_element_type3A_196 = arith.extui %lt3A_195 : i1 to i32
      %cond3A_197 = arith.constant 0 : i32
      %cond3A_198 = arith.cmpi ne, %convert_element_type3A_196, %cond3A_197 : i32
      scf.if %cond3A_198 {
        %add3A_199 = arith.constant 2 : i32
        %add3A_200 = arith.addi %scan3A_98, %add3A_199 : i32
        %mul3A_201 = arith.constant 4096 : i32
        %mul3A_202 = arith.muli %add3A_200, %mul3A_201 : i32
        %add3A_203 = arith.addi %multiple_of3A_28, %mul3A_202 : i32
        %dma_start3A_204 = arith.constant 0 : i32
        %dma_start3A_205 = arith.constant 0 : i32
        %dma_start3A_206 = tpu.memref_slice %arg11[%rem3A_100, %dma_start3A_204, %dma_start3A_205] : memref<2x8x4096xf32, #tpu.memory_space<vmem>> -> memref<1x8x4096xf32, #tpu.memory_space<vmem>>
        %dma_start3A_207 = tpu.memref_squeeze %dma_start3A_206 : memref<1x8x4096xf32, #tpu.memory_space<vmem>> -> memref<8x4096xf32, #tpu.memory_space<vmem>>
        %dma_start3A_208 = tpu.memref_slice %arg3[%multiple_of3A, %add3A_203] : memref<64x100000xf32, #tpu.memory_space<hbm>> -> memref<8x4096xf32, #tpu.memory_space<hbm>>
        %dma_start3A_209 = tpu.memref_slice %arg13[%rem3A_100] : memref<2x!tpu.dma_semaphore, #tpu.memory_space<semaphore_mem>> -> memref<1x!tpu.dma_semaphore, #tpu.memory_space<semaphore_mem>>
        %dma_start3A_210 = tpu.memref_squeeze %dma_start3A_209 : memref<1x!tpu.dma_semaphore, #tpu.memory_space<semaphore_mem>> -> memref<!tpu.dma_semaphore, #tpu.memory_space<semaphore_mem>>
        %dma_start3A_211 = arith.constant 0 : i32
        %dma_start3A_212 = arith.constant 0 : i32
        %dma_start3A_213 = tpu.memref_slice %arg11[%rem3A_100, %dma_start3A_211, %dma_start3A_212] : memref<2x8x4096xf32, #tpu.memory_space<vmem>> -> memref<1x8x4096xf32, #tpu.memory_space<vmem>>
        %dma_start3A_214 = tpu.memref_squeeze %dma_start3A_213 : memref<1x8x4096xf32, #tpu.memory_space<vmem>> -> memref<8x4096xf32, #tpu.memory_space<vmem>>
        %dma_start3A_215 = tpu.memref_slice %arg3[%multiple_of3A, %add3A_203] : memref<64x100000xf32, #tpu.memory_space<hbm>> -> memref<8x4096xf32, #tpu.memory_space<hbm>>
        tpu.enqueue_dma source(%dma_start3A_215 : memref<8x4096xf32, #tpu.memory_space<hbm>>) target(%dma_start3A_214 : memref<8x4096xf32, #tpu.memory_space<vmem>>) target_semaphore(%dma_start3A_210 : memref<!tpu.dma_semaphore, #tpu.memory_space<semaphore_mem>>)
      } else {
      }
    }
    %scan3A_70 = arith.constant 6 : i32
    %lt3A = arith.constant 3 : i32
    %lt3A_71 = arith.cmpi slt, %select_n3A, %lt3A : i32
    %convert_element_type3A = arith.extui %lt3A_71 : i1 to i32
    %cond3A = arith.constant 0 : i32
    %cond3A_72 = arith.cmpi ne, %convert_element_type3A, %cond3A : i32
    scf.if %cond3A_72 {
      %add3A_98 = arith.constant 24576 : i32
      %add3A_99 = arith.addi %multiple_of3A_28, %add3A_98 : i32
      %run_scoped3A = arith.constant 0 : i32
      "tpu.region"() ({
        %run_scoped3A_178 = tpu.sem_alloc : memref<!tpu.dma_semaphore, #tpu.memory_space<semaphore_mem>>
        %dma_start3A_179 = arith.constant 0 : i32
        %dma_start3A_180 = arith.constant 0 : i32
        %dma_start3A_181 = tpu.memref_slice %arg11[%run_scoped3A, %dma_start3A_179, %dma_start3A_180] : memref<2x8x4096xf32, #tpu.memory_space<vmem>> -> memref<1x8x512xf32, #tpu.memory_space<vmem>>
        %dma_start3A_182 = tpu.memref_squeeze %dma_start3A_181 : memref<1x8x512xf32, #tpu.memory_space<vmem>> -> memref<8x512xf32, #tpu.memory_space<vmem>>
        %dma_start3A_183 = tpu.memref_slice %arg3[%multiple_of3A, %add3A_99] : memref<64x100000xf32, #tpu.memory_space<hbm>> -> memref<8x512xf32, #tpu.memory_space<hbm>>
        %dma_start3A_184 = arith.constant 0 : i32
        %dma_start3A_185 = arith.constant 0 : i32
        %dma_start3A_186 = tpu.memref_slice %arg11[%run_scoped3A, %dma_start3A_184, %dma_start3A_185] : memref<2x8x4096xf32, #tpu.memory_space<vmem>> -> memref<1x8x512xf32, #tpu.memory_space<vmem>>
        %dma_start3A_187 = tpu.memref_squeeze %dma_start3A_186 : memref<1x8x512xf32, #tpu.memory_space<vmem>> -> memref<8x512xf32, #tpu.memory_space<vmem>>
        %dma_start3A_188 = tpu.memref_slice %arg3[%multiple_of3A, %add3A_99] : memref<64x100000xf32, #tpu.memory_space<hbm>> -> memref<8x512xf32, #tpu.memory_space<hbm>>
        tpu.enqueue_dma source(%dma_start3A_188 : memref<8x512xf32, #tpu.memory_space<hbm>>) target(%dma_start3A_187 : memref<8x512xf32, #tpu.memory_space<vmem>>) target_semaphore(%run_scoped3A_178 : memref<!tpu.dma_semaphore, #tpu.memory_space<semaphore_mem>>)
        %dma_wait3A = arith.constant 0 : i32
        %dma_wait3A_189 = arith.constant 0 : i32
        %dma_wait3A_190 = tpu.memref_slice %arg11[%run_scoped3A, %dma_wait3A, %dma_wait3A_189] : memref<2x8x4096xf32, #tpu.memory_space<vmem>> -> memref<1x8x512xf32, #tpu.memory_space<vmem>>
        %dma_wait3A_191 = tpu.memref_squeeze %dma_wait3A_190 : memref<1x8x512xf32, #tpu.memory_space<vmem>> -> memref<8x512xf32, #tpu.memory_space<vmem>>
        %dma_wait3A_192 = tpu.memref_slice %arg3[%multiple_of3A, %add3A_99] : memref<64x100000xf32, #tpu.memory_space<hbm>> -> memref<8x512xf32, #tpu.memory_space<hbm>>
        %dma_wait3A_193 = arith.constant 0 : i32
        %dma_wait3A_194 = arith.constant 0 : i32
        %dma_wait3A_195 = tpu.memref_slice %arg11[%run_scoped3A, %dma_wait3A_193, %dma_wait3A_194] : memref<2x8x4096xf32, #tpu.memory_space<vmem>> -> memref<1x8x512xf32, #tpu.memory_space<vmem>>
        %dma_wait3A_196 = tpu.memref_squeeze %dma_wait3A_195 : memref<1x8x512xf32, #tpu.memory_space<vmem>> -> memref<8x512xf32, #tpu.memory_space<vmem>>
        %dma_wait3A_197 = tpu.memref_slice %arg3[%multiple_of3A, %add3A_99] : memref<64x100000xf32, #tpu.memory_space<hbm>> -> memref<8x512xf32, #tpu.memory_space<hbm>>
        tpu.wait_dma2 semaphore(%run_scoped3A_178 : memref<!tpu.dma_semaphore, #tpu.memory_space<semaphore_mem>>) src(%dma_wait3A_197 : memref<8x512xf32, #tpu.memory_space<hbm>>) dst(%dma_wait3A_196 : memref<8x512xf32, #tpu.memory_space<vmem>>)
        tpu.yield
      }) : () -> ()
      %add3A_100 = arith.constant 64 : i32
      %add3A_101 = arith.addi %scan3A_64, %add3A_100 : i32
      %sub3A_102 = arith.constant 1 : i32
      %sub3A_103 = arith.subi %add3A_101, %sub3A_102 : i32
      %jit3A_104 = arith.constant 64 : i32
      %div3A_105 = arith.divsi %sub3A_103, %jit3A_104 : i32
      %sign3A_106 = arith.constant 0 : i32
      %sign3A_107 = arith.cmpi sgt, %sub3A_103, %sign3A_106 : i32
      %sign3A_108 = arith.extui %sign3A_107 : i1 to i32
      %sign3A_109 = arith.constant 0 : i32
      %sign3A_110 = arith.cmpi slt, %sub3A_103, %sign3A_109 : i32
      %sign3A_111 = arith.extui %sign3A_110 : i1 to i32
      %sign3A_112 = arith.subi %sign3A_108, %sign3A_111 : i32
      %sign3A_113 = arith.constant 0 : i32
      %sign3A_114 = arith.cmpi sgt, %jit3A_104, %sign3A_113 : i32
      %sign3A_115 = arith.extui %sign3A_114 : i1 to i32
      %sign3A_116 = arith.constant 0 : i32
      %sign3A_117 = arith.cmpi slt, %jit3A_104, %sign3A_116 : i32
      %sign3A_118 = arith.extui %sign3A_117 : i1 to i32
      %sign3A_119 = arith.subi %sign3A_115, %sign3A_118 : i32
      %ne3A_120 = arith.cmpi ne, %sign3A_112, %sign3A_119 : i32
      %rem3A_121 = arith.remsi %sub3A_103, %jit3A_104 : i32
      %ne3A_122 = arith.constant 0 : i32
      %ne3A_123 = arith.cmpi ne, %rem3A_121, %ne3A_122 : i32
      %and3A_124 = arith.andi %ne3A_120, %ne3A_123 : i1
      %sub3A_125 = arith.constant 1 : i32
      %sub3A_126 = arith.subi %div3A_105, %sub3A_125 : i32
      %select_n3A_127 = arith.select %and3A_124, %sub3A_126, %div3A_105 : i32
      %while3A = arith.constant 6 : i32
      %while3A_128 = arith.constant 0 : i32
      %while3A_129 = arith.constant 0 : i32
      %while3A_130 = arith.subi %select_n3A_127, %while3A_128 : i32
      %while3A_131 = arith.addi %while3A_128, %while3A_130 : i32
      %while3A_132 = arith.constant 1 : i32
      %while3A_133 = arith.divsi %while3A_130, %while3A_132 : i32
      %while3A_134 = arith.muli %while3A_133, %while3A_132 : i32
      %while3A_135 = arith.addi %while3A_128, %while3A_134 : i32
      %while3A_136 = arith.constant 1 : i32
      %while3A_137 = scf.for %while3A_178 = %while3A_128 to %while3A_135 step %while3A_136 iter_args(%while3A_179 = %while3A_129) -> (i32)  : i32 {
        %mul3A_180 = arith.constant 4 : i32
        %mul3A_181 = arith.muli %while3A_178, %mul3A_180 : i32
        %add3A_182 = arith.constant 0 : i32
        %add3A_183 = arith.addi %mul3A_181, %add3A_182 : i32
        %mul3A_184 = arith.constant 16 : i32
        %mul3A_185 = arith.muli %add3A_183, %mul3A_184 : i32
        %sub3A_186 = arith.subi %scan3A_64, %mul3A_185 : i32
        %lt3A_187 = vector.broadcast %sub3A_186 : i32 to vector<16xi32>
        %lt3A_188 = arith.cmpi slt, %iota3A, %lt3A_187 : vector<16xi32>
        %get3A = arith.index_cast %mul3A_185 : i32 to index
        %get3A_189 = tpu.vector_load %arg9[%get3A] {strides = array<i32>} : memref<4096xi32, #tpu.memory_space<vmem>>, vector<16xi32>,
        %shift_right_logical3A = arith.constant 24 : i32
        %shift_right_logical3A_190 = vector.broadcast %shift_right_logical3A : i32 to vector<16xi32>
        %shift_right_logical3A_191 = arith.shrui %get3A_189, %shift_right_logical3A_190 : vector<16xi32>
        %eq3A_192 = vector.broadcast %while3A : i32 to vector<16xi32>
        %eq3A_193 = arith.cmpi eq, %shift_right_logical3A_191, %eq3A_192 : vector<16xi32>
        %and3A_194 = arith.andi %eq3A_193, %lt3A_188 : vector<16xi1>
        %swap3A = arith.index_cast %while3A_179 : i32 to index
        %swap3A_195 = tpu.vector_load %arg10[%swap3A] masked %and3A_194 {strides = array<i32>} : memref<4096xi32, #tpu.memory_space<vmem>>, vector<16xi32>, vector<16xi1>
        tpu.vector_store %arg10[%swap3A], %get3A_189 masked %and3A_194 {strides = array<i32>} : memref<4096xi32, #tpu.memory_space<vmem>>, vector<16xi32>, vector<16xi1>
        %all_reduce_population_count3A = tpu.all_reduce %and3A_194 {dim = 0 : i64, kind = #tpu.reduction_kind<sum>} : vector<16xi1> -> vector<16xi32>
        %slice3A = vector.extract_strided_slice %all_reduce_population_count3A {offsets = [0], sizes = [1], strides = [1]} : vector<16xi32> to vector<1xi32>
        %squeeze3A = vector.extract %slice3A[0] : i32 from vector<1xi32>
        %add3A_196 = arith.addi %while3A_179, %squeeze3A : i32
        %mul3A_197 = arith.constant 4 : i32
        %mul3A_198 = arith.muli %while3A_178, %mul3A_197 : i32
        %add3A_199 = arith.constant 1 : i32
        %add3A_200 = arith.addi %mul3A_198, %add3A_199 : i32
        %mul3A_201 = arith.constant 16 : i32
        %mul3A_202 = arith.muli %add3A_200, %mul3A_201 : i32
        %sub3A_203 = arith.subi %scan3A_64, %mul3A_202 : i32
        %lt3A_204 = vector.broadcast %sub3A_203 : i32 to vector<16xi32>
        %lt3A_205 = arith.cmpi slt, %iota3A, %lt3A_204 : vector<16xi32>
        %get3A_206 = arith.index_cast %mul3A_202 : i32 to index
        %get3A_207 = tpu.vector_load %arg9[%get3A_206] {strides = array<i32>} : memref<4096xi32, #tpu.memory_space<vmem>>, vector<16xi32>,
        %shift_right_logical3A_208 = arith.constant 24 : i32
        %shift_right_logical3A_209 = vector.broadcast %shift_right_logical3A_208 : i32 to vector<16xi32>
        %shift_right_logical3A_210 = arith.shrui %get3A_207, %shift_right_logical3A_209 : vector<16xi32>
        %eq3A_211 = vector.broadcast %while3A : i32 to vector<16xi32>
        %eq3A_212 = arith.cmpi eq, %shift_right_logical3A_210, %eq3A_211 : vector<16xi32>
        %and3A_213 = arith.andi %eq3A_212, %lt3A_205 : vector<16xi1>
        %swap3A_214 = arith.index_cast %add3A_196 : i32 to index
        %swap3A_215 = tpu.vector_load %arg10[%swap3A_214] masked %and3A_213 {strides = array<i32>} : memref<4096xi32, #tpu.memory_space<vmem>>, vector<16xi32>, vector<16xi1>
        tpu.vector_store %arg10[%swap3A_214], %get3A_207 masked %and3A_213 {strides = array<i32>} : memref<4096xi32, #tpu.memory_space<vmem>>, vector<16xi32>, vector<16xi1>
        %all_reduce_population_count3A_216 = tpu.all_reduce %and3A_213 {dim = 0 : i64, kind = #tpu.reduction_kind<sum>} : vector<16xi1> -> vector<16xi32>
        %slice3A_217 = vector.extract_strided_slice %all_reduce_population_count3A_216 {offsets = [0], sizes = [1], strides = [1]} : vector<16xi32> to vector<1xi32>
        %squeeze3A_218 = vector.extract %slice3A_217[0] : i32 from vector<1xi32>
        %add3A_219 = arith.addi %add3A_196, %squeeze3A_218 : i32
        %mul3A_220 = arith.constant 4 : i32
        %mul3A_221 = arith.muli %while3A_178, %mul3A_220 : i32
        %add3A_222 = arith.constant 2 : i32
        %add3A_223 = arith.addi %mul3A_221, %add3A_222 : i32
        %mul3A_224 = arith.constant 16 : i32
        %mul3A_225 = arith.muli %add3A_223, %mul3A_224 : i32
        %sub3A_226 = arith.subi %scan3A_64, %mul3A_225 : i32
        %lt3A_227 = vector.broadcast %sub3A_226 : i32 to vector<16xi32>
        %lt3A_228 = arith.cmpi slt, %iota3A, %lt3A_227 : vector<16xi32>
        %get3A_229 = arith.index_cast %mul3A_225 : i32 to index
        %get3A_230 = tpu.vector_load %arg9[%get3A_229] {strides = array<i32>} : memref<4096xi32, #tpu.memory_space<vmem>>, vector<16xi32>,
        %shift_right_logical3A_231 = arith.constant 24 : i32
        %shift_right_logical3A_232 = vector.broadcast %shift_right_logical3A_231 : i32 to vector<16xi32>
        %shift_right_logical3A_233 = arith.shrui %get3A_230, %shift_right_logical3A_232 : vector<16xi32>
        %eq3A_234 = vector.broadcast %while3A : i32 to vector<16xi32>
        %eq3A_235 = arith.cmpi eq, %shift_right_logical3A_233, %eq3A_234 : vector<16xi32>
        %and3A_236 = arith.andi %eq3A_235, %lt3A_228 : vector<16xi1>
        %swap3A_237 = arith.index_cast %add3A_219 : i32 to index
        %swap3A_238 = tpu.vector_load %arg10[%swap3A_237] masked %and3A_236 {strides = array<i32>} : memref<4096xi32, #tpu.memory_space<vmem>>, vector<16xi32>, vector<16xi1>
        tpu.vector_store %arg10[%swap3A_237], %get3A_230 masked %and3A_236 {strides = array<i32>} : memref<4096xi32, #tpu.memory_space<vmem>>, vector<16xi32>, vector<16xi1>
        %all_reduce_population_count3A_239 = tpu.all_reduce %and3A_236 {dim = 0 : i64, kind = #tpu.reduction_kind<sum>} : vector<16xi1> -> vector<16xi32>
        %slice3A_240 = vector.extract_strided_slice %all_reduce_population_count3A_239 {offsets = [0], sizes = [1], strides = [1]} : vector<16xi32> to vector<1xi32>
        %squeeze3A_241 = vector.extract %slice3A_240[0] : i32 from vector<1xi32>
        %add3A_242 = arith.addi %add3A_219, %squeeze3A_241 : i32
        %mul3A_243 = arith.constant 4 : i32
        %mul3A_244 = arith.muli %while3A_178, %mul3A_243 : i32
        %add3A_245 = arith.constant 3 : i32
        %add3A_246 = arith.addi %mul3A_244, %add3A_245 : i32
        %mul3A_247 = arith.constant 16 : i32
        %mul3A_248 = arith.muli %add3A_246, %mul3A_247 : i32
        %sub3A_249 = arith.subi %scan3A_64, %mul3A_248 : i32
        %lt3A_250 = vector.broadcast %sub3A_249 : i32 to vector<16xi32>
        %lt3A_251 = arith.cmpi slt, %iota3A, %lt3A_250 : vector<16xi32>
        %get3A_252 = arith.index_cast %mul3A_248 : i32 to index
        %get3A_253 = tpu.vector_load %arg9[%get3A_252] {strides = array<i32>} : memref<4096xi32, #tpu.memory_space<vmem>>, vector<16xi32>,
        %shift_right_logical3A_254 = arith.constant 24 : i32
        %shift_right_logical3A_255 = vector.broadcast %shift_right_logical3A_254 : i32 to vector<16xi32>
        %shift_right_logical3A_256 = arith.shrui %get3A_253, %shift_right_logical3A_255 : vector<16xi32>
        %eq3A_257 = vector.broadcast %while3A : i32 to vector<16xi32>
        %eq3A_258 = arith.cmpi eq, %shift_right_logical3A_256, %eq3A_257 : vector<16xi32>
        %and3A_259 = arith.andi %eq3A_258, %lt3A_251 : vector<16xi1>
        %swap3A_260 = arith.index_cast %add3A_242 : i32 to index
        %swap3A_261 = tpu.vector_load %arg10[%swap3A_260] masked %and3A_259 {strides = array<i32>} : memref<4096xi32, #tpu.memory_space<vmem>>, vector<16xi32>, vector<16xi1>
        tpu.vector_store %arg10[%swap3A_260], %get3A_253 masked %and3A_259 {strides = array<i32>} : memref<4096xi32, #tpu.memory_space<vmem>>, vector<16xi32>, vector<16xi1>
        %all_reduce_population_count3A_262 = tpu.all_reduce %and3A_259 {dim = 0 : i64, kind = #tpu.reduction_kind<sum>} : vector<16xi1> -> vector<16xi32>
        %slice3A_263 = vector.extract_strided_slice %all_reduce_population_count3A_262 {offsets = [0], sizes = [1], strides = [1]} : vector<16xi32> to vector<1xi32>
        %squeeze3A_264 = vector.extract %slice3A_263[0] : i32 from vector<1xi32>
        %add3A_265 = arith.addi %add3A_242, %squeeze3A_264 : i32
        scf.yield %add3A_265 : i32
      }
      %while3A_138 = arith.constant 1 : i32
      %while3A_139 = scf.for %while3A_178 = %while3A_135 to %while3A_131 step %while3A_138 iter_args(%while3A_179 = %while3A_137) -> (i32)  : i32 {
        %mul3A_180 = arith.constant 4 : i32
        %mul3A_181 = arith.muli %while3A_178, %mul3A_180 : i32
        %add3A_182 = arith.constant 0 : i32
        %add3A_183 = arith.addi %mul3A_181, %add3A_182 : i32
        %mul3A_184 = arith.constant 16 : i32
        %mul3A_185 = arith.muli %add3A_183, %mul3A_184 : i32
        %sub3A_186 = arith.subi %scan3A_64, %mul3A_185 : i32
        %lt3A_187 = vector.broadcast %sub3A_186 : i32 to vector<16xi32>
        %lt3A_188 = arith.cmpi slt, %iota3A, %lt3A_187 : vector<16xi32>
        %get3A = arith.index_cast %mul3A_185 : i32 to index
        %get3A_189 = tpu.vector_load %arg9[%get3A] {strides = array<i32>} : memref<4096xi32, #tpu.memory_space<vmem>>, vector<16xi32>,
        %shift_right_logical3A = arith.constant 24 : i32
        %shift_right_logical3A_190 = vector.broadcast %shift_right_logical3A : i32 to vector<16xi32>
        %shift_right_logical3A_191 = arith.shrui %get3A_189, %shift_right_logical3A_190 : vector<16xi32>
        %eq3A_192 = vector.broadcast %while3A : i32 to vector<16xi32>
        %eq3A_193 = arith.cmpi eq, %shift_right_logical3A_191, %eq3A_192 : vector<16xi32>
        %and3A_194 = arith.andi %eq3A_193, %lt3A_188 : vector<16xi1>
        %swap3A = arith.index_cast %while3A_179 : i32 to index
        %swap3A_195 = tpu.vector_load %arg10[%swap3A] masked %and3A_194 {strides = array<i32>} : memref<4096xi32, #tpu.memory_space<vmem>>, vector<16xi32>, vector<16xi1>
        tpu.vector_store %arg10[%swap3A], %get3A_189 masked %and3A_194 {strides = array<i32>} : memref<4096xi32, #tpu.memory_space<vmem>>, vector<16xi32>, vector<16xi1>
        %all_reduce_population_count3A = tpu.all_reduce %and3A_194 {dim = 0 : i64, kind = #tpu.reduction_kind<sum>} : vector<16xi1> -> vector<16xi32>
        %slice3A = vector.extract_strided_slice %all_reduce_population_count3A {offsets = [0], sizes = [1], strides = [1]} : vector<16xi32> to vector<1xi32>
        %squeeze3A = vector.extract %slice3A[0] : i32 from vector<1xi32>
        %add3A_196 = arith.addi %while3A_179, %squeeze3A : i32
        %mul3A_197 = arith.constant 4 : i32
        %mul3A_198 = arith.muli %while3A_178, %mul3A_197 : i32
        %add3A_199 = arith.constant 1 : i32
        %add3A_200 = arith.addi %mul3A_198, %add3A_199 : i32
        %mul3A_201 = arith.constant 16 : i32
        %mul3A_202 = arith.muli %add3A_200, %mul3A_201 : i32
        %sub3A_203 = arith.subi %scan3A_64, %mul3A_202 : i32
        %lt3A_204 = vector.broadcast %sub3A_203 : i32 to vector<16xi32>
        %lt3A_205 = arith.cmpi slt, %iota3A, %lt3A_204 : vector<16xi32>
        %get3A_206 = arith.index_cast %mul3A_202 : i32 to index
        %get3A_207 = tpu.vector_load %arg9[%get3A_206] {strides = array<i32>} : memref<4096xi32, #tpu.memory_space<vmem>>, vector<16xi32>,
        %shift_right_logical3A_208 = arith.constant 24 : i32
        %shift_right_logical3A_209 = vector.broadcast %shift_right_logical3A_208 : i32 to vector<16xi32>
        %shift_right_logical3A_210 = arith.shrui %get3A_207, %shift_right_logical3A_209 : vector<16xi32>
        %eq3A_211 = vector.broadcast %while3A : i32 to vector<16xi32>
        %eq3A_212 = arith.cmpi eq, %shift_right_logical3A_210, %eq3A_211 : vector<16xi32>
        %and3A_213 = arith.andi %eq3A_212, %lt3A_205 : vector<16xi1>
        %swap3A_214 = arith.index_cast %add3A_196 : i32 to index
        %swap3A_215 = tpu.vector_load %arg10[%swap3A_214] masked %and3A_213 {strides = array<i32>} : memref<4096xi32, #tpu.memory_space<vmem>>, vector<16xi32>, vector<16xi1>
        tpu.vector_store %arg10[%swap3A_214], %get3A_207 masked %and3A_213 {strides = array<i32>} : memref<4096xi32, #tpu.memory_space<vmem>>, vector<16xi32>, vector<16xi1>
        %all_reduce_population_count3A_216 = tpu.all_reduce %and3A_213 {dim = 0 : i64, kind = #tpu.reduction_kind<sum>} : vector<16xi1> -> vector<16xi32>
        %slice3A_217 = vector.extract_strided_slice %all_reduce_population_count3A_216 {offsets = [0], sizes = [1], strides = [1]} : vector<16xi32> to vector<1xi32>
        %squeeze3A_218 = vector.extract %slice3A_217[0] : i32 from vector<1xi32>
        %add3A_219 = arith.addi %add3A_196, %squeeze3A_218 : i32
        %mul3A_220 = arith.constant 4 : i32
        %mul3A_221 = arith.muli %while3A_178, %mul3A_220 : i32
        %add3A_222 = arith.constant 2 : i32
        %add3A_223 = arith.addi %mul3A_221, %add3A_222 : i32
        %mul3A_224 = arith.constant 16 : i32
        %mul3A_225 = arith.muli %add3A_223, %mul3A_224 : i32
        %sub3A_226 = arith.subi %scan3A_64, %mul3A_225 : i32
        %lt3A_227 = vector.broadcast %sub3A_226 : i32 to vector<16xi32>
        %lt3A_228 = arith.cmpi slt, %iota3A, %lt3A_227 : vector<16xi32>
        %get3A_229 = arith.index_cast %mul3A_225 : i32 to index
        %get3A_230 = tpu.vector_load %arg9[%get3A_229] {strides = array<i32>} : memref<4096xi32, #tpu.memory_space<vmem>>, vector<16xi32>,
        %shift_right_logical3A_231 = arith.constant 24 : i32
        %shift_right_logical3A_232 = vector.broadcast %shift_right_logical3A_231 : i32 to vector<16xi32>
        %shift_right_logical3A_233 = arith.shrui %get3A_230, %shift_right_logical3A_232 : vector<16xi32>
        %eq3A_234 = vector.broadcast %while3A : i32 to vector<16xi32>
        %eq3A_235 = arith.cmpi eq, %shift_right_logical3A_233, %eq3A_234 : vector<16xi32>
        %and3A_236 = arith.andi %eq3A_235, %lt3A_228 : vector<16xi1>
        %swap3A_237 = arith.index_cast %add3A_219 : i32 to index
        %swap3A_238 = tpu.vector_load %arg10[%swap3A_237] masked %and3A_236 {strides = array<i32>} : memref<4096xi32, #tpu.memory_space<vmem>>, vector<16xi32>, vector<16xi1>
        tpu.vector_store %arg10[%swap3A_237], %get3A_230 masked %and3A_236 {strides = array<i32>} : memref<4096xi32, #tpu.memory_space<vmem>>, vector<16xi32>, vector<16xi1>
        %all_reduce_population_count3A_239 = tpu.all_reduce %and3A_236 {dim = 0 : i64, kind = #tpu.reduction_kind<sum>} : vector<16xi1> -> vector<16xi32>
        %slice3A_240 = vector.extract_strided_slice %all_reduce_population_count3A_239 {offsets = [0], sizes = [1], strides = [1]} : vector<16xi32> to vector<1xi32>
        %squeeze3A_241 = vector.extract %slice3A_240[0] : i32 from vector<1xi32>
        %add3A_242 = arith.addi %add3A_219, %squeeze3A_241 : i32
        %mul3A_243 = arith.constant 4 : i32
        %mul3A_244 = arith.muli %while3A_178, %mul3A_243 : i32
        %add3A_245 = arith.constant 3 : i32
        %add3A_246 = arith.addi %mul3A_244, %add3A_245 : i32
        %mul3A_247 = arith.constant 16 : i32
        %mul3A_248 = arith.muli %add3A_246, %mul3A_247 : i32
        %sub3A_249 = arith.subi %scan3A_64, %mul3A_248 : i32
        %lt3A_250 = vector.broadcast %sub3A_249 : i32 to vector<16xi32>
        %lt3A_251 = arith.cmpi slt, %iota3A, %lt3A_250 : vector<16xi32>
        %get3A_252 = arith.index_cast %mul3A_248 : i32 to index
        %get3A_253 = tpu.vector_load %arg9[%get3A_252] {strides = array<i32>} : memref<4096xi32, #tpu.memory_space<vmem>>, vector<16xi32>,
        %shift_right_logical3A_254 = arith.constant 24 : i32
        %shift_right_logical3A_255 = vector.broadcast %shift_right_logical3A_254 : i32 to vector<16xi32>
        %shift_right_logical3A_256 = arith.shrui %get3A_253, %shift_right_logical3A_255 : vector<16xi32>
        %eq3A_257 = vector.broadcast %while3A : i32 to vector<16xi32>
        %eq3A_258 = arith.cmpi eq, %shift_right_logical3A_256, %eq3A_257 : vector<16xi32>
        %and3A_259 = arith.andi %eq3A_258, %lt3A_251 : vector<16xi1>
        %swap3A_260 = arith.index_cast %add3A_242 : i32 to index
        %swap3A_261 = tpu.vector_load %arg10[%swap3A_260] masked %and3A_259 {strides = array<i32>} : memref<4096xi32, #tpu.memory_space<vmem>>, vector<16xi32>, vector<16xi1>
        tpu.vector_store %arg10[%swap3A_260], %get3A_253 masked %and3A_259 {strides = array<i32>} : memref<4096xi32, #tpu.memory_space<vmem>>, vector<16xi32>, vector<16xi1>
        %all_reduce_population_count3A_262 = tpu.all_reduce %and3A_259 {dim = 0 : i64, kind = #tpu.reduction_kind<sum>} : vector<16xi1> -> vector<16xi32>
        %slice3A_263 = vector.extract_strided_slice %all_reduce_population_count3A_262 {offsets = [0], sizes = [1], strides = [1]} : vector<16xi32> to vector<1xi32>
        %squeeze3A_264 = vector.extract %slice3A_263[0] : i32 from vector<1xi32>
        %add3A_265 = arith.addi %add3A_242, %squeeze3A_264 : i32
        scf.yield %add3A_265 : i32
      }
      %add3A_140 = arith.constant 16 : i32
      %add3A_141 = arith.addi %while3A_139, %add3A_140 : i32
      %sub3A_142 = arith.constant 1 : i32
      %sub3A_143 = arith.subi %add3A_141, %sub3A_142 : i32
      %jit3A_144 = arith.constant 16 : i32
      %div3A_145 = arith.divsi %sub3A_143, %jit3A_144 : i32
      %sign3A_146 = arith.constant 0 : i32
      %sign3A_147 = arith.cmpi sgt, %sub3A_143, %sign3A_146 : i32
      %sign3A_148 = arith.extui %sign3A_147 : i1 to i32
      %sign3A_149 = arith.constant 0 : i32
      %sign3A_150 = arith.cmpi slt, %sub3A_143, %sign3A_149 : i32
      %sign3A_151 = arith.extui %sign3A_150 : i1 to i32
      %sign3A_152 = arith.subi %sign3A_148, %sign3A_151 : i32
      %sign3A_153 = arith.constant 0 : i32
      %sign3A_154 = arith.cmpi sgt, %jit3A_144, %sign3A_153 : i32
      %sign3A_155 = arith.extui %sign3A_154 : i1 to i32
      %sign3A_156 = arith.constant 0 : i32
      %sign3A_157 = arith.cmpi slt, %jit3A_144, %sign3A_156 : i32
      %sign3A_158 = arith.extui %sign3A_157 : i1 to i32
      %sign3A_159 = arith.subi %sign3A_155, %sign3A_158 : i32
      %ne3A_160 = arith.cmpi ne, %sign3A_152, %sign3A_159 : i32
      %rem3A_161 = arith.remsi %sub3A_143, %jit3A_144 : i32
      %ne3A_162 = arith.constant 0 : i32
      %ne3A_163 = arith.cmpi ne, %rem3A_161, %ne3A_162 : i32
      %and3A_164 = arith.andi %ne3A_160, %ne3A_163 : i1
      %sub3A_165 = arith.constant 1 : i32
      %sub3A_166 = arith.subi %div3A_145, %sub3A_165 : i32
      %select_n3A_167 = arith.select %and3A_164, %sub3A_166, %div3A_145 : i32
      %while3A_168 = arith.constant 0 : i32
      %while3A_169 = arith.constant 0 : i32
      %while3A_170 = arith.subi %select_n3A_167, %while3A_169 : i32
      %while3A_171 = arith.addi %while3A_169, %while3A_170 : i32
      %while3A_172 = arith.constant 1 : i32
      %while3A_173 = arith.divsi %while3A_170, %while3A_172 : i32
      %while3A_174 = arith.muli %while3A_173, %while3A_172 : i32
      %while3A_175 = arith.addi %while3A_169, %while3A_174 : i32
      %while3A_176 = arith.constant 1 : i32
      scf.for %while3A_178 = %while3A_169 to %while3A_175 step %while3A_176  : i32 {
        %mul3A_179 = arith.constant 16 : i32
        %mul3A_180 = arith.muli %while3A_178, %mul3A_179 : i32
        %sub3A_181 = arith.subi %while3A_139, %mul3A_180 : i32
        %lt3A_182 = vector.broadcast %sub3A_181 : i32 to vector<16xi32>
        %lt3A_183 = arith.cmpi slt, %iota3A, %lt3A_182 : vector<16xi32>
        %get3A = arith.index_cast %mul3A_180 : i32 to index
        %get3A_184 = tpu.vector_load %arg10[%get3A] {strides = array<i32>} : memref<4096xi32, #tpu.memory_space<vmem>>, vector<16xi32>,
        %shift_right_logical3A = arith.constant 12 : i32
        %shift_right_logical3A_185 = vector.broadcast %shift_right_logical3A : i32 to vector<16xi32>
        %shift_right_logical3A_186 = arith.shrui %get3A_184, %shift_right_logical3A_185 : vector<16xi32>
        %and3A_187 = arith.constant 4095 : i32
        %and3A_188 = vector.broadcast %and3A_187 : i32 to vector<16xi32>
        %and3A_189 = arith.andi %shift_right_logical3A_186, %and3A_188 : vector<16xi32>
        %jit3A_190 = arith.constant 0 : i32
        %broadcast_in_dim3A = vector.broadcast %jit3A_190 : i32 to vector<16xi32>
        %select_n3A_191 = arith.select %lt3A_183, %and3A_189, %broadcast_in_dim3A : vector<16xi1>, vector<16xi32>
        %and3A_192 = arith.constant 4095 : i32
        %and3A_193 = vector.broadcast %and3A_192 : i32 to vector<16xi32>
        %and3A_194 = arith.andi %get3A_184, %and3A_193 : vector<16xi32>
        %add3A_195 = arith.constant 4096 : i32
        %add3A_196 = vector.broadcast %add3A_195 : i32 to vector<16xi32>
        %add3A_197 = arith.addi %add3A_196, %iota3A : vector<16xi32>
        %select_n3A_198 = arith.select %lt3A_183, %and3A_194, %add3A_197 : vector<16xi1>, vector<16xi32>
        %broadcast_in_dim3A_199 = arith.constant 0 : i32
        %broadcast_in_dim3A_200 = vector.broadcast %broadcast_in_dim3A_199 : i32 to vector<16xi32>
        %gather3A = arith.constant 0 : i32
        %gather3A_201 = arith.constant 0 : i32
        %gather3A_202 = arith.constant 0 : i32
        %gather3A_203 = tpu.memref_slice %arg11[%gather3A, %gather3A_201, %gather3A_202] : memref<2x8x4096xf32, #tpu.memory_space<vmem>> -> memref<1x8x4096xf32, #tpu.memory_space<vmem>>
        %gather3A_204 = tpu.memref_squeeze %gather3A_203 : memref<1x8x4096xf32, #tpu.memory_space<vmem>> -> memref<8x4096xf32, #tpu.memory_space<vmem>>
        %gather3A_205 = tpu.vector_load_idx %gather3A_204[%broadcast_in_dim3A_200, %select_n3A_191] : memref<8x4096xf32, #tpu.memory_space<vmem>>[vector<16xi32>, vector<16xi32>], vector<16xf32>,
        tpu.vector_store_idx %arg12[%broadcast_in_dim3A_200, %select_n3A_198], %gather3A_205 : memref<8x4112xf32, #tpu.memory_space<vmem>>[vector<16xi32>, vector<16xi32>], vector<16xf32>,
        %broadcast_in_dim3A_206 = arith.constant 1 : i32
        %broadcast_in_dim3A_207 = vector.broadcast %broadcast_in_dim3A_206 : i32 to vector<16xi32>
        %gather3A_208 = arith.constant 0 : i32
        %gather3A_209 = arith.constant 0 : i32
        %gather3A_210 = arith.constant 0 : i32
        %gather3A_211 = tpu.memref_slice %arg11[%gather3A_208, %gather3A_209, %gather3A_210] : memref<2x8x4096xf32, #tpu.memory_space<vmem>> -> memref<1x8x4096xf32, #tpu.memory_space<vmem>>
        %gather3A_212 = tpu.memref_squeeze %gather3A_211 : memref<1x8x4096xf32, #tpu.memory_space<vmem>> -> memref<8x4096xf32, #tpu.memory_space<vmem>>
        %gather3A_213 = tpu.vector_load_idx %gather3A_212[%broadcast_in_dim3A_207, %select_n3A_191] : memref<8x4096xf32, #tpu.memory_space<vmem>>[vector<16xi32>, vector<16xi32>], vector<16xf32>,
        tpu.vector_store_idx %arg12[%broadcast_in_dim3A_207, %select_n3A_198], %gather3A_213 : memref<8x4112xf32, #tpu.memory_space<vmem>>[vector<16xi32>, vector<16xi32>], vector<16xf32>,
        %broadcast_in_dim3A_214 = arith.constant 2 : i32
        %broadcast_in_dim3A_215 = vector.broadcast %broadcast_in_dim3A_214 : i32 to vector<16xi32>
        %gather3A_216 = arith.constant 0 : i32
        %gather3A_217 = arith.constant 0 : i32
        %gather3A_218 = arith.constant 0 : i32
        %gather3A_219 = tpu.memref_slice %arg11[%gather3A_216, %gather3A_217, %gather3A_218] : memref<2x8x4096xf32, #tpu.memory_space<vmem>> -> memref<1x8x4096xf32, #tpu.memory_space<vmem>>
        %gather3A_220 = tpu.memref_squeeze %gather3A_219 : memref<1x8x4096xf32, #tpu.memory_space<vmem>> -> memref<8x4096xf32, #tpu.memory_space<vmem>>
        %gather3A_221 = tpu.vector_load_idx %gather3A_220[%broadcast_in_dim3A_215, %select_n3A_191] : memref<8x4096xf32, #tpu.memory_space<vmem>>[vector<16xi32>, vector<16xi32>], vector<16xf32>,
        tpu.vector_store_idx %arg12[%broadcast_in_dim3A_215, %select_n3A_198], %gather3A_221 : memref<8x4112xf32, #tpu.memory_space<vmem>>[vector<16xi32>, vector<16xi32>], vector<16xf32>,
        %broadcast_in_dim3A_222 = arith.constant 3 : i32
        %broadcast_in_dim3A_223 = vector.broadcast %broadcast_in_dim3A_222 : i32 to vector<16xi32>
        %gather3A_224 = arith.constant 0 : i32
        %gather3A_225 = arith.constant 0 : i32
        %gather3A_226 = arith.constant 0 : i32
        %gather3A_227 = tpu.memref_slice %arg11[%gather3A_224, %gather3A_225, %gather3A_226] : memref<2x8x4096xf32, #tpu.memory_space<vmem>> -> memref<1x8x4096xf32, #tpu.memory_space<vmem>>
        %gather3A_228 = tpu.memref_squeeze %gather3A_227 : memref<1x8x4096xf32, #tpu.memory_space<vmem>> -> memref<8x4096xf32, #tpu.memory_space<vmem>>
        %gather3A_229 = tpu.vector_load_idx %gather3A_228[%broadcast_in_dim3A_223, %select_n3A_191] : memref<8x4096xf32, #tpu.memory_space<vmem>>[vector<16xi32>, vector<16xi32>], vector<16xf32>,
        tpu.vector_store_idx %arg12[%broadcast_in_dim3A_223, %select_n3A_198], %gather3A_229 : memref<8x4112xf32, #tpu.memory_space<vmem>>[vector<16xi32>, vector<16xi32>], vector<16xf32>,
        %broadcast_in_dim3A_230 = arith.constant 4 : i32
        %broadcast_in_dim3A_231 = vector.broadcast %broadcast_in_dim3A_230 : i32 to vector<16xi32>
        %gather3A_232 = arith.constant 0 : i32
        %gather3A_233 = arith.constant 0 : i32
        %gather3A_234 = arith.constant 0 : i32
        %gather3A_235 = tpu.memref_slice %arg11[%gather3A_232, %gather3A_233, %gather3A_234] : memref<2x8x4096xf32, #tpu.memory_space<vmem>> -> memref<1x8x4096xf32, #tpu.memory_space<vmem>>
        %gather3A_236 = tpu.memref_squeeze %gather3A_235 : memref<1x8x4096xf32, #tpu.memory_space<vmem>> -> memref<8x4096xf32, #tpu.memory_space<vmem>>
        %gather3A_237 = tpu.vector_load_idx %gather3A_236[%broadcast_in_dim3A_231, %select_n3A_191] : memref<8x4096xf32, #tpu.memory_space<vmem>>[vector<16xi32>, vector<16xi32>], vector<16xf32>,
        tpu.vector_store_idx %arg12[%broadcast_in_dim3A_231, %select_n3A_198], %gather3A_237 : memref<8x4112xf32, #tpu.memory_space<vmem>>[vector<16xi32>, vector<16xi32>], vector<16xf32>,
        %broadcast_in_dim3A_238 = arith.constant 5 : i32
        %broadcast_in_dim3A_239 = vector.broadcast %broadcast_in_dim3A_238 : i32 to vector<16xi32>
        %gather3A_240 = arith.constant 0 : i32
        %gather3A_241 = arith.constant 0 : i32
        %gather3A_242 = arith.constant 0 : i32
        %gather3A_243 = tpu.memref_slice %arg11[%gather3A_240, %gather3A_241, %gather3A_242] : memref<2x8x4096xf32, #tpu.memory_space<vmem>> -> memref<1x8x4096xf32, #tpu.memory_space<vmem>>
        %gather3A_244 = tpu.memref_squeeze %gather3A_243 : memref<1x8x4096xf32, #tpu.memory_space<vmem>> -> memref<8x4096xf32, #tpu.memory_space<vmem>>
        %gather3A_245 = tpu.vector_load_idx %gather3A_244[%broadcast_in_dim3A_239, %select_n3A_191] : memref<8x4096xf32, #tpu.memory_space<vmem>>[vector<16xi32>, vector<16xi32>], vector<16xf32>,
        tpu.vector_store_idx %arg12[%broadcast_in_dim3A_239, %select_n3A_198], %gather3A_245 : memref<8x4112xf32, #tpu.memory_space<vmem>>[vector<16xi32>, vector<16xi32>], vector<16xf32>,
        %broadcast_in_dim3A_246 = arith.constant 6 : i32
        %broadcast_in_dim3A_247 = vector.broadcast %broadcast_in_dim3A_246 : i32 to vector<16xi32>
        %gather3A_248 = arith.constant 0 : i32
        %gather3A_249 = arith.constant 0 : i32
        %gather3A_250 = arith.constant 0 : i32
        %gather3A_251 = tpu.memref_slice %arg11[%gather3A_248, %gather3A_249, %gather3A_250] : memref<2x8x4096xf32, #tpu.memory_space<vmem>> -> memref<1x8x4096xf32, #tpu.memory_space<vmem>>
        %gather3A_252 = tpu.memref_squeeze %gather3A_251 : memref<1x8x4096xf32, #tpu.memory_space<vmem>> -> memref<8x4096xf32, #tpu.memory_space<vmem>>
        %gather3A_253 = tpu.vector_load_idx %gather3A_252[%broadcast_in_dim3A_247, %select_n3A_191] : memref<8x4096xf32, #tpu.memory_space<vmem>>[vector<16xi32>, vector<16xi32>], vector<16xf32>,
        tpu.vector_store_idx %arg12[%broadcast_in_dim3A_247, %select_n3A_198], %gather3A_253 : memref<8x4112xf32, #tpu.memory_space<vmem>>[vector<16xi32>, vector<16xi32>], vector<16xf32>,
        %broadcast_in_dim3A_254 = arith.constant 7 : i32
        %broadcast_in_dim3A_255 = vector.broadcast %broadcast_in_dim3A_254 : i32 to vector<16xi32>
        %gather3A_256 = arith.constant 0 : i32
        %gather3A_257 = arith.constant 0 : i32
        %gather3A_258 = arith.constant 0 : i32
        %gather3A_259 = tpu.memref_slice %arg11[%gather3A_256, %gather3A_257, %gather3A_258] : memref<2x8x4096xf32, #tpu.memory_space<vmem>> -> memref<1x8x4096xf32, #tpu.memory_space<vmem>>
        %gather3A_260 = tpu.memref_squeeze %gather3A_259 : memref<1x8x4096xf32, #tpu.memory_space<vmem>> -> memref<8x4096xf32, #tpu.memory_space<vmem>>
        %gather3A_261 = tpu.vector_load_idx %gather3A_260[%broadcast_in_dim3A_255, %select_n3A_191] : memref<8x4096xf32, #tpu.memory_space<vmem>>[vector<16xi32>, vector<16xi32>], vector<16xf32>,
        tpu.vector_store_idx %arg12[%broadcast_in_dim3A_255, %select_n3A_198], %gather3A_261 : memref<8x4112xf32, #tpu.memory_space<vmem>>[vector<16xi32>, vector<16xi32>], vector<16xf32>,
      }
      %while3A_177 = arith.constant 1 : i32
      scf.for %while3A_178 = %while3A_175 to %while3A_171 step %while3A_177  : i32 {
        %mul3A_179 = arith.constant 16 : i32
        %mul3A_180 = arith.muli %while3A_178, %mul3A_179 : i32
        %sub3A_181 = arith.subi %while3A_139, %mul3A_180 : i32
        %lt3A_182 = vector.broadcast %sub3A_181 : i32 to vector<16xi32>
        %lt3A_183 = arith.cmpi slt, %iota3A, %lt3A_182 : vector<16xi32>
        %get3A = arith.index_cast %mul3A_180 : i32 to index
        %get3A_184 = tpu.vector_load %arg10[%get3A] {strides = array<i32>} : memref<4096xi32, #tpu.memory_space<vmem>>, vector<16xi32>,
        %shift_right_logical3A = arith.constant 12 : i32
        %shift_right_logical3A_185 = vector.broadcast %shift_right_logical3A : i32 to vector<16xi32>
        %shift_right_logical3A_186 = arith.shrui %get3A_184, %shift_right_logical3A_185 : vector<16xi32>
        %and3A_187 = arith.constant 4095 : i32
        %and3A_188 = vector.broadcast %and3A_187 : i32 to vector<16xi32>
        %and3A_189 = arith.andi %shift_right_logical3A_186, %and3A_188 : vector<16xi32>
        %jit3A_190 = arith.constant 0 : i32
        %broadcast_in_dim3A = vector.broadcast %jit3A_190 : i32 to vector<16xi32>
        %select_n3A_191 = arith.select %lt3A_183, %and3A_189, %broadcast_in_dim3A : vector<16xi1>, vector<16xi32>
        %and3A_192 = arith.constant 4095 : i32
        %and3A_193 = vector.broadcast %and3A_192 : i32 to vector<16xi32>
        %and3A_194 = arith.andi %get3A_184, %and3A_193 : vector<16xi32>
        %add3A_195 = arith.constant 4096 : i32
        %add3A_196 = vector.broadcast %add3A_195 : i32 to vector<16xi32>
        %add3A_197 = arith.addi %add3A_196, %iota3A : vector<16xi32>
        %select_n3A_198 = arith.select %lt3A_183, %and3A_194, %add3A_197 : vector<16xi1>, vector<16xi32>
        %broadcast_in_dim3A_199 = arith.constant 0 : i32
        %broadcast_in_dim3A_200 = vector.broadcast %broadcast_in_dim3A_199 : i32 to vector<16xi32>
        %gather3A = arith.constant 0 : i32
        %gather3A_201 = arith.constant 0 : i32
        %gather3A_202 = arith.constant 0 : i32
        %gather3A_203 = tpu.memref_slice %arg11[%gather3A, %gather3A_201, %gather3A_202] : memref<2x8x4096xf32, #tpu.memory_space<vmem>> -> memref<1x8x4096xf32, #tpu.memory_space<vmem>>
        %gather3A_204 = tpu.memref_squeeze %gather3A_203 : memref<1x8x4096xf32, #tpu.memory_space<vmem>> -> memref<8x4096xf32, #tpu.memory_space<vmem>>
        %gather3A_205 = tpu.vector_load_idx %gather3A_204[%broadcast_in_dim3A_200, %select_n3A_191] : memref<8x4096xf32, #tpu.memory_space<vmem>>[vector<16xi32>, vector<16xi32>], vector<16xf32>,
        tpu.vector_store_idx %arg12[%broadcast_in_dim3A_200, %select_n3A_198], %gather3A_205 : memref<8x4112xf32, #tpu.memory_space<vmem>>[vector<16xi32>, vector<16xi32>], vector<16xf32>,
        %broadcast_in_dim3A_206 = arith.constant 1 : i32
        %broadcast_in_dim3A_207 = vector.broadcast %broadcast_in_dim3A_206 : i32 to vector<16xi32>
        %gather3A_208 = arith.constant 0 : i32
        %gather3A_209 = arith.constant 0 : i32
        %gather3A_210 = arith.constant 0 : i32
        %gather3A_211 = tpu.memref_slice %arg11[%gather3A_208, %gather3A_209, %gather3A_210] : memref<2x8x4096xf32, #tpu.memory_space<vmem>> -> memref<1x8x4096xf32, #tpu.memory_space<vmem>>
        %gather3A_212 = tpu.memref_squeeze %gather3A_211 : memref<1x8x4096xf32, #tpu.memory_space<vmem>> -> memref<8x4096xf32, #tpu.memory_space<vmem>>
        %gather3A_213 = tpu.vector_load_idx %gather3A_212[%broadcast_in_dim3A_207, %select_n3A_191] : memref<8x4096xf32, #tpu.memory_space<vmem>>[vector<16xi32>, vector<16xi32>], vector<16xf32>,
        tpu.vector_store_idx %arg12[%broadcast_in_dim3A_207, %select_n3A_198], %gather3A_213 : memref<8x4112xf32, #tpu.memory_space<vmem>>[vector<16xi32>, vector<16xi32>], vector<16xf32>,
        %broadcast_in_dim3A_214 = arith.constant 2 : i32
        %broadcast_in_dim3A_215 = vector.broadcast %broadcast_in_dim3A_214 : i32 to vector<16xi32>
        %gather3A_216 = arith.constant 0 : i32
        %gather3A_217 = arith.constant 0 : i32
        %gather3A_218 = arith.constant 0 : i32
        %gather3A_219 = tpu.memref_slice %arg11[%gather3A_216, %gather3A_217, %gather3A_218] : memref<2x8x4096xf32, #tpu.memory_space<vmem>> -> memref<1x8x4096xf32, #tpu.memory_space<vmem>>
        %gather3A_220 = tpu.memref_squeeze %gather3A_219 : memref<1x8x4096xf32, #tpu.memory_space<vmem>> -> memref<8x4096xf32, #tpu.memory_space<vmem>>
        %gather3A_221 = tpu.vector_load_idx %gather3A_220[%broadcast_in_dim3A_215, %select_n3A_191] : memref<8x4096xf32, #tpu.memory_space<vmem>>[vector<16xi32>, vector<16xi32>], vector<16xf32>,
        tpu.vector_store_idx %arg12[%broadcast_in_dim3A_215, %select_n3A_198], %gather3A_221 : memref<8x4112xf32, #tpu.memory_space<vmem>>[vector<16xi32>, vector<16xi32>], vector<16xf32>,
        %broadcast_in_dim3A_222 = arith.constant 3 : i32
        %broadcast_in_dim3A_223 = vector.broadcast %broadcast_in_dim3A_222 : i32 to vector<16xi32>
        %gather3A_224 = arith.constant 0 : i32
        %gather3A_225 = arith.constant 0 : i32
        %gather3A_226 = arith.constant 0 : i32
        %gather3A_227 = tpu.memref_slice %arg11[%gather3A_224, %gather3A_225, %gather3A_226] : memref<2x8x4096xf32, #tpu.memory_space<vmem>> -> memref<1x8x4096xf32, #tpu.memory_space<vmem>>
        %gather3A_228 = tpu.memref_squeeze %gather3A_227 : memref<1x8x4096xf32, #tpu.memory_space<vmem>> -> memref<8x4096xf32, #tpu.memory_space<vmem>>
        %gather3A_229 = tpu.vector_load_idx %gather3A_228[%broadcast_in_dim3A_223, %select_n3A_191] : memref<8x4096xf32, #tpu.memory_space<vmem>>[vector<16xi32>, vector<16xi32>], vector<16xf32>,
        tpu.vector_store_idx %arg12[%broadcast_in_dim3A_223, %select_n3A_198], %gather3A_229 : memref<8x4112xf32, #tpu.memory_space<vmem>>[vector<16xi32>, vector<16xi32>], vector<16xf32>,
        %broadcast_in_dim3A_230 = arith.constant 4 : i32
        %broadcast_in_dim3A_231 = vector.broadcast %broadcast_in_dim3A_230 : i32 to vector<16xi32>
        %gather3A_232 = arith.constant 0 : i32
        %gather3A_233 = arith.constant 0 : i32
        %gather3A_234 = arith.constant 0 : i32
        %gather3A_235 = tpu.memref_slice %arg11[%gather3A_232, %gather3A_233, %gather3A_234] : memref<2x8x4096xf32, #tpu.memory_space<vmem>> -> memref<1x8x4096xf32, #tpu.memory_space<vmem>>
        %gather3A_236 = tpu.memref_squeeze %gather3A_235 : memref<1x8x4096xf32, #tpu.memory_space<vmem>> -> memref<8x4096xf32, #tpu.memory_space<vmem>>
        %gather3A_237 = tpu.vector_load_idx %gather3A_236[%broadcast_in_dim3A_231, %select_n3A_191] : memref<8x4096xf32, #tpu.memory_space<vmem>>[vector<16xi32>, vector<16xi32>], vector<16xf32>,
        tpu.vector_store_idx %arg12[%broadcast_in_dim3A_231, %select_n3A_198], %gather3A_237 : memref<8x4112xf32, #tpu.memory_space<vmem>>[vector<16xi32>, vector<16xi32>], vector<16xf32>,
        %broadcast_in_dim3A_238 = arith.constant 5 : i32
        %broadcast_in_dim3A_239 = vector.broadcast %broadcast_in_dim3A_238 : i32 to vector<16xi32>
        %gather3A_240 = arith.constant 0 : i32
        %gather3A_241 = arith.constant 0 : i32
        %gather3A_242 = arith.constant 0 : i32
        %gather3A_243 = tpu.memref_slice %arg11[%gather3A_240, %gather3A_241, %gather3A_242] : memref<2x8x4096xf32, #tpu.memory_space<vmem>> -> memref<1x8x4096xf32, #tpu.memory_space<vmem>>
        %gather3A_244 = tpu.memref_squeeze %gather3A_243 : memref<1x8x4096xf32, #tpu.memory_space<vmem>> -> memref<8x4096xf32, #tpu.memory_space<vmem>>
        %gather3A_245 = tpu.vector_load_idx %gather3A_244[%broadcast_in_dim3A_239, %select_n3A_191] : memref<8x4096xf32, #tpu.memory_space<vmem>>[vector<16xi32>, vector<16xi32>], vector<16xf32>,
        tpu.vector_store_idx %arg12[%broadcast_in_dim3A_239, %select_n3A_198], %gather3A_245 : memref<8x4112xf32, #tpu.memory_space<vmem>>[vector<16xi32>, vector<16xi32>], vector<16xf32>,
        %broadcast_in_dim3A_246 = arith.constant 6 : i32
        %broadcast_in_dim3A_247 = vector.broadcast %broadcast_in_dim3A_246 : i32 to vector<16xi32>
        %gather3A_248 = arith.constant 0 : i32
        %gather3A_249 = arith.constant 0 : i32
        %gather3A_250 = arith.constant 0 : i32
        %gather3A_251 = tpu.memref_slice %arg11[%gather3A_248, %gather3A_249, %gather3A_250] : memref<2x8x4096xf32, #tpu.memory_space<vmem>> -> memref<1x8x4096xf32, #tpu.memory_space<vmem>>
        %gather3A_252 = tpu.memref_squeeze %gather3A_251 : memref<1x8x4096xf32, #tpu.memory_space<vmem>> -> memref<8x4096xf32, #tpu.memory_space<vmem>>
        %gather3A_253 = tpu.vector_load_idx %gather3A_252[%broadcast_in_dim3A_247, %select_n3A_191] : memref<8x4096xf32, #tpu.memory_space<vmem>>[vector<16xi32>, vector<16xi32>], vector<16xf32>,
        tpu.vector_store_idx %arg12[%broadcast_in_dim3A_247, %select_n3A_198], %gather3A_253 : memref<8x4112xf32, #tpu.memory_space<vmem>>[vector<16xi32>, vector<16xi32>], vector<16xf32>,
        %broadcast_in_dim3A_254 = arith.constant 7 : i32
        %broadcast_in_dim3A_255 = vector.broadcast %broadcast_in_dim3A_254 : i32 to vector<16xi32>
        %gather3A_256 = arith.constant 0 : i32
        %gather3A_257 = arith.constant 0 : i32
        %gather3A_258 = arith.constant 0 : i32
        %gather3A_259 = tpu.memref_slice %arg11[%gather3A_256, %gather3A_257, %gather3A_258] : memref<2x8x4096xf32, #tpu.memory_space<vmem>> -> memref<1x8x4096xf32, #tpu.memory_space<vmem>>
        %gather3A_260 = tpu.memref_squeeze %gather3A_259 : memref<1x8x4096xf32, #tpu.memory_space<vmem>> -> memref<8x4096xf32, #tpu.memory_space<vmem>>
        %gather3A_261 = tpu.vector_load_idx %gather3A_260[%broadcast_in_dim3A_255, %select_n3A_191] : memref<8x4096xf32, #tpu.memory_space<vmem>>[vector<16xi32>, vector<16xi32>], vector<16xf32>,
        tpu.vector_store_idx %arg12[%broadcast_in_dim3A_255, %select_n3A_198], %gather3A_261 : memref<8x4112xf32, #tpu.memory_space<vmem>>[vector<16xi32>, vector<16xi32>], vector<16xf32>,
      }
    } else {
    }
    %eq3A_73 = arith.constant 3 : i32
    %eq3A_74 = arith.cmpi eq, %select_n3A, %eq3A_73 : i32
    %convert_element_type3A_75 = arith.extui %eq3A_74 : i1 to i32
    %cond3A_76 = arith.constant 0 : i32
    %cond3A_77 = arith.cmpi ne, %convert_element_type3A_75, %cond3A_76 : i32
    scf.if %cond3A_77 {
      %add3A_98 = arith.constant 24576 : i32
      %add3A_99 = arith.addi %multiple_of3A_28, %add3A_98 : i32
      %run_scoped3A = arith.constant 0 : i32
      "tpu.region"() ({
        %run_scoped3A_178 = tpu.sem_alloc : memref<!tpu.dma_semaphore, #tpu.memory_space<semaphore_mem>>
        %dma_start3A_179 = arith.constant 0 : i32
        %dma_start3A_180 = arith.constant 0 : i32
        %dma_start3A_181 = tpu.memref_slice %arg11[%run_scoped3A, %dma_start3A_179, %dma_start3A_180] : memref<2x8x4096xf32, #tpu.memory_space<vmem>> -> memref<1x8x256xf32, #tpu.memory_space<vmem>>
        %dma_start3A_182 = tpu.memref_squeeze %dma_start3A_181 : memref<1x8x256xf32, #tpu.memory_space<vmem>> -> memref<8x256xf32, #tpu.memory_space<vmem>>
        %dma_start3A_183 = tpu.memref_slice %arg3[%multiple_of3A, %add3A_99] : memref<64x100000xf32, #tpu.memory_space<hbm>> -> memref<8x256xf32, #tpu.memory_space<hbm>>
        %dma_start3A_184 = arith.constant 0 : i32
        %dma_start3A_185 = arith.constant 0 : i32
        %dma_start3A_186 = tpu.memref_slice %arg11[%run_scoped3A, %dma_start3A_184, %dma_start3A_185] : memref<2x8x4096xf32, #tpu.memory_space<vmem>> -> memref<1x8x256xf32, #tpu.memory_space<vmem>>
        %dma_start3A_187 = tpu.memref_squeeze %dma_start3A_186 : memref<1x8x256xf32, #tpu.memory_space<vmem>> -> memref<8x256xf32, #tpu.memory_space<vmem>>
        %dma_start3A_188 = tpu.memref_slice %arg3[%multiple_of3A, %add3A_99] : memref<64x100000xf32, #tpu.memory_space<hbm>> -> memref<8x256xf32, #tpu.memory_space<hbm>>
        tpu.enqueue_dma source(%dma_start3A_188 : memref<8x256xf32, #tpu.memory_space<hbm>>) target(%dma_start3A_187 : memref<8x256xf32, #tpu.memory_space<vmem>>) target_semaphore(%run_scoped3A_178 : memref<!tpu.dma_semaphore, #tpu.memory_space<semaphore_mem>>)
        %dma_wait3A = arith.constant 0 : i32
        %dma_wait3A_189 = arith.constant 0 : i32
        %dma_wait3A_190 = tpu.memref_slice %arg11[%run_scoped3A, %dma_wait3A, %dma_wait3A_189] : memref<2x8x4096xf32, #tpu.memory_space<vmem>> -> memref<1x8x256xf32, #tpu.memory_space<vmem>>
        %dma_wait3A_191 = tpu.memref_squeeze %dma_wait3A_190 : memref<1x8x256xf32, #tpu.memory_space<vmem>> -> memref<8x256xf32, #tpu.memory_space<vmem>>
        %dma_wait3A_192 = tpu.memref_slice %arg3[%multiple_of3A, %add3A_99] : memref<64x100000xf32, #tpu.memory_space<hbm>> -> memref<8x256xf32, #tpu.memory_space<hbm>>
        %dma_wait3A_193 = arith.constant 0 : i32
        %dma_wait3A_194 = arith.constant 0 : i32
        %dma_wait3A_195 = tpu.memref_slice %arg11[%run_scoped3A, %dma_wait3A_193, %dma_wait3A_194] : memref<2x8x4096xf32, #tpu.memory_space<vmem>> -> memref<1x8x256xf32, #tpu.memory_space<vmem>>
        %dma_wait3A_196 = tpu.memref_squeeze %dma_wait3A_195 : memref<1x8x256xf32, #tpu.memory_space<vmem>> -> memref<8x256xf32, #tpu.memory_space<vmem>>
        %dma_wait3A_197 = tpu.memref_slice %arg3[%multiple_of3A, %add3A_99] : memref<64x100000xf32, #tpu.memory_space<hbm>> -> memref<8x256xf32, #tpu.memory_space<hbm>>
        tpu.wait_dma2 semaphore(%run_scoped3A_178 : memref<!tpu.dma_semaphore, #tpu.memory_space<semaphore_mem>>) src(%dma_wait3A_197 : memref<8x256xf32, #tpu.memory_space<hbm>>) dst(%dma_wait3A_196 : memref<8x256xf32, #tpu.memory_space<vmem>>)
        tpu.yield
      }) : () -> ()
      %add3A_100 = arith.constant 64 : i32
      %add3A_101 = arith.addi %scan3A_64, %add3A_100 : i32
      %sub3A_102 = arith.constant 1 : i32
      %sub3A_103 = arith.subi %add3A_101, %sub3A_102 : i32
      %jit3A_104 = arith.constant 64 : i32
      %div3A_105 = arith.divsi %sub3A_103, %jit3A_104 : i32
      %sign3A_106 = arith.constant 0 : i32
      %sign3A_107 = arith.cmpi sgt, %sub3A_103, %sign3A_106 : i32
      %sign3A_108 = arith.extui %sign3A_107 : i1 to i32
      %sign3A_109 = arith.constant 0 : i32
      %sign3A_110 = arith.cmpi slt, %sub3A_103, %sign3A_109 : i32
      %sign3A_111 = arith.extui %sign3A_110 : i1 to i32
      %sign3A_112 = arith.subi %sign3A_108, %sign3A_111 : i32
      %sign3A_113 = arith.constant 0 : i32
      %sign3A_114 = arith.cmpi sgt, %jit3A_104, %sign3A_113 : i32
      %sign3A_115 = arith.extui %sign3A_114 : i1 to i32
      %sign3A_116 = arith.constant 0 : i32
      %sign3A_117 = arith.cmpi slt, %jit3A_104, %sign3A_116 : i32
      %sign3A_118 = arith.extui %sign3A_117 : i1 to i32
      %sign3A_119 = arith.subi %sign3A_115, %sign3A_118 : i32
      %ne3A_120 = arith.cmpi ne, %sign3A_112, %sign3A_119 : i32
      %rem3A_121 = arith.remsi %sub3A_103, %jit3A_104 : i32
      %ne3A_122 = arith.constant 0 : i32
      %ne3A_123 = arith.cmpi ne, %rem3A_121, %ne3A_122 : i32
      %and3A_124 = arith.andi %ne3A_120, %ne3A_123 : i1
      %sub3A_125 = arith.constant 1 : i32
      %sub3A_126 = arith.subi %div3A_105, %sub3A_125 : i32
      %select_n3A_127 = arith.select %and3A_124, %sub3A_126, %div3A_105 : i32
      %while3A = arith.constant 6 : i32
      %while3A_128 = arith.constant 0 : i32
      %while3A_129 = arith.constant 0 : i32
      %while3A_130 = arith.subi %select_n3A_127, %while3A_128 : i32
      %while3A_131 = arith.addi %while3A_128, %while3A_130 : i32
      %while3A_132 = arith.constant 1 : i32
      %while3A_133 = arith.divsi %while3A_130, %while3A_132 : i32
      %while3A_134 = arith.muli %while3A_133, %while3A_132 : i32
      %while3A_135 = arith.addi %while3A_128, %while3A_134 : i32
      %while3A_136 = arith.constant 1 : i32
      %while3A_137 = scf.for %while3A_178 = %while3A_128 to %while3A_135 step %while3A_136 iter_args(%while3A_179 = %while3A_129) -> (i32)  : i32 {
        %mul3A_180 = arith.constant 4 : i32
        %mul3A_181 = arith.muli %while3A_178, %mul3A_180 : i32
        %add3A_182 = arith.constant 0 : i32
        %add3A_183 = arith.addi %mul3A_181, %add3A_182 : i32
        %mul3A_184 = arith.constant 16 : i32
        %mul3A_185 = arith.muli %add3A_183, %mul3A_184 : i32
        %sub3A_186 = arith.subi %scan3A_64, %mul3A_185 : i32
        %lt3A_187 = vector.broadcast %sub3A_186 : i32 to vector<16xi32>
        %lt3A_188 = arith.cmpi slt, %iota3A, %lt3A_187 : vector<16xi32>
        %get3A = arith.index_cast %mul3A_185 : i32 to index
        %get3A_189 = tpu.vector_load %arg9[%get3A] {strides = array<i32>} : memref<4096xi32, #tpu.memory_space<vmem>>, vector<16xi32>,
        %shift_right_logical3A = arith.constant 24 : i32
        %shift_right_logical3A_190 = vector.broadcast %shift_right_logical3A : i32 to vector<16xi32>
        %shift_right_logical3A_191 = arith.shrui %get3A_189, %shift_right_logical3A_190 : vector<16xi32>
        %eq3A_192 = vector.broadcast %while3A : i32 to vector<16xi32>
        %eq3A_193 = arith.cmpi eq, %shift_right_logical3A_191, %eq3A_192 : vector<16xi32>
        %and3A_194 = arith.andi %eq3A_193, %lt3A_188 : vector<16xi1>
        %swap3A = arith.index_cast %while3A_179 : i32 to index
        %swap3A_195 = tpu.vector_load %arg10[%swap3A] masked %and3A_194 {strides = array<i32>} : memref<4096xi32, #tpu.memory_space<vmem>>, vector<16xi32>, vector<16xi1>
        tpu.vector_store %arg10[%swap3A], %get3A_189 masked %and3A_194 {strides = array<i32>} : memref<4096xi32, #tpu.memory_space<vmem>>, vector<16xi32>, vector<16xi1>
        %all_reduce_population_count3A = tpu.all_reduce %and3A_194 {dim = 0 : i64, kind = #tpu.reduction_kind<sum>} : vector<16xi1> -> vector<16xi32>
        %slice3A = vector.extract_strided_slice %all_reduce_population_count3A {offsets = [0], sizes = [1], strides = [1]} : vector<16xi32> to vector<1xi32>
        %squeeze3A = vector.extract %slice3A[0] : i32 from vector<1xi32>
        %add3A_196 = arith.addi %while3A_179, %squeeze3A : i32
        %mul3A_197 = arith.constant 4 : i32
        %mul3A_198 = arith.muli %while3A_178, %mul3A_197 : i32
        %add3A_199 = arith.constant 1 : i32
        %add3A_200 = arith.addi %mul3A_198, %add3A_199 : i32
        %mul3A_201 = arith.constant 16 : i32
        %mul3A_202 = arith.muli %add3A_200, %mul3A_201 : i32
        %sub3A_203 = arith.subi %scan3A_64, %mul3A_202 : i32
        %lt3A_204 = vector.broadcast %sub3A_203 : i32 to vector<16xi32>
        %lt3A_205 = arith.cmpi slt, %iota3A, %lt3A_204 : vector<16xi32>
        %get3A_206 = arith.index_cast %mul3A_202 : i32 to index
        %get3A_207 = tpu.vector_load %arg9[%get3A_206] {strides = array<i32>} : memref<4096xi32, #tpu.memory_space<vmem>>, vector<16xi32>,
        %shift_right_logical3A_208 = arith.constant 24 : i32
        %shift_right_logical3A_209 = vector.broadcast %shift_right_logical3A_208 : i32 to vector<16xi32>
        %shift_right_logical3A_210 = arith.shrui %get3A_207, %shift_right_logical3A_209 : vector<16xi32>
        %eq3A_211 = vector.broadcast %while3A : i32 to vector<16xi32>
        %eq3A_212 = arith.cmpi eq, %shift_right_logical3A_210, %eq3A_211 : vector<16xi32>
        %and3A_213 = arith.andi %eq3A_212, %lt3A_205 : vector<16xi1>
        %swap3A_214 = arith.index_cast %add3A_196 : i32 to index
        %swap3A_215 = tpu.vector_load %arg10[%swap3A_214] masked %and3A_213 {strides = array<i32>} : memref<4096xi32, #tpu.memory_space<vmem>>, vector<16xi32>, vector<16xi1>
        tpu.vector_store %arg10[%swap3A_214], %get3A_207 masked %and3A_213 {strides = array<i32>} : memref<4096xi32, #tpu.memory_space<vmem>>, vector<16xi32>, vector<16xi1>
        %all_reduce_population_count3A_216 = tpu.all_reduce %and3A_213 {dim = 0 : i64, kind = #tpu.reduction_kind<sum>} : vector<16xi1> -> vector<16xi32>
        %slice3A_217 = vector.extract_strided_slice %all_reduce_population_count3A_216 {offsets = [0], sizes = [1], strides = [1]} : vector<16xi32> to vector<1xi32>
        %squeeze3A_218 = vector.extract %slice3A_217[0] : i32 from vector<1xi32>
        %add3A_219 = arith.addi %add3A_196, %squeeze3A_218 : i32
        %mul3A_220 = arith.constant 4 : i32
        %mul3A_221 = arith.muli %while3A_178, %mul3A_220 : i32
        %add3A_222 = arith.constant 2 : i32
        %add3A_223 = arith.addi %mul3A_221, %add3A_222 : i32
        %mul3A_224 = arith.constant 16 : i32
        %mul3A_225 = arith.muli %add3A_223, %mul3A_224 : i32
        %sub3A_226 = arith.subi %scan3A_64, %mul3A_225 : i32
        %lt3A_227 = vector.broadcast %sub3A_226 : i32 to vector<16xi32>
        %lt3A_228 = arith.cmpi slt, %iota3A, %lt3A_227 : vector<16xi32>
        %get3A_229 = arith.index_cast %mul3A_225 : i32 to index
        %get3A_230 = tpu.vector_load %arg9[%get3A_229] {strides = array<i32>} : memref<4096xi32, #tpu.memory_space<vmem>>, vector<16xi32>,
        %shift_right_logical3A_231 = arith.constant 24 : i32
        %shift_right_logical3A_232 = vector.broadcast %shift_right_logical3A_231 : i32 to vector<16xi32>
        %shift_right_logical3A_233 = arith.shrui %get3A_230, %shift_right_logical3A_232 : vector<16xi32>
        %eq3A_234 = vector.broadcast %while3A : i32 to vector<16xi32>
        %eq3A_235 = arith.cmpi eq, %shift_right_logical3A_233, %eq3A_234 : vector<16xi32>
        %and3A_236 = arith.andi %eq3A_235, %lt3A_228 : vector<16xi1>
        %swap3A_237 = arith.index_cast %add3A_219 : i32 to index
        %swap3A_238 = tpu.vector_load %arg10[%swap3A_237] masked %and3A_236 {strides = array<i32>} : memref<4096xi32, #tpu.memory_space<vmem>>, vector<16xi32>, vector<16xi1>
        tpu.vector_store %arg10[%swap3A_237], %get3A_230 masked %and3A_236 {strides = array<i32>} : memref<4096xi32, #tpu.memory_space<vmem>>, vector<16xi32>, vector<16xi1>
        %all_reduce_population_count3A_239 = tpu.all_reduce %and3A_236 {dim = 0 : i64, kind = #tpu.reduction_kind<sum>} : vector<16xi1> -> vector<16xi32>
        %slice3A_240 = vector.extract_strided_slice %all_reduce_population_count3A_239 {offsets = [0], sizes = [1], strides = [1]} : vector<16xi32> to vector<1xi32>
        %squeeze3A_241 = vector.extract %slice3A_240[0] : i32 from vector<1xi32>
        %add3A_242 = arith.addi %add3A_219, %squeeze3A_241 : i32
        %mul3A_243 = arith.constant 4 : i32
        %mul3A_244 = arith.muli %while3A_178, %mul3A_243 : i32
        %add3A_245 = arith.constant 3 : i32
        %add3A_246 = arith.addi %mul3A_244, %add3A_245 : i32
        %mul3A_247 = arith.constant 16 : i32
        %mul3A_248 = arith.muli %add3A_246, %mul3A_247 : i32
        %sub3A_249 = arith.subi %scan3A_64, %mul3A_248 : i32
        %lt3A_250 = vector.broadcast %sub3A_249 : i32 to vector<16xi32>
        %lt3A_251 = arith.cmpi slt, %iota3A, %lt3A_250 : vector<16xi32>
        %get3A_252 = arith.index_cast %mul3A_248 : i32 to index
        %get3A_253 = tpu.vector_load %arg9[%get3A_252] {strides = array<i32>} : memref<4096xi32, #tpu.memory_space<vmem>>, vector<16xi32>,
        %shift_right_logical3A_254 = arith.constant 24 : i32
        %shift_right_logical3A_255 = vector.broadcast %shift_right_logical3A_254 : i32 to vector<16xi32>
        %shift_right_logical3A_256 = arith.shrui %get3A_253, %shift_right_logical3A_255 : vector<16xi32>
        %eq3A_257 = vector.broadcast %while3A : i32 to vector<16xi32>
        %eq3A_258 = arith.cmpi eq, %shift_right_logical3A_256, %eq3A_257 : vector<16xi32>
        %and3A_259 = arith.andi %eq3A_258, %lt3A_251 : vector<16xi1>
        %swap3A_260 = arith.index_cast %add3A_242 : i32 to index
        %swap3A_261 = tpu.vector_load %arg10[%swap3A_260] masked %and3A_259 {strides = array<i32>} : memref<4096xi32, #tpu.memory_space<vmem>>, vector<16xi32>, vector<16xi1>
        tpu.vector_store %arg10[%swap3A_260], %get3A_253 masked %and3A_259 {strides = array<i32>} : memref<4096xi32, #tpu.memory_space<vmem>>, vector<16xi32>, vector<16xi1>
        %all_reduce_population_count3A_262 = tpu.all_reduce %and3A_259 {dim = 0 : i64, kind = #tpu.reduction_kind<sum>} : vector<16xi1> -> vector<16xi32>
        %slice3A_263 = vector.extract_strided_slice %all_reduce_population_count3A_262 {offsets = [0], sizes = [1], strides = [1]} : vector<16xi32> to vector<1xi32>
        %squeeze3A_264 = vector.extract %slice3A_263[0] : i32 from vector<1xi32>
        %add3A_265 = arith.addi %add3A_242, %squeeze3A_264 : i32
        scf.yield %add3A_265 : i32
      }
      %while3A_138 = arith.constant 1 : i32
      %while3A_139 = scf.for %while3A_178 = %while3A_135 to %while3A_131 step %while3A_138 iter_args(%while3A_179 = %while3A_137) -> (i32)  : i32 {
        %mul3A_180 = arith.constant 4 : i32
        %mul3A_181 = arith.muli %while3A_178, %mul3A_180 : i32
        %add3A_182 = arith.constant 0 : i32
        %add3A_183 = arith.addi %mul3A_181, %add3A_182 : i32
        %mul3A_184 = arith.constant 16 : i32
        %mul3A_185 = arith.muli %add3A_183, %mul3A_184 : i32
        %sub3A_186 = arith.subi %scan3A_64, %mul3A_185 : i32
        %lt3A_187 = vector.broadcast %sub3A_186 : i32 to vector<16xi32>
        %lt3A_188 = arith.cmpi slt, %iota3A, %lt3A_187 : vector<16xi32>
        %get3A = arith.index_cast %mul3A_185 : i32 to index
        %get3A_189 = tpu.vector_load %arg9[%get3A] {strides = array<i32>} : memref<4096xi32, #tpu.memory_space<vmem>>, vector<16xi32>,
        %shift_right_logical3A = arith.constant 24 : i32
        %shift_right_logical3A_190 = vector.broadcast %shift_right_logical3A : i32 to vector<16xi32>
        %shift_right_logical3A_191 = arith.shrui %get3A_189, %shift_right_logical3A_190 : vector<16xi32>
        %eq3A_192 = vector.broadcast %while3A : i32 to vector<16xi32>
        %eq3A_193 = arith.cmpi eq, %shift_right_logical3A_191, %eq3A_192 : vector<16xi32>
        %and3A_194 = arith.andi %eq3A_193, %lt3A_188 : vector<16xi1>
        %swap3A = arith.index_cast %while3A_179 : i32 to index
        %swap3A_195 = tpu.vector_load %arg10[%swap3A] masked %and3A_194 {strides = array<i32>} : memref<4096xi32, #tpu.memory_space<vmem>>, vector<16xi32>, vector<16xi1>
        tpu.vector_store %arg10[%swap3A], %get3A_189 masked %and3A_194 {strides = array<i32>} : memref<4096xi32, #tpu.memory_space<vmem>>, vector<16xi32>, vector<16xi1>
        %all_reduce_population_count3A = tpu.all_reduce %and3A_194 {dim = 0 : i64, kind = #tpu.reduction_kind<sum>} : vector<16xi1> -> vector<16xi32>
        %slice3A = vector.extract_strided_slice %all_reduce_population_count3A {offsets = [0], sizes = [1], strides = [1]} : vector<16xi32> to vector<1xi32>
        %squeeze3A = vector.extract %slice3A[0] : i32 from vector<1xi32>
        %add3A_196 = arith.addi %while3A_179, %squeeze3A : i32
        %mul3A_197 = arith.constant 4 : i32
        %mul3A_198 = arith.muli %while3A_178, %mul3A_197 : i32
        %add3A_199 = arith.constant 1 : i32
        %add3A_200 = arith.addi %mul3A_198, %add3A_199 : i32
        %mul3A_201 = arith.constant 16 : i32
        %mul3A_202 = arith.muli %add3A_200, %mul3A_201 : i32
        %sub3A_203 = arith.subi %scan3A_64, %mul3A_202 : i32
        %lt3A_204 = vector.broadcast %sub3A_203 : i32 to vector<16xi32>
        %lt3A_205 = arith.cmpi slt, %iota3A, %lt3A_204 : vector<16xi32>
        %get3A_206 = arith.index_cast %mul3A_202 : i32 to index
        %get3A_207 = tpu.vector_load %arg9[%get3A_206] {strides = array<i32>} : memref<4096xi32, #tpu.memory_space<vmem>>, vector<16xi32>,
        %shift_right_logical3A_208 = arith.constant 24 : i32
        %shift_right_logical3A_209 = vector.broadcast %shift_right_logical3A_208 : i32 to vector<16xi32>
        %shift_right_logical3A_210 = arith.shrui %get3A_207, %shift_right_logical3A_209 : vector<16xi32>
        %eq3A_211 = vector.broadcast %while3A : i32 to vector<16xi32>
        %eq3A_212 = arith.cmpi eq, %shift_right_logical3A_210, %eq3A_211 : vector<16xi32>
        %and3A_213 = arith.andi %eq3A_212, %lt3A_205 : vector<16xi1>
        %swap3A_214 = arith.index_cast %add3A_196 : i32 to index
        %swap3A_215 = tpu.vector_load %arg10[%swap3A_214] masked %and3A_213 {strides = array<i32>} : memref<4096xi32, #tpu.memory_space<vmem>>, vector<16xi32>, vector<16xi1>
        tpu.vector_store %arg10[%swap3A_214], %get3A_207 masked %and3A_213 {strides = array<i32>} : memref<4096xi32, #tpu.memory_space<vmem>>, vector<16xi32>, vector<16xi1>
        %all_reduce_population_count3A_216 = tpu.all_reduce %and3A_213 {dim = 0 : i64, kind = #tpu.reduction_kind<sum>} : vector<16xi1> -> vector<16xi32>
        %slice3A_217 = vector.extract_strided_slice %all_reduce_population_count3A_216 {offsets = [0], sizes = [1], strides = [1]} : vector<16xi32> to vector<1xi32>
        %squeeze3A_218 = vector.extract %slice3A_217[0] : i32 from vector<1xi32>
        %add3A_219 = arith.addi %add3A_196, %squeeze3A_218 : i32
        %mul3A_220 = arith.constant 4 : i32
        %mul3A_221 = arith.muli %while3A_178, %mul3A_220 : i32
        %add3A_222 = arith.constant 2 : i32
        %add3A_223 = arith.addi %mul3A_221, %add3A_222 : i32
        %mul3A_224 = arith.constant 16 : i32
        %mul3A_225 = arith.muli %add3A_223, %mul3A_224 : i32
        %sub3A_226 = arith.subi %scan3A_64, %mul3A_225 : i32
        %lt3A_227 = vector.broadcast %sub3A_226 : i32 to vector<16xi32>
        %lt3A_228 = arith.cmpi slt, %iota3A, %lt3A_227 : vector<16xi32>
        %get3A_229 = arith.index_cast %mul3A_225 : i32 to index
        %get3A_230 = tpu.vector_load %arg9[%get3A_229] {strides = array<i32>} : memref<4096xi32, #tpu.memory_space<vmem>>, vector<16xi32>,
        %shift_right_logical3A_231 = arith.constant 24 : i32
        %shift_right_logical3A_232 = vector.broadcast %shift_right_logical3A_231 : i32 to vector<16xi32>
        %shift_right_logical3A_233 = arith.shrui %get3A_230, %shift_right_logical3A_232 : vector<16xi32>
        %eq3A_234 = vector.broadcast %while3A : i32 to vector<16xi32>
        %eq3A_235 = arith.cmpi eq, %shift_right_logical3A_233, %eq3A_234 : vector<16xi32>
        %and3A_236 = arith.andi %eq3A_235, %lt3A_228 : vector<16xi1>
        %swap3A_237 = arith.index_cast %add3A_219 : i32 to index
        %swap3A_238 = tpu.vector_load %arg10[%swap3A_237] masked %and3A_236 {strides = array<i32>} : memref<4096xi32, #tpu.memory_space<vmem>>, vector<16xi32>, vector<16xi1>
        tpu.vector_store %arg10[%swap3A_237], %get3A_230 masked %and3A_236 {strides = array<i32>} : memref<4096xi32, #tpu.memory_space<vmem>>, vector<16xi32>, vector<16xi1>
        %all_reduce_population_count3A_239 = tpu.all_reduce %and3A_236 {dim = 0 : i64, kind = #tpu.reduction_kind<sum>} : vector<16xi1> -> vector<16xi32>
        %slice3A_240 = vector.extract_strided_slice %all_reduce_population_count3A_239 {offsets = [0], sizes = [1], strides = [1]} : vector<16xi32> to vector<1xi32>
        %squeeze3A_241 = vector.extract %slice3A_240[0] : i32 from vector<1xi32>
        %add3A_242 = arith.addi %add3A_219, %squeeze3A_241 : i32
        %mul3A_243 = arith.constant 4 : i32
        %mul3A_244 = arith.muli %while3A_178, %mul3A_243 : i32
        %add3A_245 = arith.constant 3 : i32
        %add3A_246 = arith.addi %mul3A_244, %add3A_245 : i32
        %mul3A_247 = arith.constant 16 : i32
        %mul3A_248 = arith.muli %add3A_246, %mul3A_247 : i32
        %sub3A_249 = arith.subi %scan3A_64, %mul3A_248 : i32
        %lt3A_250 = vector.broadcast %sub3A_249 : i32 to vector<16xi32>
        %lt3A_251 = arith.cmpi slt, %iota3A, %lt3A_250 : vector<16xi32>
        %get3A_252 = arith.index_cast %mul3A_248 : i32 to index
        %get3A_253 = tpu.vector_load %arg9[%get3A_252] {strides = array<i32>} : memref<4096xi32, #tpu.memory_space<vmem>>, vector<16xi32>,
        %shift_right_logical3A_254 = arith.constant 24 : i32
        %shift_right_logical3A_255 = vector.broadcast %shift_right_logical3A_254 : i32 to vector<16xi32>
        %shift_right_logical3A_256 = arith.shrui %get3A_253, %shift_right_logical3A_255 : vector<16xi32>
        %eq3A_257 = vector.broadcast %while3A : i32 to vector<16xi32>
        %eq3A_258 = arith.cmpi eq, %shift_right_logical3A_256, %eq3A_257 : vector<16xi32>
        %and3A_259 = arith.andi %eq3A_258, %lt3A_251 : vector<16xi1>
        %swap3A_260 = arith.index_cast %add3A_242 : i32 to index
        %swap3A_261 = tpu.vector_load %arg10[%swap3A_260] masked %and3A_259 {strides = array<i32>} : memref<4096xi32, #tpu.memory_space<vmem>>, vector<16xi32>, vector<16xi1>
        tpu.vector_store %arg10[%swap3A_260], %get3A_253 masked %and3A_259 {strides = array<i32>} : memref<4096xi32, #tpu.memory_space<vmem>>, vector<16xi32>, vector<16xi1>
        %all_reduce_population_count3A_262 = tpu.all_reduce %and3A_259 {dim = 0 : i64, kind = #tpu.reduction_kind<sum>} : vector<16xi1> -> vector<16xi32>
        %slice3A_263 = vector.extract_strided_slice %all_reduce_population_count3A_262 {offsets = [0], sizes = [1], strides = [1]} : vector<16xi32> to vector<1xi32>
        %squeeze3A_264 = vector.extract %slice3A_263[0] : i32 from vector<1xi32>
        %add3A_265 = arith.addi %add3A_242, %squeeze3A_264 : i32
        scf.yield %add3A_265 : i32
      }
      %add3A_140 = arith.constant 16 : i32
      %add3A_141 = arith.addi %while3A_139, %add3A_140 : i32
      %sub3A_142 = arith.constant 1 : i32
      %sub3A_143 = arith.subi %add3A_141, %sub3A_142 : i32
      %jit3A_144 = arith.constant 16 : i32
      %div3A_145 = arith.divsi %sub3A_143, %jit3A_144 : i32
      %sign3A_146 = arith.constant 0 : i32
      %sign3A_147 = arith.cmpi sgt, %sub3A_143, %sign3A_146 : i32
      %sign3A_148 = arith.extui %sign3A_147 : i1 to i32
      %sign3A_149 = arith.constant 0 : i32
      %sign3A_150 = arith.cmpi slt, %sub3A_143, %sign3A_149 : i32
      %sign3A_151 = arith.extui %sign3A_150 : i1 to i32
      %sign3A_152 = arith.subi %sign3A_148, %sign3A_151 : i32
      %sign3A_153 = arith.constant 0 : i32
      %sign3A_154 = arith.cmpi sgt, %jit3A_144, %sign3A_153 : i32
      %sign3A_155 = arith.extui %sign3A_154 : i1 to i32
      %sign3A_156 = arith.constant 0 : i32
      %sign3A_157 = arith.cmpi slt, %jit3A_144, %sign3A_156 : i32
      %sign3A_158 = arith.extui %sign3A_157 : i1 to i32
      %sign3A_159 = arith.subi %sign3A_155, %sign3A_158 : i32
      %ne3A_160 = arith.cmpi ne, %sign3A_152, %sign3A_159 : i32
      %rem3A_161 = arith.remsi %sub3A_143, %jit3A_144 : i32
      %ne3A_162 = arith.constant 0 : i32
      %ne3A_163 = arith.cmpi ne, %rem3A_161, %ne3A_162 : i32
      %and3A_164 = arith.andi %ne3A_160, %ne3A_163 : i1
      %sub3A_165 = arith.constant 1 : i32
      %sub3A_166 = arith.subi %div3A_145, %sub3A_165 : i32
      %select_n3A_167 = arith.select %and3A_164, %sub3A_166, %div3A_145 : i32
      %while3A_168 = arith.constant 0 : i32
      %while3A_169 = arith.constant 0 : i32
      %while3A_170 = arith.subi %select_n3A_167, %while3A_169 : i32
      %while3A_171 = arith.addi %while3A_169, %while3A_170 : i32
      %while3A_172 = arith.constant 1 : i32
      %while3A_173 = arith.divsi %while3A_170, %while3A_172 : i32
      %while3A_174 = arith.muli %while3A_173, %while3A_172 : i32
      %while3A_175 = arith.addi %while3A_169, %while3A_174 : i32
      %while3A_176 = arith.constant 1 : i32
      scf.for %while3A_178 = %while3A_169 to %while3A_175 step %while3A_176  : i32 {
        %mul3A_179 = arith.constant 16 : i32
        %mul3A_180 = arith.muli %while3A_178, %mul3A_179 : i32
        %sub3A_181 = arith.subi %while3A_139, %mul3A_180 : i32
        %lt3A_182 = vector.broadcast %sub3A_181 : i32 to vector<16xi32>
        %lt3A_183 = arith.cmpi slt, %iota3A, %lt3A_182 : vector<16xi32>
        %get3A = arith.index_cast %mul3A_180 : i32 to index
        %get3A_184 = tpu.vector_load %arg10[%get3A] {strides = array<i32>} : memref<4096xi32, #tpu.memory_space<vmem>>, vector<16xi32>,
        %shift_right_logical3A = arith.constant 12 : i32
        %shift_right_logical3A_185 = vector.broadcast %shift_right_logical3A : i32 to vector<16xi32>
        %shift_right_logical3A_186 = arith.shrui %get3A_184, %shift_right_logical3A_185 : vector<16xi32>
        %and3A_187 = arith.constant 4095 : i32
        %and3A_188 = vector.broadcast %and3A_187 : i32 to vector<16xi32>
        %and3A_189 = arith.andi %shift_right_logical3A_186, %and3A_188 : vector<16xi32>
        %jit3A_190 = arith.constant 0 : i32
        %broadcast_in_dim3A = vector.broadcast %jit3A_190 : i32 to vector<16xi32>
        %select_n3A_191 = arith.select %lt3A_183, %and3A_189, %broadcast_in_dim3A : vector<16xi1>, vector<16xi32>
        %and3A_192 = arith.constant 4095 : i32
        %and3A_193 = vector.broadcast %and3A_192 : i32 to vector<16xi32>
        %and3A_194 = arith.andi %get3A_184, %and3A_193 : vector<16xi32>
        %add3A_195 = arith.constant 4096 : i32
        %add3A_196 = vector.broadcast %add3A_195 : i32 to vector<16xi32>
        %add3A_197 = arith.addi %add3A_196, %iota3A : vector<16xi32>
        %select_n3A_198 = arith.select %lt3A_183, %and3A_194, %add3A_197 : vector<16xi1>, vector<16xi32>
        %broadcast_in_dim3A_199 = arith.constant 0 : i32
        %broadcast_in_dim3A_200 = vector.broadcast %broadcast_in_dim3A_199 : i32 to vector<16xi32>
        %gather3A = arith.constant 0 : i32
        %gather3A_201 = arith.constant 0 : i32
        %gather3A_202 = arith.constant 0 : i32
        %gather3A_203 = tpu.memref_slice %arg11[%gather3A, %gather3A_201, %gather3A_202] : memref<2x8x4096xf32, #tpu.memory_space<vmem>> -> memref<1x8x4096xf32, #tpu.memory_space<vmem>>
        %gather3A_204 = tpu.memref_squeeze %gather3A_203 : memref<1x8x4096xf32, #tpu.memory_space<vmem>> -> memref<8x4096xf32, #tpu.memory_space<vmem>>
        %gather3A_205 = tpu.vector_load_idx %gather3A_204[%broadcast_in_dim3A_200, %select_n3A_191] : memref<8x4096xf32, #tpu.memory_space<vmem>>[vector<16xi32>, vector<16xi32>], vector<16xf32>,
        tpu.vector_store_idx %arg12[%broadcast_in_dim3A_200, %select_n3A_198], %gather3A_205 : memref<8x4112xf32, #tpu.memory_space<vmem>>[vector<16xi32>, vector<16xi32>], vector<16xf32>,
        %broadcast_in_dim3A_206 = arith.constant 1 : i32
        %broadcast_in_dim3A_207 = vector.broadcast %broadcast_in_dim3A_206 : i32 to vector<16xi32>
        %gather3A_208 = arith.constant 0 : i32
        %gather3A_209 = arith.constant 0 : i32
        %gather3A_210 = arith.constant 0 : i32
        %gather3A_211 = tpu.memref_slice %arg11[%gather3A_208, %gather3A_209, %gather3A_210] : memref<2x8x4096xf32, #tpu.memory_space<vmem>> -> memref<1x8x4096xf32, #tpu.memory_space<vmem>>
        %gather3A_212 = tpu.memref_squeeze %gather3A_211 : memref<1x8x4096xf32, #tpu.memory_space<vmem>> -> memref<8x4096xf32, #tpu.memory_space<vmem>>
        %gather3A_213 = tpu.vector_load_idx %gather3A_212[%broadcast_in_dim3A_207, %select_n3A_191] : memref<8x4096xf32, #tpu.memory_space<vmem>>[vector<16xi32>, vector<16xi32>], vector<16xf32>,
        tpu.vector_store_idx %arg12[%broadcast_in_dim3A_207, %select_n3A_198], %gather3A_213 : memref<8x4112xf32, #tpu.memory_space<vmem>>[vector<16xi32>, vector<16xi32>], vector<16xf32>,
        %broadcast_in_dim3A_214 = arith.constant 2 : i32
        %broadcast_in_dim3A_215 = vector.broadcast %broadcast_in_dim3A_214 : i32 to vector<16xi32>
        %gather3A_216 = arith.constant 0 : i32
        %gather3A_217 = arith.constant 0 : i32
        %gather3A_218 = arith.constant 0 : i32
        %gather3A_219 = tpu.memref_slice %arg11[%gather3A_216, %gather3A_217, %gather3A_218] : memref<2x8x4096xf32, #tpu.memory_space<vmem>> -> memref<1x8x4096xf32, #tpu.memory_space<vmem>>
        %gather3A_220 = tpu.memref_squeeze %gather3A_219 : memref<1x8x4096xf32, #tpu.memory_space<vmem>> -> memref<8x4096xf32, #tpu.memory_space<vmem>>
        %gather3A_221 = tpu.vector_load_idx %gather3A_220[%broadcast_in_dim3A_215, %select_n3A_191] : memref<8x4096xf32, #tpu.memory_space<vmem>>[vector<16xi32>, vector<16xi32>], vector<16xf32>,
        tpu.vector_store_idx %arg12[%broadcast_in_dim3A_215, %select_n3A_198], %gather3A_221 : memref<8x4112xf32, #tpu.memory_space<vmem>>[vector<16xi32>, vector<16xi32>], vector<16xf32>,
        %broadcast_in_dim3A_222 = arith.constant 3 : i32
        %broadcast_in_dim3A_223 = vector.broadcast %broadcast_in_dim3A_222 : i32 to vector<16xi32>
        %gather3A_224 = arith.constant 0 : i32
        %gather3A_225 = arith.constant 0 : i32
        %gather3A_226 = arith.constant 0 : i32
        %gather3A_227 = tpu.memref_slice %arg11[%gather3A_224, %gather3A_225, %gather3A_226] : memref<2x8x4096xf32, #tpu.memory_space<vmem>> -> memref<1x8x4096xf32, #tpu.memory_space<vmem>>
        %gather3A_228 = tpu.memref_squeeze %gather3A_227 : memref<1x8x4096xf32, #tpu.memory_space<vmem>> -> memref<8x4096xf32, #tpu.memory_space<vmem>>
        %gather3A_229 = tpu.vector_load_idx %gather3A_228[%broadcast_in_dim3A_223, %select_n3A_191] : memref<8x4096xf32, #tpu.memory_space<vmem>>[vector<16xi32>, vector<16xi32>], vector<16xf32>,
        tpu.vector_store_idx %arg12[%broadcast_in_dim3A_223, %select_n3A_198], %gather3A_229 : memref<8x4112xf32, #tpu.memory_space<vmem>>[vector<16xi32>, vector<16xi32>], vector<16xf32>,
        %broadcast_in_dim3A_230 = arith.constant 4 : i32
        %broadcast_in_dim3A_231 = vector.broadcast %broadcast_in_dim3A_230 : i32 to vector<16xi32>
        %gather3A_232 = arith.constant 0 : i32
        %gather3A_233 = arith.constant 0 : i32
        %gather3A_234 = arith.constant 0 : i32
        %gather3A_235 = tpu.memref_slice %arg11[%gather3A_232, %gather3A_233, %gather3A_234] : memref<2x8x4096xf32, #tpu.memory_space<vmem>> -> memref<1x8x4096xf32, #tpu.memory_space<vmem>>
        %gather3A_236 = tpu.memref_squeeze %gather3A_235 : memref<1x8x4096xf32, #tpu.memory_space<vmem>> -> memref<8x4096xf32, #tpu.memory_space<vmem>>
        %gather3A_237 = tpu.vector_load_idx %gather3A_236[%broadcast_in_dim3A_231, %select_n3A_191] : memref<8x4096xf32, #tpu.memory_space<vmem>>[vector<16xi32>, vector<16xi32>], vector<16xf32>,
        tpu.vector_store_idx %arg12[%broadcast_in_dim3A_231, %select_n3A_198], %gather3A_237 : memref<8x4112xf32, #tpu.memory_space<vmem>>[vector<16xi32>, vector<16xi32>], vector<16xf32>,
        %broadcast_in_dim3A_238 = arith.constant 5 : i32
        %broadcast_in_dim3A_239 = vector.broadcast %broadcast_in_dim3A_238 : i32 to vector<16xi32>
        %gather3A_240 = arith.constant 0 : i32
        %gather3A_241 = arith.constant 0 : i32
        %gather3A_242 = arith.constant 0 : i32
        %gather3A_243 = tpu.memref_slice %arg11[%gather3A_240, %gather3A_241, %gather3A_242] : memref<2x8x4096xf32, #tpu.memory_space<vmem>> -> memref<1x8x4096xf32, #tpu.memory_space<vmem>>
        %gather3A_244 = tpu.memref_squeeze %gather3A_243 : memref<1x8x4096xf32, #tpu.memory_space<vmem>> -> memref<8x4096xf32, #tpu.memory_space<vmem>>
        %gather3A_245 = tpu.vector_load_idx %gather3A_244[%broadcast_in_dim3A_239, %select_n3A_191] : memref<8x4096xf32, #tpu.memory_space<vmem>>[vector<16xi32>, vector<16xi32>], vector<16xf32>,
        tpu.vector_store_idx %arg12[%broadcast_in_dim3A_239, %select_n3A_198], %gather3A_245 : memref<8x4112xf32, #tpu.memory_space<vmem>>[vector<16xi32>, vector<16xi32>], vector<16xf32>,
        %broadcast_in_dim3A_246 = arith.constant 6 : i32
        %broadcast_in_dim3A_247 = vector.broadcast %broadcast_in_dim3A_246 : i32 to vector<16xi32>
        %gather3A_248 = arith.constant 0 : i32
        %gather3A_249 = arith.constant 0 : i32
        %gather3A_250 = arith.constant 0 : i32
        %gather3A_251 = tpu.memref_slice %arg11[%gather3A_248, %gather3A_249, %gather3A_250] : memref<2x8x4096xf32, #tpu.memory_space<vmem>> -> memref<1x8x4096xf32, #tpu.memory_space<vmem>>
        %gather3A_252 = tpu.memref_squeeze %gather3A_251 : memref<1x8x4096xf32, #tpu.memory_space<vmem>> -> memref<8x4096xf32, #tpu.memory_space<vmem>>
        %gather3A_253 = tpu.vector_load_idx %gather3A_252[%broadcast_in_dim3A_247, %select_n3A_191] : memref<8x4096xf32, #tpu.memory_space<vmem>>[vector<16xi32>, vector<16xi32>], vector<16xf32>,
        tpu.vector_store_idx %arg12[%broadcast_in_dim3A_247, %select_n3A_198], %gather3A_253 : memref<8x4112xf32, #tpu.memory_space<vmem>>[vector<16xi32>, vector<16xi32>], vector<16xf32>,
        %broadcast_in_dim3A_254 = arith.constant 7 : i32
        %broadcast_in_dim3A_255 = vector.broadcast %broadcast_in_dim3A_254 : i32 to vector<16xi32>
        %gather3A_256 = arith.constant 0 : i32
        %gather3A_257 = arith.constant 0 : i32
        %gather3A_258 = arith.constant 0 : i32
        %gather3A_259 = tpu.memref_slice %arg11[%gather3A_256, %gather3A_257, %gather3A_258] : memref<2x8x4096xf32, #tpu.memory_space<vmem>> -> memref<1x8x4096xf32, #tpu.memory_space<vmem>>
        %gather3A_260 = tpu.memref_squeeze %gather3A_259 : memref<1x8x4096xf32, #tpu.memory_space<vmem>> -> memref<8x4096xf32, #tpu.memory_space<vmem>>
        %gather3A_261 = tpu.vector_load_idx %gather3A_260[%broadcast_in_dim3A_255, %select_n3A_191] : memref<8x4096xf32, #tpu.memory_space<vmem>>[vector<16xi32>, vector<16xi32>], vector<16xf32>,
        tpu.vector_store_idx %arg12[%broadcast_in_dim3A_255, %select_n3A_198], %gather3A_261 : memref<8x4112xf32, #tpu.memory_space<vmem>>[vector<16xi32>, vector<16xi32>], vector<16xf32>,
      }
      %while3A_177 = arith.constant 1 : i32
      scf.for %while3A_178 = %while3A_175 to %while3A_171 step %while3A_177  : i32 {
        %mul3A_179 = arith.constant 16 : i32
        %mul3A_180 = arith.muli %while3A_178, %mul3A_179 : i32
        %sub3A_181 = arith.subi %while3A_139, %mul3A_180 : i32
        %lt3A_182 = vector.broadcast %sub3A_181 : i32 to vector<16xi32>
        %lt3A_183 = arith.cmpi slt, %iota3A, %lt3A_182 : vector<16xi32>
        %get3A = arith.index_cast %mul3A_180 : i32 to index
        %get3A_184 = tpu.vector_load %arg10[%get3A] {strides = array<i32>} : memref<4096xi32, #tpu.memory_space<vmem>>, vector<16xi32>,
        %shift_right_logical3A = arith.constant 12 : i32
        %shift_right_logical3A_185 = vector.broadcast %shift_right_logical3A : i32 to vector<16xi32>
        %shift_right_logical3A_186 = arith.shrui %get3A_184, %shift_right_logical3A_185 : vector<16xi32>
        %and3A_187 = arith.constant 4095 : i32
        %and3A_188 = vector.broadcast %and3A_187 : i32 to vector<16xi32>
        %and3A_189 = arith.andi %shift_right_logical3A_186, %and3A_188 : vector<16xi32>
        %jit3A_190 = arith.constant 0 : i32
        %broadcast_in_dim3A = vector.broadcast %jit3A_190 : i32 to vector<16xi32>
        %select_n3A_191 = arith.select %lt3A_183, %and3A_189, %broadcast_in_dim3A : vector<16xi1>, vector<16xi32>
        %and3A_192 = arith.constant 4095 : i32
        %and3A_193 = vector.broadcast %and3A_192 : i32 to vector<16xi32>
        %and3A_194 = arith.andi %get3A_184, %and3A_193 : vector<16xi32>
        %add3A_195 = arith.constant 4096 : i32
        %add3A_196 = vector.broadcast %add3A_195 : i32 to vector<16xi32>
        %add3A_197 = arith.addi %add3A_196, %iota3A : vector<16xi32>
        %select_n3A_198 = arith.select %lt3A_183, %and3A_194, %add3A_197 : vector<16xi1>, vector<16xi32>
        %broadcast_in_dim3A_199 = arith.constant 0 : i32
        %broadcast_in_dim3A_200 = vector.broadcast %broadcast_in_dim3A_199 : i32 to vector<16xi32>
        %gather3A = arith.constant 0 : i32
        %gather3A_201 = arith.constant 0 : i32
        %gather3A_202 = arith.constant 0 : i32
        %gather3A_203 = tpu.memref_slice %arg11[%gather3A, %gather3A_201, %gather3A_202] : memref<2x8x4096xf32, #tpu.memory_space<vmem>> -> memref<1x8x4096xf32, #tpu.memory_space<vmem>>
        %gather3A_204 = tpu.memref_squeeze %gather3A_203 : memref<1x8x4096xf32, #tpu.memory_space<vmem>> -> memref<8x4096xf32, #tpu.memory_space<vmem>>
        %gather3A_205 = tpu.vector_load_idx %gather3A_204[%broadcast_in_dim3A_200, %select_n3A_191] : memref<8x4096xf32, #tpu.memory_space<vmem>>[vector<16xi32>, vector<16xi32>], vector<16xf32>,
        tpu.vector_store_idx %arg12[%broadcast_in_dim3A_200, %select_n3A_198], %gather3A_205 : memref<8x4112xf32, #tpu.memory_space<vmem>>[vector<16xi32>, vector<16xi32>], vector<16xf32>,
        %broadcast_in_dim3A_206 = arith.constant 1 : i32
        %broadcast_in_dim3A_207 = vector.broadcast %broadcast_in_dim3A_206 : i32 to vector<16xi32>
        %gather3A_208 = arith.constant 0 : i32
        %gather3A_209 = arith.constant 0 : i32
        %gather3A_210 = arith.constant 0 : i32
        %gather3A_211 = tpu.memref_slice %arg11[%gather3A_208, %gather3A_209, %gather3A_210] : memref<2x8x4096xf32, #tpu.memory_space<vmem>> -> memref<1x8x4096xf32, #tpu.memory_space<vmem>>
        %gather3A_212 = tpu.memref_squeeze %gather3A_211 : memref<1x8x4096xf32, #tpu.memory_space<vmem>> -> memref<8x4096xf32, #tpu.memory_space<vmem>>
        %gather3A_213 = tpu.vector_load_idx %gather3A_212[%broadcast_in_dim3A_207, %select_n3A_191] : memref<8x4096xf32, #tpu.memory_space<vmem>>[vector<16xi32>, vector<16xi32>], vector<16xf32>,
        tpu.vector_store_idx %arg12[%broadcast_in_dim3A_207, %select_n3A_198], %gather3A_213 : memref<8x4112xf32, #tpu.memory_space<vmem>>[vector<16xi32>, vector<16xi32>], vector<16xf32>,
        %broadcast_in_dim3A_214 = arith.constant 2 : i32
        %broadcast_in_dim3A_215 = vector.broadcast %broadcast_in_dim3A_214 : i32 to vector<16xi32>
        %gather3A_216 = arith.constant 0 : i32
        %gather3A_217 = arith.constant 0 : i32
        %gather3A_218 = arith.constant 0 : i32
        %gather3A_219 = tpu.memref_slice %arg11[%gather3A_216, %gather3A_217, %gather3A_218] : memref<2x8x4096xf32, #tpu.memory_space<vmem>> -> memref<1x8x4096xf32, #tpu.memory_space<vmem>>
        %gather3A_220 = tpu.memref_squeeze %gather3A_219 : memref<1x8x4096xf32, #tpu.memory_space<vmem>> -> memref<8x4096xf32, #tpu.memory_space<vmem>>
        %gather3A_221 = tpu.vector_load_idx %gather3A_220[%broadcast_in_dim3A_215, %select_n3A_191] : memref<8x4096xf32, #tpu.memory_space<vmem>>[vector<16xi32>, vector<16xi32>], vector<16xf32>,
        tpu.vector_store_idx %arg12[%broadcast_in_dim3A_215, %select_n3A_198], %gather3A_221 : memref<8x4112xf32, #tpu.memory_space<vmem>>[vector<16xi32>, vector<16xi32>], vector<16xf32>,
        %broadcast_in_dim3A_222 = arith.constant 3 : i32
        %broadcast_in_dim3A_223 = vector.broadcast %broadcast_in_dim3A_222 : i32 to vector<16xi32>
        %gather3A_224 = arith.constant 0 : i32
        %gather3A_225 = arith.constant 0 : i32
        %gather3A_226 = arith.constant 0 : i32
        %gather3A_227 = tpu.memref_slice %arg11[%gather3A_224, %gather3A_225, %gather3A_226] : memref<2x8x4096xf32, #tpu.memory_space<vmem>> -> memref<1x8x4096xf32, #tpu.memory_space<vmem>>
        %gather3A_228 = tpu.memref_squeeze %gather3A_227 : memref<1x8x4096xf32, #tpu.memory_space<vmem>> -> memref<8x4096xf32, #tpu.memory_space<vmem>>
        %gather3A_229 = tpu.vector_load_idx %gather3A_228[%broadcast_in_dim3A_223, %select_n3A_191] : memref<8x4096xf32, #tpu.memory_space<vmem>>[vector<16xi32>, vector<16xi32>], vector<16xf32>,
        tpu.vector_store_idx %arg12[%broadcast_in_dim3A_223, %select_n3A_198], %gather3A_229 : memref<8x4112xf32, #tpu.memory_space<vmem>>[vector<16xi32>, vector<16xi32>], vector<16xf32>,
        %broadcast_in_dim3A_230 = arith.constant 4 : i32
        %broadcast_in_dim3A_231 = vector.broadcast %broadcast_in_dim3A_230 : i32 to vector<16xi32>
        %gather3A_232 = arith.constant 0 : i32
        %gather3A_233 = arith.constant 0 : i32
        %gather3A_234 = arith.constant 0 : i32
        %gather3A_235 = tpu.memref_slice %arg11[%gather3A_232, %gather3A_233, %gather3A_234] : memref<2x8x4096xf32, #tpu.memory_space<vmem>> -> memref<1x8x4096xf32, #tpu.memory_space<vmem>>
        %gather3A_236 = tpu.memref_squeeze %gather3A_235 : memref<1x8x4096xf32, #tpu.memory_space<vmem>> -> memref<8x4096xf32, #tpu.memory_space<vmem>>
        %gather3A_237 = tpu.vector_load_idx %gather3A_236[%broadcast_in_dim3A_231, %select_n3A_191] : memref<8x4096xf32, #tpu.memory_space<vmem>>[vector<16xi32>, vector<16xi32>], vector<16xf32>,
        tpu.vector_store_idx %arg12[%broadcast_in_dim3A_231, %select_n3A_198], %gather3A_237 : memref<8x4112xf32, #tpu.memory_space<vmem>>[vector<16xi32>, vector<16xi32>], vector<16xf32>,
        %broadcast_in_dim3A_238 = arith.constant 5 : i32
        %broadcast_in_dim3A_239 = vector.broadcast %broadcast_in_dim3A_238 : i32 to vector<16xi32>
        %gather3A_240 = arith.constant 0 : i32
        %gather3A_241 = arith.constant 0 : i32
        %gather3A_242 = arith.constant 0 : i32
        %gather3A_243 = tpu.memref_slice %arg11[%gather3A_240, %gather3A_241, %gather3A_242] : memref<2x8x4096xf32, #tpu.memory_space<vmem>> -> memref<1x8x4096xf32, #tpu.memory_space<vmem>>
        %gather3A_244 = tpu.memref_squeeze %gather3A_243 : memref<1x8x4096xf32, #tpu.memory_space<vmem>> -> memref<8x4096xf32, #tpu.memory_space<vmem>>
        %gather3A_245 = tpu.vector_load_idx %gather3A_244[%broadcast_in_dim3A_239, %select_n3A_191] : memref<8x4096xf32, #tpu.memory_space<vmem>>[vector<16xi32>, vector<16xi32>], vector<16xf32>,
        tpu.vector_store_idx %arg12[%broadcast_in_dim3A_239, %select_n3A_198], %gather3A_245 : memref<8x4112xf32, #tpu.memory_space<vmem>>[vector<16xi32>, vector<16xi32>], vector<16xf32>,
        %broadcast_in_dim3A_246 = arith.constant 6 : i32
        %broadcast_in_dim3A_247 = vector.broadcast %broadcast_in_dim3A_246 : i32 to vector<16xi32>
        %gather3A_248 = arith.constant 0 : i32
        %gather3A_249 = arith.constant 0 : i32
        %gather3A_250 = arith.constant 0 : i32
        %gather3A_251 = tpu.memref_slice %arg11[%gather3A_248, %gather3A_249, %gather3A_250] : memref<2x8x4096xf32, #tpu.memory_space<vmem>> -> memref<1x8x4096xf32, #tpu.memory_space<vmem>>
        %gather3A_252 = tpu.memref_squeeze %gather3A_251 : memref<1x8x4096xf32, #tpu.memory_space<vmem>> -> memref<8x4096xf32, #tpu.memory_space<vmem>>
        %gather3A_253 = tpu.vector_load_idx %gather3A_252[%broadcast_in_dim3A_247, %select_n3A_191] : memref<8x4096xf32, #tpu.memory_space<vmem>>[vector<16xi32>, vector<16xi32>], vector<16xf32>,
        tpu.vector_store_idx %arg12[%broadcast_in_dim3A_247, %select_n3A_198], %gather3A_253 : memref<8x4112xf32, #tpu.memory_space<vmem>>[vector<16xi32>, vector<16xi32>], vector<16xf32>,
        %broadcast_in_dim3A_254 = arith.constant 7 : i32
        %broadcast_in_dim3A_255 = vector.broadcast %broadcast_in_dim3A_254 : i32 to vector<16xi32>
        %gather3A_256 = arith.constant 0 : i32
        %gather3A_257 = arith.constant 0 : i32
        %gather3A_258 = arith.constant 0 : i32
        %gather3A_259 = tpu.memref_slice %arg11[%gather3A_256, %gather3A_257, %gather3A_258] : memref<2x8x4096xf32, #tpu.memory_space<vmem>> -> memref<1x8x4096xf32, #tpu.memory_space<vmem>>
        %gather3A_260 = tpu.memref_squeeze %gather3A_259 : memref<1x8x4096xf32, #tpu.memory_space<vmem>> -> memref<8x4096xf32, #tpu.memory_space<vmem>>
        %gather3A_261 = tpu.vector_load_idx %gather3A_260[%broadcast_in_dim3A_255, %select_n3A_191] : memref<8x4096xf32, #tpu.memory_space<vmem>>[vector<16xi32>, vector<16xi32>], vector<16xf32>,
        tpu.vector_store_idx %arg12[%broadcast_in_dim3A_255, %select_n3A_198], %gather3A_261 : memref<8x4112xf32, #tpu.memory_space<vmem>>[vector<16xi32>, vector<16xi32>], vector<16xf32>,
      }
    } else {
    }
    %eq3A_78 = arith.constant 0 : i32
    %eq3A_79 = arith.cmpi eq, %select_n3A, %eq3A_78 : i32
    %convert_element_type3A_80 = arith.extui %eq3A_79 : i1 to i32
    %cond3A_81 = arith.constant 0 : i32
    %cond3A_82 = arith.cmpi ne, %convert_element_type3A_80, %cond3A_81 : i32
    scf.if %cond3A_82 {
      "tpu.region"() ({
        %run_scoped3A = tpu.sem_alloc : memref<!tpu.dma_semaphore, #tpu.memory_space<semaphore_mem>>
        %dma_start3A_98 = arith.constant 0 : i32
        %dma_start3A_99 = arith.constant 0 : i32
        %dma_start3A_100 = tpu.memref_slice %arg12[%dma_start3A_98, %dma_start3A_99] : memref<8x4112xf32, #tpu.memory_space<vmem>> -> memref<8x4096xf32, #tpu.memory_space<vmem>>
        %dma_start3A_101 = arith.constant 0 : i32
        %dma_start3A_102 = tpu.memref_slice %arg4[%multiple_of3A, %dma_start3A_101] : memref<64x4096xf32, #tpu.memory_space<hbm>> -> memref<8x4096xf32, #tpu.memory_space<hbm>>
        %dma_start3A_103 = arith.constant 0 : i32
        %dma_start3A_104 = tpu.memref_slice %arg4[%multiple_of3A, %dma_start3A_103] : memref<64x4096xf32, #tpu.memory_space<hbm>> -> memref<8x4096xf32, #tpu.memory_space<hbm>>
        %dma_start3A_105 = arith.constant 0 : i32
        %dma_start3A_106 = arith.constant 0 : i32
        %dma_start3A_107 = tpu.memref_slice %arg12[%dma_start3A_105, %dma_start3A_106] : memref<8x4112xf32, #tpu.memory_space<vmem>> -> memref<8x4096xf32, #tpu.memory_space<vmem>>
        tpu.enqueue_dma source(%dma_start3A_107 : memref<8x4096xf32, #tpu.memory_space<vmem>>) target(%dma_start3A_104 : memref<8x4096xf32, #tpu.memory_space<hbm>>) target_semaphore(%run_scoped3A : memref<!tpu.dma_semaphore, #tpu.memory_space<semaphore_mem>>)
        %dma_wait3A = arith.constant 0 : i32
        %dma_wait3A_108 = arith.constant 0 : i32
        %dma_wait3A_109 = tpu.memref_slice %arg12[%dma_wait3A, %dma_wait3A_108] : memref<8x4112xf32, #tpu.memory_space<vmem>> -> memref<8x4096xf32, #tpu.memory_space<vmem>>
        %dma_wait3A_110 = arith.constant 0 : i32
        %dma_wait3A_111 = tpu.memref_slice %arg4[%multiple_of3A, %dma_wait3A_110] : memref<64x4096xf32, #tpu.memory_space<hbm>> -> memref<8x4096xf32, #tpu.memory_space<hbm>>
        %dma_wait3A_112 = arith.constant 0 : i32
        %dma_wait3A_113 = tpu.memref_slice %arg4[%multiple_of3A, %dma_wait3A_112] : memref<64x4096xf32, #tpu.memory_space<hbm>> -> memref<8x4096xf32, #tpu.memory_space<hbm>>
        %dma_wait3A_114 = arith.constant 0 : i32
        %dma_wait3A_115 = arith.constant 0 : i32
        %dma_wait3A_116 = tpu.memref_slice %arg12[%dma_wait3A_114, %dma_wait3A_115] : memref<8x4112xf32, #tpu.memory_space<vmem>> -> memref<8x4096xf32, #tpu.memory_space<vmem>>
        tpu.wait_dma2 semaphore(%run_scoped3A : memref<!tpu.dma_semaphore, #tpu.memory_space<semaphore_mem>>) src(%dma_wait3A_116 : memref<8x4096xf32, #tpu.memory_space<vmem>>) dst(%dma_wait3A_113 : memref<8x4096xf32, #tpu.memory_space<hbm>>)
        tpu.yield
      }) : () -> ()
    } else {
    }
    %eq3A_83 = arith.constant 1 : i32
    %eq3A_84 = arith.cmpi eq, %select_n3A, %eq3A_83 : i32
    %convert_element_type3A_85 = arith.extui %eq3A_84 : i1 to i32
    %cond3A_86 = arith.constant 0 : i32
    %cond3A_87 = arith.cmpi ne, %convert_element_type3A_85, %cond3A_86 : i32
    scf.if %cond3A_87 {
      "tpu.region"() ({
        %run_scoped3A = tpu.sem_alloc : memref<!tpu.dma_semaphore, #tpu.memory_space<semaphore_mem>>
        %dma_start3A_98 = arith.constant 0 : i32
        %dma_start3A_99 = arith.constant 0 : i32
        %dma_start3A_100 = tpu.memref_slice %arg12[%dma_start3A_98, %dma_start3A_99] : memref<8x4112xf32, #tpu.memory_space<vmem>> -> memref<8x4096xf32, #tpu.memory_space<vmem>>
        %dma_start3A_101 = arith.constant 0 : i32
        %dma_start3A_102 = tpu.memref_slice %arg5[%multiple_of3A, %dma_start3A_101] : memref<64x4096xf32, #tpu.memory_space<hbm>> -> memref<8x4096xf32, #tpu.memory_space<hbm>>
        %dma_start3A_103 = arith.constant 0 : i32
        %dma_start3A_104 = tpu.memref_slice %arg5[%multiple_of3A, %dma_start3A_103] : memref<64x4096xf32, #tpu.memory_space<hbm>> -> memref<8x4096xf32, #tpu.memory_space<hbm>>
        %dma_start3A_105 = arith.constant 0 : i32
        %dma_start3A_106 = arith.constant 0 : i32
        %dma_start3A_107 = tpu.memref_slice %arg12[%dma_start3A_105, %dma_start3A_106] : memref<8x4112xf32, #tpu.memory_space<vmem>> -> memref<8x4096xf32, #tpu.memory_space<vmem>>
        tpu.enqueue_dma source(%dma_start3A_107 : memref<8x4096xf32, #tpu.memory_space<vmem>>) target(%dma_start3A_104 : memref<8x4096xf32, #tpu.memory_space<hbm>>) target_semaphore(%run_scoped3A : memref<!tpu.dma_semaphore, #tpu.memory_space<semaphore_mem>>)
        %dma_wait3A = arith.constant 0 : i32
        %dma_wait3A_108 = arith.constant 0 : i32
        %dma_wait3A_109 = tpu.memref_slice %arg12[%dma_wait3A, %dma_wait3A_108] : memref<8x4112xf32, #tpu.memory_space<vmem>> -> memref<8x4096xf32, #tpu.memory_space<vmem>>
        %dma_wait3A_110 = arith.constant 0 : i32
        %dma_wait3A_111 = tpu.memref_slice %arg5[%multiple_of3A, %dma_wait3A_110] : memref<64x4096xf32, #tpu.memory_space<hbm>> -> memref<8x4096xf32, #tpu.memory_space<hbm>>
        %dma_wait3A_112 = arith.constant 0 : i32
        %dma_wait3A_113 = tpu.memref_slice %arg5[%multiple_of3A, %dma_wait3A_112] : memref<64x4096xf32, #tpu.memory_space<hbm>> -> memref<8x4096xf32, #tpu.memory_space<hbm>>
        %dma_wait3A_114 = arith.constant 0 : i32
        %dma_wait3A_115 = arith.constant 0 : i32
        %dma_wait3A_116 = tpu.memref_slice %arg12[%dma_wait3A_114, %dma_wait3A_115] : memref<8x4112xf32, #tpu.memory_space<vmem>> -> memref<8x4096xf32, #tpu.memory_space<vmem>>
        tpu.wait_dma2 semaphore(%run_scoped3A : memref<!tpu.dma_semaphore, #tpu.memory_space<semaphore_mem>>) src(%dma_wait3A_116 : memref<8x4096xf32, #tpu.memory_space<vmem>>) dst(%dma_wait3A_113 : memref<8x4096xf32, #tpu.memory_space<hbm>>)
        tpu.yield
      }) : () -> ()
    } else {
    }
    %eq3A_88 = arith.constant 2 : i32
    %eq3A_89 = arith.cmpi eq, %select_n3A, %eq3A_88 : i32
    %convert_element_type3A_90 = arith.extui %eq3A_89 : i1 to i32
    %cond3A_91 = arith.constant 0 : i32
    %cond3A_92 = arith.cmpi ne, %convert_element_type3A_90, %cond3A_91 : i32
    scf.if %cond3A_92 {
      "tpu.region"() ({
        %run_scoped3A = tpu.sem_alloc : memref<!tpu.dma_semaphore, #tpu.memory_space<semaphore_mem>>
        %dma_start3A_98 = arith.constant 0 : i32
        %dma_start3A_99 = arith.constant 0 : i32
        %dma_start3A_100 = tpu.memref_slice %arg12[%dma_start3A_98, %dma_start3A_99] : memref<8x4112xf32, #tpu.memory_space<vmem>> -> memref<8x4096xf32, #tpu.memory_space<vmem>>
        %dma_start3A_101 = arith.constant 0 : i32
        %dma_start3A_102 = tpu.memref_slice %arg6[%multiple_of3A, %dma_start3A_101] : memref<64x4096xf32, #tpu.memory_space<hbm>> -> memref<8x4096xf32, #tpu.memory_space<hbm>>
        %dma_start3A_103 = arith.constant 0 : i32
        %dma_start3A_104 = tpu.memref_slice %arg6[%multiple_of3A, %dma_start3A_103] : memref<64x4096xf32, #tpu.memory_space<hbm>> -> memref<8x4096xf32, #tpu.memory_space<hbm>>
        %dma_start3A_105 = arith.constant 0 : i32
        %dma_start3A_106 = arith.constant 0 : i32
        %dma_start3A_107 = tpu.memref_slice %arg12[%dma_start3A_105, %dma_start3A_106] : memref<8x4112xf32, #tpu.memory_space<vmem>> -> memref<8x4096xf32, #tpu.memory_space<vmem>>
        tpu.enqueue_dma source(%dma_start3A_107 : memref<8x4096xf32, #tpu.memory_space<vmem>>) target(%dma_start3A_104 : memref<8x4096xf32, #tpu.memory_space<hbm>>) target_semaphore(%run_scoped3A : memref<!tpu.dma_semaphore, #tpu.memory_space<semaphore_mem>>)
        %dma_wait3A = arith.constant 0 : i32
        %dma_wait3A_108 = arith.constant 0 : i32
        %dma_wait3A_109 = tpu.memref_slice %arg12[%dma_wait3A, %dma_wait3A_108] : memref<8x4112xf32, #tpu.memory_space<vmem>> -> memref<8x4096xf32, #tpu.memory_space<vmem>>
        %dma_wait3A_110 = arith.constant 0 : i32
        %dma_wait3A_111 = tpu.memref_slice %arg6[%multiple_of3A, %dma_wait3A_110] : memref<64x4096xf32, #tpu.memory_space<hbm>> -> memref<8x4096xf32, #tpu.memory_space<hbm>>
        %dma_wait3A_112 = arith.constant 0 : i32
        %dma_wait3A_113 = tpu.memref_slice %arg6[%multiple_of3A, %dma_wait3A_112] : memref<64x4096xf32, #tpu.memory_space<hbm>> -> memref<8x4096xf32, #tpu.memory_space<hbm>>
        %dma_wait3A_114 = arith.constant 0 : i32
        %dma_wait3A_115 = arith.constant 0 : i32
        %dma_wait3A_116 = tpu.memref_slice %arg12[%dma_wait3A_114, %dma_wait3A_115] : memref<8x4112xf32, #tpu.memory_space<vmem>> -> memref<8x4096xf32, #tpu.memory_space<vmem>>
        tpu.wait_dma2 semaphore(%run_scoped3A : memref<!tpu.dma_semaphore, #tpu.memory_space<semaphore_mem>>) src(%dma_wait3A_116 : memref<8x4096xf32, #tpu.memory_space<vmem>>) dst(%dma_wait3A_113 : memref<8x4096xf32, #tpu.memory_space<hbm>>)
        tpu.yield
      }) : () -> ()
    } else {
    }
    %eq3A_93 = arith.constant 3 : i32
    %eq3A_94 = arith.cmpi eq, %select_n3A, %eq3A_93 : i32
    %convert_element_type3A_95 = arith.extui %eq3A_94 : i1 to i32
    %cond3A_96 = arith.constant 0 : i32
    %cond3A_97 = arith.cmpi ne, %convert_element_type3A_95, %cond3A_96 : i32
    scf.if %cond3A_97 {
      "tpu.region"() ({
        %run_scoped3A = tpu.sem_alloc : memref<!tpu.dma_semaphore, #tpu.memory_space<semaphore_mem>>
        %dma_start3A_98 = arith.constant 0 : i32
        %dma_start3A_99 = arith.constant 0 : i32
        %dma_start3A_100 = tpu.memref_slice %arg12[%dma_start3A_98, %dma_start3A_99] : memref<8x4112xf32, #tpu.memory_space<vmem>> -> memref<8x4096xf32, #tpu.memory_space<vmem>>
        %dma_start3A_101 = arith.constant 0 : i32
        %dma_start3A_102 = tpu.memref_slice %arg7[%multiple_of3A, %dma_start3A_101] : memref<64x4096xf32, #tpu.memory_space<hbm>> -> memref<8x4096xf32, #tpu.memory_space<hbm>>
        %dma_start3A_103 = arith.constant 0 : i32
        %dma_start3A_104 = tpu.memref_slice %arg7[%multiple_of3A, %dma_start3A_103] : memref<64x4096xf32, #tpu.memory_space<hbm>> -> memref<8x4096xf32, #tpu.memory_space<hbm>>
        %dma_start3A_105 = arith.constant 0 : i32
        %dma_start3A_106 = arith.constant 0 : i32
        %dma_start3A_107 = tpu.memref_slice %arg12[%dma_start3A_105, %dma_start3A_106] : memref<8x4112xf32, #tpu.memory_space<vmem>> -> memref<8x4096xf32, #tpu.memory_space<vmem>>
        tpu.enqueue_dma source(%dma_start3A_107 : memref<8x4096xf32, #tpu.memory_space<vmem>>) target(%dma_start3A_104 : memref<8x4096xf32, #tpu.memory_space<hbm>>) target_semaphore(%run_scoped3A : memref<!tpu.dma_semaphore, #tpu.memory_space<semaphore_mem>>)
        %dma_wait3A = arith.constant 0 : i32
        %dma_wait3A_108 = arith.constant 0 : i32
        %dma_wait3A_109 = tpu.memref_slice %arg12[%dma_wait3A, %dma_wait3A_108] : memref<8x4112xf32, #tpu.memory_space<vmem>> -> memref<8x4096xf32, #tpu.memory_space<vmem>>
        %dma_wait3A_110 = arith.constant 0 : i32
        %dma_wait3A_111 = tpu.memref_slice %arg7[%multiple_of3A, %dma_wait3A_110] : memref<64x4096xf32, #tpu.memory_space<hbm>> -> memref<8x4096xf32, #tpu.memory_space<hbm>>
        %dma_wait3A_112 = arith.constant 0 : i32
        %dma_wait3A_113 = tpu.memref_slice %arg7[%multiple_of3A, %dma_wait3A_112] : memref<64x4096xf32, #tpu.memory_space<hbm>> -> memref<8x4096xf32, #tpu.memory_space<hbm>>
        %dma_wait3A_114 = arith.constant 0 : i32
        %dma_wait3A_115 = arith.constant 0 : i32
        %dma_wait3A_116 = tpu.memref_slice %arg12[%dma_wait3A_114, %dma_wait3A_115] : memref<8x4112xf32, #tpu.memory_space<vmem>> -> memref<8x4096xf32, #tpu.memory_space<vmem>>
        tpu.wait_dma2 semaphore(%run_scoped3A : memref<!tpu.dma_semaphore, #tpu.memory_space<semaphore_mem>>) src(%dma_wait3A_116 : memref<8x4096xf32, #tpu.memory_space<vmem>>) dst(%dma_wait3A_113 : memref<8x4096xf32, #tpu.memory_space<hbm>>)
        tpu.yield
      }) : () -> ()
    } else {
    }
    return
  }
}

</mosaic_0001>

<sc_bundles>
// kernel: kernel.3.cloned.1.call-start
scs
__scs_entry_jumppad:
0x0: {  	(pc) =	sbr.rel $0x88, $3  }
0x1: {  	(tag) =	ssettag $0x0;
	lr =	simm.s32 $0x1  }
0x2: {  	[smem:$0x3F9F] =	sst lr;
	_ =	strace $0xD0000000  }
0x3: {  	_ = 	snop  }
0x4: {  	_ = 	snop  }
0x5: {  	_ = 	snop  }
0x6: {  	_ = 	snop  }
0x7: {  	_ = 	snop  }
__scs_overlays_trampoline_lowered:
0x8: {  	[smem:$0x3FAE] =	sst s0  }
0x9: {  	[smem:$0x3FAF] =	sst s1  }
0xa: {  	[smem:$0x3FB0] =	sst s2  }
0xb: {  	[smem:$0x3FB1] =	sst s3  }
0xc: {  	[smem:$0x3FB2] =	sst s4  }
0xd: {  	[smem:$0x3FB3] =	sst s5  }
0xe: {  	[smem:$0x3FB4] =	sst s6  }
0xf: {  	[smem:$0x3FB5] =	sst s7  }
0x10: {  	[smem:$0x3FB6] =	sst s8  }
0x11: {  	[smem:$0x3FB7] =	sst s9;
	s0 =	simm.s32 @!p0 $0x0  }
0x12: {  	s1 =	sld [smem:$0x3F9D];
	s0 =	simm.s32 @p0 $0x1  }
0x13: {  	[smem:$0x3FB8] =	sst s0;
	s0 =	simm.s32 @!p1 $0x0  }
0x14: {  	s2 =	sld [smem:$0x3F9C];
	s0 =	simm.s32 @p1 $0x1  }
0x15: {  	[smem:$0x3FB9] =	sst s0;
	s0 =	simm.s32 @!p2 $0x0  }
0x16: {  	s3 =	sld [smem:$0x3FDB];
	s0 =	simm.s32 @p2 $0x1  }
0x17: {  	s4 =	simm.s32 $0x1BF5;
	[smem:$0x3FBB] =	sst s0  }
0x18: {  	s0 =	sld [smem:$0x3F9E];
	_ =	swait.ge [sflag:s4], $0x0  }
0x19: {  	s7 =	sld [smem:$0x3F9F]  }
0x1a: {  	s8 =	sadd.s32 $0xFFFFE003, lr  }
0x1b: {  	s9 =	sadd.s32 $0xFFFFFEF7, lr;
	s5 =	simm.s32 $0xFFFFFFFF;
	p2 =	slt.u32 s8, $0xFFFFF086  }
0x1c: {  	p1 =	slt.u32 s9, $0xF7A;
	s5 =	simm.s32 @!p2 $0x0  }
0x1d: {  	s5 =	simm.s32 @p1 $0x1;
	p0 =	seq.s32 s7, s2  }
0x1e: {  	s7 =	smul.u32 @!p0 $0xF7A, s2;
	p2 =	seq.s32 @!p0 s5, $0x0  }
0x1f: {  	s9 =	smul.u32 $0xF7A, s1;
	s8 =	simm.s32 @!p0 $0x1BF5;
	p2 =	por !p2, p0  }
0x20: {  	[sflag:s8] =	ssyncset.s32 @!p0 $0xFFFFF086;
	s6 =	sadd.s32 @!p0 s3, s7;
	s7 =	simm.s32 @!p0 $0x108  }
0x21: {  	s3 =	sadd.s32 s3, s9;
	s6 =	sadd.s32 @!p0 $0x88, s6;
	s7 =	simm.s32 @p2 $0x1082  }
0x22: {  	[simem:s7], [sflag:s8] =	dma.local @!p0 [hbm:s6], $0xF7A  }
0x23: {  	s9 =	sor.u32 $0xD0000000, s2;
	s6 =	simm.s32 $0x108;
	_ =	swait.ge @!p0 [sflag:s8], $0x0  }
0x24: {  	s3 =	sadd.s32 $0x88, s3;
	s6 =	simm.s32 @!p1 $0x1082;
	[sflag:s4] =	ssyncset.s32 $0xFFFFF086  }
0x25: {  	[simem:s6], [sflag:s4] =	dma.local [hbm:s3], $0xF7A  }
0x26: {  	[smem:$0x3F9F] =	sst s1;
	(tag) =	ssettag s2;
	_ =	strace s9  }
0x27: {  	s1 =	sld [smem:$0x3FAF]  }
0x28: {  	s2 =	sld [smem:$0x3FB0]  }
0x29: {  	s4 =	sld [smem:$0x3FB2]  }
0x2a: {  	p0 =	seq.s32 s5, $0x0;
	s5 =	sld [smem:$0x3FB3]  }
0x2b: {  	s6 =	sld [smem:$0x3FB4]  }
0x2c: {  	s7 =	sld [smem:$0x3FB5]  }
0x2d: {  	s3 =	simm.s32 $0x108;
	s8 =	sld [smem:$0x3FB6]  }
0x2e: {  	s3 =	simm.s32 @!p0 $0x1082;
	s9 =	sld [smem:$0x3FB7]  }
0x2f: {  	lr =	sadd.s32 s0, s3;
	s0 =	sld [smem:$0x3FAE]  }
0x30: {  	s3 =	sld [smem:$0x3FB1]  }
0x31: {  	[smem:$0x3FBA] =	sst s10  }
0x32: {  	s10 =	sld [smem:$0x3FB8];
	_ =	sdelay $0x3  }
0x33: {  	p0 =	seq.s32 s10, $0x1;
	s10 =	sld [smem:$0x3FBA];
	_ =	sdelay $0x3  }
0x34: {  	[smem:$0x3FBA] =	sst s10  }
0x35: {  	s10 =	sld [smem:$0x3FB9];
	_ =	sdelay $0x3  }
0x36: {  	p1 =	seq.s32 s10, $0x1;
	s10 =	sld [smem:$0x3FBA];
	_ =	sdelay $0x3  }
0x37: {  	[smem:$0x3FBA] =	sst s10  }
0x38: {  	s10 =	sld [smem:$0x3FBB]  }
0x39: {  	_ = 	snop;
	(pc) =	sbr.ind lr, $3  }
0x3a: {  	_ = 	snop  }
0x3b: {  	_ = 	snop  }
0x3c: {  	p2 =	seq.s32 s10, $0x1;
	s10 =	sld [smem:$0x3FBA]  }
0x3d: {  	_ =	shalt  }
0x3e: {  	_ =	shalt  }
0x3f: {  	_ =	shalt  }
0x40: {  	_ =	shalt  }
0x41: {  	_ =	shalt  }
0x42: {  	_ =	shalt  }
0x43: {  	_ =	shalt  }
0x44: {  	_ =	shalt  }
0x45: {  	_ =	shalt  }
0x46: {  	_ =	shalt  }
0x47: {  	_ =	shalt  }
0x48: {  	_ =	shalt  }
0x49: {  	_ =	shalt  }
0x4a: {  	_ =	shalt  }
0x4b: {  	_ =	shalt  }
0x4c: {  	_ =	shalt  }
0x4d: {  	_ =	shalt  }
0x4e: {  	_ =	shalt  }
0x4f: {  	_ =	shalt  }
0x50: {  	_ =	shalt  }
0x51: {  	_ =	shalt  }
0x52: {  	_ =	shalt  }
0x53: {  	_ =	shalt  }
0x54: {  	_ =	shalt  }
0x55: {  	_ =	shalt  }
0x56: {  	_ =	shalt  }
0x57: {  	_ =	shalt  }
0x58: {  	_ =	shalt  }
0x59: {  	_ =	shalt  }
0x5a: {  	_ =	shalt  }
0x5b: {  	_ =	shalt  }
0x5c: {  	_ =	shalt  }
0x5d: {  	_ =	shalt  }
0x5e: {  	_ =	shalt  }
0x5f: {  	_ =	shalt  }
0x60: {  	_ =	shalt  }
0x61: {  	_ =	shalt  }
0x62: {  	_ =	shalt  }
0x63: {  	_ =	shalt  }
0x64: {  	_ =	shalt  }
0x65: {  	_ =	shalt  }
0x66: {  	_ =	shalt  }
0x67: {  	_ =	shalt  }
0x68: {  	_ =	shalt  }
0x69: {  	_ =	shalt  }
0x6a: {  	_ =	shalt  }
0x6b: {  	_ =	shalt  }
0x6c: {  	_ =	shalt  }
0x6d: {  	_ =	shalt  }
0x6e: {  	_ =	shalt  }
0x6f: {  	_ =	shalt  }
0x70: {  	_ =	shalt  }
0x71: {  	_ =	shalt  }
0x72: {  	_ =	shalt  }
0x73: {  	_ =	shalt  }
0x74: {  	_ =	shalt  }
0x75: {  	_ =	shalt  }
0x76: {  	_ =	shalt  }
0x77: {  	_ =	shalt  }
0x78: {  	_ =	shalt  }
0x79: {  	_ =	shalt  }
0x7a: {  	_ =	shalt  }
0x7b: {  	_ =	shalt  }
0x7c: {  	_ =	shalt  }
0x7d: {  	_ =	shalt  }
0x7e: {  	_ =	shalt  }
0x7f: {  	_ =	shalt  }
0x80: {  	_ =	shalt  }
0x81: {  	_ =	shalt  }
0x82: {  	_ =	shalt  }
0x83: {  	_ =	shalt  }
0x84: {  	_ =	shalt  }
0x85: {  	_ =	shalt  }
0x86: {  	_ =	shalt  }
0x87: {  	_ =	shalt  }
.Lfunc_end0:
.L_simem_size_0:
called_computation_lowered:
.L_overlay_start_0:
0x88: {  	s2 =	sld [smem:$0x3FD9]  }
0x89: {  	s3 =	sld [smem:$0x3FFE];
	_ =	sdelay $0x1  }
0x8a: {  	s1 =	srdreg.scid  }
0x8b: {  	s0 =	sand.u32 $0x1, s1  }
0x8c: {  	s17 =	sshll.u32 s0, $0xA;
	s2 =	sadd.s32 s3, s2  }
0x8d: {  	s2 =	sadd.s32 s2, s17  }
0x8e: {  	[smem:$0x3FC6] =	sst s2  }
0x8f: {  	_ = 	snop  }
0x90: {  	s2 =	sld [smem:$0x3FC9]  }
0x91: {  	s18 =	sld [smem:$0x3FC8]  }
0x92: {  	s4 =	sld [smem:$0x3FD0];
	(tm) =	ssettm $0x1  }
0x93: {  	s5 =	sld [smem:$0x3FFB];
	_ =	sdelay $0x3  }
0x94: {  	_ =	strace s5  }
0x95: {  	s5 =	sld [smem:$0x3FFC];
	_ =	sdelay $0x3  }
0x96: {  	_ =	strace s5  }
0x97: {  	s5 =	sld [smem:$0x3FFD];
	_ =	sdelay $0x3  }
0x98: {  	_ =	strace s5  }
0x99: {  	_ =	strace $0x8FFFFFFF  }
0x9a: {  	s19 =	sld [smem:$0x3FDB];
	_ =	sdelay $0x1  }
0x9b: {  	s6 =	simm.s32 $_scs_section_size  }
0x9c: {  	s7 =	simm.s32 $_size__tile_overlayer_lowered;
	s8 =	simm.s32 $_tile_overlayer_lowered  }
0x9d: {  	s22 =	simm.s32 $0x1BFF;
	s21 =	sshll.u32 s8, $0x1;
	s5 =	sadd.s32 s6, s19  }
0x9e: {  	s9 =	simm.s32 $0x0;
	s20 =	sshll.u32 s7, $0x1;
	s7 =	sadd.s32 s21, s5  }
0x9f: {  	[timem:s9], [sflag:s22] =	dma.local [hbm:s7], s20  }
0xa0: {  	_ =	swait.ge [sflag:s22], s20  }
0xa1: {  	s6 =	ssub.s32 $0x0, s20;
	[sflag:s22] =	ssyncset.done $0x0  }
0xa2: {  	[sflag:s22] =	ssyncadd.s32 s6;
	_ =	sdelay $0x1  }
0xa3: {  	s23 =	simm.s32 $0x1B8B  }
0xa4: {  	_ =	swait.ge [sflag:s23], $0x1  }
0xa5: {  	[sflag:s23] =	ssyncset.done $0x0  }
0xa6: {  	s25 =	simm.s32 $0x1B8E;
	s24 =	sld [smem:$0x3FFE];
	[sflag:s23] =	ssyncadd.s32 $0xFFFFFFFF  }
0xa7: {  	s26 =	simm.s32 $execute0_lowered;
	[smem:$0x3FD2] =	sst s25  }
0xa8: {  	s7 =	sshll.u32 s26, $0x1;
	_ =	strace $0x80000046;
	[dreg:$0x1] =	wrdreg $0xFFFFFFFF  }
0xa9: {  	s28 =	simm.s32 $_size_execute0_lowered;
	s5 =	sadd.s32 s5, s7;
	[dreg:$0x0] =	wrdreg $0x0  }
0xaa: {  	s7 =	sshll.u32 s28, $0x1;
	[dreg:$0x2] =	wrdreg s5  }
0xab: {  	[dreg:$0x3] =	wrdreg s7  }
0xac: {  	[dreg:$0x4] =	wrdreg $0xC0  }
0xad: {  	_ =	task [dreg:s9], $0x5FFFF  }
0xae: {  	[dreg:$0x1] =	wrdreg $0xFFFFFFFF  }
0xaf: {  	[dreg:$0x0] =	wrdreg $0x60  }
0xb0: {  	[dreg:$0x2] =	wrdreg s2  }
0xb1: {  	[dreg:$0x3] =	wrdreg s18  }
0xb2: {  	[dreg:$0x4] =	wrdreg s4  }
0xb3: {  	[dreg:$0x5] =	wrdreg s24  }
0xb4: {  	[dreg:$0x6] =	wrdreg $0x9  }
0xb5: {  	_ =	task.clear_ibuf [dreg:s9], $0x7FFFF;
	_ =	strace $0x90000046  }
0xb6: {  	s29 =	simm.s32 $0x9;
	_ =	strace $0x80000048  }
0xb7: {  	_ =	swait.ge [sflag:s29], $0x1  }
0xb8: {  	[sflag:s29] =	ssyncadd.s32 $0xFFFFFFFF  }
0xb9: {  	_ =	strace $0x90000048  }
0xba: {  	_ =	sfence  }
0xbb: {  	s30 =	sld [smem:$0x0];
	_ =	sdelay $0x2  }
0xbc: {  	s31 =	sshll.u32 s1, $0xD;
	s1 =	sshrl.u32 s1, $0x2  }
0xbd: {  	s3 =	sand.u32 $0x4000, s31;
	s1 =	sadd.s32 s1, s30  }
0xbe: {  	s0 =	sor.u32 s3, s0;
	s1 =	sshll.u32 s1, $0x11  }
0xbf: {  	s0 =	sor.u32 s1, s0  }
0xc0: {  	s0 =	sadd.s32 $0x8F2B, s0  }
0xc1: {  	[sflag:s0] =	ssyncadd.remote.s32 $0x1  }
0xc2: {  	_ =	sfence.sel $0xFFFF  }
0xc3: {  	[dreg:$0x0] =	wrdreg $0xFFFFFFFF;
	(pc) =	sbr.abs _section_cstart, $3  }
0xc4: {  	[dreg:$0x1] =	wrdreg $0xFFFFFFFF  }
0xc5: {  	_ =	task.clear_ibuf [dreg:s9], $0x2FFFF;
	_ =	strace $0x9FFFFFFF  }
0xc6: {  	(tm) =	ssettm $0x7FFFFFFF  }
0xc7: {  	_ =	shalt  }
tec
execute0_lowered:
.L_overlay_start_1:
0x0: {  	(tag) =	ssettag $0x1  }
0x1: {  	s1 =	rddreg [dreg:$0x0]  }
0x2: {  	s2 =	rddreg [dreg:$0x1]  }
0x3: {  	s0 =	stileid.u32;
	s18 =	rddreg [dreg:$0x2]  }
0x4: {  	s3 =	srdreg.scid;
	s6 =	rddreg [dreg:$0x3];
	s15 =	simm.s32 $0xB000  }
0x5: {  	s16 =	simm.s32 $0x3;
	s4 =	sshll.u32 s0, $0x1;
	s7 =	sand.u32 $0x1, s3  }
0x6: {  	s3 =	rddreg [dreg:$0x4];
	s13 =	sshrl.u32 s0, $0x2;
	s17 =	sadd.s32 $0xC00, s6  }
0x7: {  	s5 =	sand.u32 $0x6, s4;
	s4 =	simm.s32 $0x0;
	s8 =	smul.u32 $0x31000, s13  }
0x8: {  	s19 =	smul.u32 $0x6200, s13;
	p0 =	seq.s32 s13, $0x3;
	p1 =	seq.s32 s13, $0x0  }
0x9: {  	s12 =	sor.u32 s7, s5;
	[smem:$0x7FF] =	sst s4;
	s5 =	sadd.s32 $0x8C00, s6  }
0xa: {  	s7 =	ssub.s32 $0x2, s7;
	s6 =	sadd.s32 $0x10C00, s6;
	p2 =	seq.s32 @!p1 s13, $0x2  }
0xb: {  	s10 =	smul.u32 $0xC3800, s12;
	_ =	strace $0x80000047;
	s9 =	sshrl.u32 s7, $0x1  }
0xc: {  	s20 =	sadd.s32 $0x6200, s19;
	s12 =	sshll.u32 s12, $0xC;
	p2 =	por !p2, p1  }
0xd: {  	s14 =	ssub.s32 s7, s9;
	s20 =	simm.s32 @p0 $0x186A0;
	s5 =	smov.u32 @p2 s17  }
.Ltmp0:
0xe: {  	s17 =	simm.s32 $0x13000;
	s11 =	sadd.s32 s8, s10;
	(pc) =	sbr.rel .LBB2_1-.Ltmp0, $4  }
0xf: {  	s31 =	sshrl.u32 s10, $0x3;
	s13 =	smax.u32 s14, $0x1;
	s14 =	simm.s32 $0x3000  }
0x10: {  	s5 =	smov.u32 @p1 s18;
	s18 =	simm.s32 $0x0;
	s8 =	sshrl.u32 s11, $0x3  }
0x11: {  	v0 =	vlaneseq.u32;
	s9 =	sadd.s32 $0x10000, s11;
	s11 =	sadd.s32 s2, s31;
	s7 =	sadd.s32 s2, s8  }
0x12: {  	v3 =	vor.u32 $0x1000, v0;
	v1 =	vmov s19;
	v2 =	vmov s20;
	s11 =	sadd.s32 $0x18600, s11;
	s8 =	sadd.s32 $0x1000, s7;
	s10 =	sadd.s32 $0x6000, s7  }
.LBB2_25:
0x13: {  	_ =	sdelay $0x3  }
0x14: {  	[tilespmem:v5+s17+$0x0] =	vst.idx.msk $0xffff, v4  }
.LBB2_26:
0x15: {  	s22 =	smov.u32 s5  }
.LBB2_37:
0x16: {  	s18 =	sadd.s32 $0x1, s18  }
0x17: {  	p1 =	sne.s32 s18, s13  }
.Ltmp1:
0x18: {  	s19 =	sadd.s32 s22, s12;
	(pc) =	sbr.rel @!p1 .LBB2_38-.Ltmp1, $4  }
0x19: {  	[hbm4b:s19+s4] =	stream.linear.scatter [tilespmem:s17], [sflag:$0x3], $0x8000, $0x38;
	[tilespmem:$0x1B400] =	vst v63  }
0x1a: {  	_ =	swait.ge [sflag:s16], $0x8000  }
0x1b: {  	[sflag:s16] =	ssyncset.done $0x0  }
0x1c: {  	[sflag:s16] =	ssyncadd.s32 $0xFFFF8000  }
.LBB2_1:
0x1d: {  	[tilespmem:s14], [sflag:$0x1] =	stream.linear.gather [hbm4b:s7+s4], $0x8000, $0x38;
	[tilespmem:$0x1B400] =	vst v63  }
0x1e: {  	_ = 	snop  }
0x1f: {  	[tilespmem:s15], [sflag:$0x2] =	stream.linear.gather [hbm4b:s8+s4], $0x8000, $0x38;
	[tilespmem:$0x1B400] =	vst v63  }
0x20: {  	_ = 	snop  }
0x21: {  	[tilespmem:s4], [sflag:$0x3] =	stream.linear.gather [hbm4b:s1+s4], $0x1000, $0x38;
	[tilespmem:$0x1B400] =	vst v63  }
0x22: {  	_ =	swait.ge [sflag:s16], $0x1000  }
0x23: {  	[sflag:s16] =	ssyncset.done $0x0  }
0x24: {  	s19 =	simm.s32 $0x20;
	[sflag:s16] =	ssyncadd.s32 $0xFFFFF000  }
0x25: {  	v4 =	vld [tilespmem:s19+$0xFFFFFFE0];
	_ =	sdelay $0x4  }
0x26: {  	vm0 =	vge.s32 v4, v1;
	vm1 =	vlt.s32 v4, v2;
	v4 =	vsub.s32 v4, v1  }
0x27: {  	vm0 =	vmand vm0, vm1;
	v4 =	vshll.u32 v4, $0xC  }
0x28: {  	v4 =	vadd.s32 s4, v4;
	v5 =	vmpcnt.ones.xlane vm0  }
0x29: {  	v4 =	vadd.s32 v0, v4  }
0x2a: {  	[tilespmem:s4+$0x1000] =	vst.msk vm0, v4;
	(v2sf) =	vpush v5, $0x0  }
0x2b: {  	v4 =	vld [tilespmem:s19+$0xFFFFFFF0];
	_ =	sdelay $0x4  }
0x2c: {  	vm0 =	vge.s32 v4, v1;
	vm1 =	vlt.s32 v4, v2  }
0x2d: {  	vm0 =	vmand vm0, vm1  }
0x2e: {  	v5 =	vmpcnt.ones.xlane vm0;
	_ =	sdelay $0x1  }
0x2f: {  	(v2sf) =	vpush v5, $0x0;
	_ =	sdelay $0x2  }
0x30: {  	v4 =	vsub.s32 v4, v1  }
0x31: {  	s20 =	simm.s32 $0x10;
	v4 =	vshll.u32 v4, $0xC  }
0x32: {  	v4 =	vadd.s32 s20, v4;
	s28 =	spop (v2sf)  }
0x33: {  	v4 =	vadd.s32 v0, v4;
	s20 =	sadd.s32 $0x0, s28  }
0x34: {  	[tilespmem:s20+$0x1000] =	vst.msk vm0, v4  }
0x35: {  	v4 =	vld [tilespmem:s19+$0x0];
	_ =	sdelay $0x4  }
0x36: {  	vm0 =	vge.s32 v4, v1;
	vm1 =	vlt.s32 v4, v2;
	v4 =	vsub.s32 v4, v1  }
0x37: {  	s21 =	simm.s32 $0x20;
	vm0 =	vmand vm0, vm1;
	v4 =	vshll.u32 v4, $0xC  }
0x38: {  	v4 =	vadd.s32 s21, v4;
	v5 =	vmpcnt.ones.xlane vm0;
	s29 =	spop (v2sf)  }
0x39: {  	s20 =	sadd.s32 s20, s29;
	v4 =	vadd.s32 v0, v4  }
0x3a: {  	[tilespmem:s20+$0x1000] =	vst.msk vm0, v4;
	(v2sf) =	vpush v5, $0x0  }
0x3b: {  	v4 =	vld [tilespmem:s19+$0x10];
	_ =	sdelay $0x4  }
0x3c: {  	vm0 =	vge.s32 v4, v1;
	vm1 =	vlt.s32 v4, v2  }
0x3d: {  	vm0 =	vmand vm0, vm1  }
0x3e: {  	v5 =	vmpcnt.ones.xlane vm0;
	_ =	sdelay $0x1  }
0x3f: {  	(v2sf) =	vpush v5, $0x0;
	_ =	sdelay $0x2  }
0x40: {  	v4 =	vsub.s32 v4, v1  }
0x41: {  	s30 =	simm.s32 $0x30;
	v4 =	vshll.u32 v4, $0xC  }
0x42: {  	v4 =	vadd.s32 s30, v4;
	s31 =	spop (v2sf)  }
0x43: {  	v4 =	vadd.s32 v0, v4;
	s22 =	sadd.s32 s20, s31  }
0x44: {  	s20 =	simm.s32 $0x60;
	[tilespmem:s22+$0x1000] =	vst.msk vm0, v4  }
0x45: {  	v4 =	vld [tilespmem:s20+$0xFFFFFFE0];
	_ =	sdelay $0x4  }
0x46: {  	vm0 =	vge.s32 v4, v1;
	vm1 =	vlt.s32 v4, v2;
	v4 =	vsub.s32 v4, v1  }
0x47: {  	s19 =	simm.s32 $0x40;
	vm0 =	vmand vm0, vm1;
	v4 =	vshll.u32 v4, $0xC  }
0x48: {  	s21 =	simm.s32 $0x80;
	v5 =	vadd.s32 s19, v4;
	v4 =	vmpcnt.ones.xlane vm0;
	s23 =	spop (v2sf)  }
.LBB2_2:
0x49: {  	p1 =	seq.s32 s21, $0xFC0  }
0x4a: {  	v5 =	vadd.s32 v0, v5;
	s23 =	sadd.s32 s22, s23;
	s22 =	smov.u32 s21;
	s21 =	sadd.s32 $0x40, s21  }
0x4b: {  	[tilespmem:s23+$0x1000] =	vst.msk vm0, v5;
	(v2sf) =	vpush v4, $0x0  }
0x4c: {  	v4 =	vld [tilespmem:s20+$0xFFFFFFF0];
	_ =	sdelay $0x4  }
0x4d: {  	vm0 =	vge.s32 v4, v1;
	vm1 =	vlt.s32 v4, v2;
	v4 =	vsub.s32 v4, v1  }
0x4e: {  	s24 =	sadd.s32 $0x10, s19;
	vm0 =	vmand vm0, vm1;
	v4 =	vshll.u32 v4, $0xC  }
0x4f: {  	v4 =	vadd.s32 s24, v4;
	v5 =	vmpcnt.ones.xlane vm0;
	_ =	sdelay $0x1  }
0x50: {  	(v2sf) =	vpush v5, $0x0;
	_ =	sdelay $0x4  }
0x51: {  	s24 =	spop (v2sf)  }
0x52: {  	v4 =	vadd.s32 v0, v4;
	s23 =	sadd.s32 s23, s24  }
0x53: {  	[tilespmem:s23+$0x1000] =	vst.msk vm0, v4  }
0x54: {  	v4 =	vld [tilespmem:s20+$0x0];
	_ =	sdelay $0x4  }
0x55: {  	vm0 =	vge.s32 v4, v1;
	vm1 =	vlt.s32 v4, v2;
	v4 =	vsub.s32 v4, v1  }
0x56: {  	s24 =	sadd.s32 $0x20, s19;
	vm0 =	vmand vm0, vm1;
	v4 =	vshll.u32 v4, $0xC  }
0x57: {  	v4 =	vadd.s32 s24, v4;
	v5 =	vmpcnt.ones.xlane vm0;
	s24 =	spop (v2sf)  }
0x58: {  	s23 =	sadd.s32 s23, s24;
	v4 =	vadd.s32 v0, v4  }
0x59: {  	[tilespmem:s23+$0x1000] =	vst.msk vm0, v4;
	(v2sf) =	vpush v5, $0x0  }
0x5a: {  	v4 =	vld [tilespmem:s20+$0x10];
	_ =	sdelay $0x4  }
0x5b: {  	vm0 =	vge.s32 v4, v1;
	vm1 =	vlt.s32 v4, v2;
	v4 =	vsub.s32 v4, v1  }
0x5c: {  	s24 =	sadd.s32 $0x30, s19;
	s19 =	smov.u32 s22;
	vm0 =	vmand vm0, vm1;
	v4 =	vshll.u32 v4, $0xC  }
0x5d: {  	v4 =	vadd.s32 s24, v4;
	v5 =	vmpcnt.ones.xlane vm0;
	_ =	sdelay $0x1  }
0x5e: {  	(v2sf) =	vpush v5, $0x0;
	_ =	sdelay $0x4  }
0x5f: {  	s22 =	spop (v2sf)  }
0x60: {  	v4 =	vadd.s32 v0, v4;
	s22 =	sadd.s32 s23, s22  }
0x61: {  	s20 =	sadd.s32 $0x40, s20;
	[tilespmem:s22+$0x1000] =	vst.msk vm0, v4  }
0x62: {  	v4 =	vld [tilespmem:s20+$0xFFFFFFE0];
	_ =	sdelay $0x2  }
.Ltmp2:
0x63: {  	(pc) =	sbr.rel @!p1 .LBB2_2-.Ltmp2, $4  }
0x64: {  	_ = 	snop  }
0x65: {  	vm0 =	vge.s32 v4, v1;
	vm1 =	vlt.s32 v4, v2;
	v4 =	vsub.s32 v4, v1  }
0x66: {  	vm0 =	vmand vm0, vm1;
	v4 =	vshll.u32 v4, $0xC  }
0x67: {  	v5 =	vadd.s32 s19, v4;
	v4 =	vmpcnt.ones.xlane vm0;
	s23 =	spop (v2sf)  }
0x68: {  	v5 =	vadd.s32 v0, v5;
	s21 =	sadd.s32 s22, s23  }
0x69: {  	[tilespmem:s21+$0x1000] =	vst.msk vm0, v5;
	(v2sf) =	vpush v4, $0x0  }
0x6a: {  	v4 =	vld [tilespmem:s20+$0xFFFFFFF0];
	_ =	sdelay $0x4  }
0x6b: {  	vm11 =	vge.s32 v4, v1;
	vm1 =	vlt.s32 v4, v2  }
0x6c: {  	vm0 =	vmand vm11, vm1  }
0x6d: {  	v5 =	vmpcnt.ones.xlane vm0;
	_ =	sdelay $0x1  }
0x6e: {  	(v2sf) =	vpush v5, $0x0;
	_ =	sdelay $0x2  }
0x6f: {  	v4 =	vsub.s32 v4, v1  }
0x70: {  	s29 =	sadd.s32 $0x10, s19;
	v4 =	vshll.u32 v4, $0xC  }
0x71: {  	v4 =	vadd.s32 s29, v4;
	s22 =	spop (v2sf)  }
0x72: {  	v4 =	vadd.s32 v0, v4;
	s24 =	sadd.s32 s21, s22  }
0x73: {  	[tilespmem:s24+$0x1000] =	vst.msk vm0, v4  }
0x74: {  	v4 =	vld [tilespmem:s20+$0x0];
	_ =	sdelay $0x4  }
0x75: {  	v5 =	vsub.s32 v4, v1  }
0x76: {  	s30 =	sadd.s32 $0x20, s19;
	v5 =	vshll.u32 v5, $0xC  }
0x77: {  	vm12 =	vge.s32 v4, v1;
	vm13 =	vlt.s32 v4, v2;
	v4 =	vadd.s32 s30, v5;
	s31 =	spop (v2sf)  }
0x78: {  	vm0 =	vmand vm12, vm13;
	s24 =	sadd.s32 s24, s31;
	v4 =	vadd.s32 v0, v4  }
0x79: {  	[tilespmem:s24+$0x1000] =	vst.msk vm0, v4  }
0x7a: {  	v4 =	vld [tilespmem:s20+$0x10];
	_ =	sdelay $0x4  }
0x7b: {  	vm14 =	vge.s32 v4, v1;
	vm2 =	vlt.s32 v4, v2  }
0x7c: {  	v5 =	vmpcnt.ones.xlane vm0;
	vm15 =	vmand vm14, vm2  }
0x7d: {  	v6 =	vmpcnt.ones.xlane vm15  }
0x7e: {  	(v2sf) =	vpush v5, $0x0  }
0x7f: {  	(v2sf) =	vpush v6, $0x0;
	_ =	sdelay $0xb  }
0x80: {  	v4 =	vsub.s32 v4, v1  }
0x81: {  	s28 =	sadd.s32 $0x30, s19;
	v4 =	vshll.u32 v4, $0xC  }
0x82: {  	v4 =	vadd.s32 s28, v4;
	s29 =	spop (v2sf)  }
0x83: {  	v4 =	vadd.s32 v0, v4;
	s24 =	sadd.s32 s24, s29;
	s30 =	spop (v2sf)  }
0x84: {  	[tilespmem:s24+$0x1000] =	vst.msk vm15, v4;
	s24 =	sadd.s32 s24, s30  }
0x85: {  	s24 =	sadd.s32 $0x3F, s24  }
0x86: {  	s23 =	simm.s32 $0x1;
	s22 =	sadd.s32 s31, s22;
	s26 =	sand.u32 $0x3F, s24  }
0x87: {  	s25 =	sshra.s32 s24, $0x1F;
	p2 =	slt.s32 s24, $0x1;
	p1 =	sne.s32 s26, $0x0  }
.Ltmp3:
0x88: {  	s25 =	sshrl.u32 s25, $0x1A;
	p1 =	por !p2, !p1;
	(pc) =	sbr.rel .LBB2_4-.Ltmp3, $4  }
0x89: {  	s19 =	sadd.s32 s29, s22;
	s24 =	sadd.s32 s25, s24;
	p1 =	por !p1, !p1  }
0x8a: {  	s19 =	sadd.s32 s30, s19;
	s31 =	sshra.s32 s24, $0x6;
	s23 =	simm.s32 @!p1 $0x0  }
0x8b: {  	s19 =	sadd.s32 s21, s19;
	s20 =	ssub.s32 s31, s23  }
0x8c: {  	s21 =	simm.s32 $0x0;
	s19 =	sadd.s32 $0xFFFFFFF0, s19;
	p1 =	slt.s32 s20, $0x1  }
.LBB2_13:
0x8d: {  	_ =	sdelay $0x3  }
0x8e: {  	[tilespmem:v5+s17+$0x0] =	vst.idx.msk $0xffff, v4  }
.LBB2_14:
0x8f: {  	p2 =	sgt.u32 s21, $0x3  }
0x90: {  	s24 =	sshll.u32 @!p2 s21, $0xF  }
0x91: {  	s24 =	sadd.s32 @!p2 s24, s9  }
0x92: {  	s24 =	sshrl.u32 @!p2 s24, $0x3  }
0x93: {  	s25 =	simm.s32 @!p2 $0x0;
	s21 =	sadd.s32 $0x1, s21;
	s24 =	sadd.s32 @!p2 s2, s24  }
0x94: {  	[tilespmem:s23], [sflag:s22] =	stream.linear.gather @!p2 [hbm4b:s24+s25], $0x8000, $0x38;
	[tilespmem:$0x1B400] =	vst v63  }
0x95: {  	p2 =	sne.s32 s21, $0x6  }
.Ltmp4:
0x96: {  	_ = 	snop;
	(pc) =	sbr.rel @!p2 .LBB2_15-.Ltmp4, $1  }
0x97: {  	_ =	sdelay $0x3  }
.LBB2_4:
.Ltmp5:
0x98: {  	s23 =	sand.u32 $0x1, s21;
	(pc) =	sbr.rel @p1 .LBB2_10-.Ltmp5, $4  }
0x99: {  	s22 =	sadd.s32 $0x1, s23  }
0x9a: {  	_ =	swait.ge [sflag:s22], $0x8000  }
0x9b: {  	[sflag:s22] =	ssyncset.done $0x0  }
0x9c: {  	s24 =	simm.s32 $0x0;
	[sflag:s22] =	ssyncadd.s32 $0xFFFF8000  }
0x9d: {  	s24 =	simm.s32 $0x1020  }
0x9e: {  	v5 =	vld [tilespmem:s24+$0xFFFFFFE0]  }
0x9f: {  	p3 =	sne.s32 s20, $0x1  }
.Ltmp6:
0xa0: {  	_ = 	snop;
	(pc) =	sbr.rel @!p3 .LBB2_6-.Ltmp6, $4  }
0xa1: {  	_ = 	snop  }
0xa2: {  	s25 =	sadd.s32 $0x10, s19  }
0xa3: {  	v4 =	vmov s21;
	v6 =	vmov s25;
	v7 =	vshrl.u32 v5, $0x18  }
0xa4: {  	s28 =	sadd.s32 $0xFFFFFFFF, s20;
	p2 =	por $0x0, $0x0;
	s25 =	simm.s32 $0x0;
	vm0 =	vgt.s32 v6, v0;
	vm1 =	veq.s32 v7, v4  }
0xa5: {  	vm0 =	vmand vm0, vm1  }
0xa6: {  	[tilespmem:s25+$0x2000] =	vst.msk vm0, v5;
	v5 =	vmpcnt.ones.xlane vm0  }
0xa7: {  	v6 =	vld [tilespmem:s24+$0xFFFFFFF0]  }
0xa8: {  	(v2sf) =	vpush v5, $0x0;
	_ =	sdelay $0x3  }
0xa9: {  	v5 =	vmov s19;
	v7 =	vshrl.u32 v6, $0x18  }
0xaa: {  	vm0 =	vgt.s32 v5, v0;
	vm1 =	veq.s32 v7, v4  }
0xab: {  	vm0 =	vmand vm0, vm1  }
0xac: {  	v5 =	vmpcnt.ones.xlane vm0;
	_ =	sdelay $0x1  }
0xad: {  	(v2sf) =	vpush v5, $0x0;
	_ =	sdelay $0x5  }
0xae: {  	s26 =	spop (v2sf)  }
0xaf: {  	s26 =	sadd.s32 $0x0, s26  }
0xb0: {  	[tilespmem:s26+$0x2000] =	vst.msk vm0, v6  }
0xb1: {  	v5 =	vld [tilespmem:s24+$0x0];
	_ =	sdelay $0x3  }
0xb2: {  	s29 =	sadd.s32 $0xFFFFFFF0, s19  }
0xb3: {  	v6 =	vmov s29;
	v7 =	vshrl.u32 v5, $0x18  }
0xb4: {  	vm0 =	vgt.s32 v6, v0;
	vm1 =	veq.s32 v7, v4;
	s29 =	spop (v2sf)  }
0xb5: {  	s26 =	sadd.s32 s26, s29;
	vm0 =	vmand vm0, vm1  }
0xb6: {  	[tilespmem:s26+$0x2000] =	vst.msk vm0, v5;
	v5 =	vmpcnt.ones.xlane vm0  }
0xb7: {  	v6 =	vld [tilespmem:s24+$0x10]  }
0xb8: {  	(v2sf) =	vpush v5, $0x0;
	_ =	sdelay $0x2  }
0xb9: {  	s31 =	sadd.s32 $0xFFFFFFE0, s19  }
0xba: {  	v5 =	vmov s31;
	v7 =	vshrl.u32 v6, $0x18  }
0xbb: {  	vm0 =	vgt.s32 v5, v0;
	vm1 =	veq.s32 v7, v4  }
0xbc: {  	vm0 =	vmand vm0, vm1  }
0xbd: {  	v5 =	vmpcnt.ones.xlane vm0;
	_ =	sdelay $0x1  }
0xbe: {  	(v2sf) =	vpush v5, $0x0;
	_ =	sdelay $0x5  }
0xbf: {  	s31 =	spop (v2sf)  }
0xc0: {  	s29 =	sadd.s32 s26, s31  }
0xc1: {  	s24 =	simm.s32 $0x1060;
	[tilespmem:s29+$0x2000] =	vst.msk vm0, v6  }
0xc2: {  	v5 =	vld [tilespmem:s24+$0xFFFFFFE0]  }
0xc3: {  	p3 =	sne.s32 s28, $0x1  }
.Ltmp7:
0xc4: {  	_ = 	snop;
	(pc) =	sbr.rel @!p3 .LBB2_9-.Ltmp7, $4  }
0xc5: {  	s26 =	sadd.s32 $0xFFFFFFC0, s19  }
0xc6: {  	s30 =	sadd.s32 $0x10, s26  }
0xc7: {  	v6 =	vmov s30;
	v7 =	vshrl.u32 v5, $0x18  }
0xc8: {  	s28 =	sadd.s32 $0xFFFFFFFF, s28;
	p2 =	por $0x1, $0x1;
	vm0 =	vgt.s32 v6, v0;
	vm1 =	veq.s32 v7, v4;
	s30 =	spop (v2sf)  }
.LBB2_8:
0xc9: {  	p3 =	sne.s32 s28, $0x1;
	s28 =	sadd.s32 $0xFFFFFFFF, s28;
	vm0 =	vmand vm0, vm1;
	s29 =	sadd.s32 s29, s30  }
0xca: {  	[tilespmem:s29+$0x2000] =	vst.msk vm0, v5;
	v5 =	vmpcnt.ones.xlane vm0  }
0xcb: {  	v6 =	vld [tilespmem:s24+$0xFFFFFFF0]  }
0xcc: {  	(v2sf) =	vpush v5, $0x0;
	_ =	sdelay $0x3  }
0xcd: {  	v5 =	vmov s26;
	v7 =	vshrl.u32 v6, $0x18  }
0xce: {  	vm0 =	vgt.s32 v5, v0;
	vm1 =	veq.s32 v7, v4  }
0xcf: {  	vm0 =	vmand vm0, vm1  }
0xd0: {  	v5 =	vmpcnt.ones.xlane vm0;
	_ =	sdelay $0x1  }
0xd1: {  	(v2sf) =	vpush v5, $0x0;
	_ =	sdelay $0x5  }
0xd2: {  	s30 =	spop (v2sf)  }
0xd3: {  	s29 =	sadd.s32 s29, s30  }
0xd4: {  	[tilespmem:s29+$0x2000] =	vst.msk vm0, v6  }
0xd5: {  	v5 =	vld [tilespmem:s24+$0x0];
	_ =	sdelay $0x3  }
0xd6: {  	s30 =	sadd.s32 $0xFFFFFFF0, s26  }
0xd7: {  	v6 =	vmov s30;
	v7 =	vshrl.u32 v5, $0x18  }
0xd8: {  	vm0 =	vgt.s32 v6, v0;
	vm1 =	veq.s32 v7, v4;
	s30 =	spop (v2sf)  }
0xd9: {  	s29 =	sadd.s32 s29, s30;
	vm0 =	vmand vm0, vm1  }
0xda: {  	[tilespmem:s29+$0x2000] =	vst.msk vm0, v5;
	v5 =	vmpcnt.ones.xlane vm0  }
0xdb: {  	v6 =	vld [tilespmem:s24+$0x10]  }
0xdc: {  	(v2sf) =	vpush v5, $0x0;
	_ =	sdelay $0x2  }
0xdd: {  	s30 =	sadd.s32 $0xFFFFFFE0, s26  }
0xde: {  	v5 =	vmov s30;
	v7 =	vshrl.u32 v6, $0x18  }
0xdf: {  	vm0 =	vgt.s32 v5, v0;
	vm1 =	veq.s32 v7, v4  }
0xe0: {  	vm0 =	vmand vm0, vm1  }
0xe1: {  	v5 =	vmpcnt.ones.xlane vm0;
	_ =	sdelay $0x1  }
0xe2: {  	(v2sf) =	vpush v5, $0x0;
	_ =	sdelay $0x5  }
0xe3: {  	s30 =	spop (v2sf)  }
0xe4: {  	s29 =	sadd.s32 s29, s30  }
0xe5: {  	s24 =	sadd.s32 $0x40, s24;
	[tilespmem:s29+$0x2000] =	vst.msk vm0, v6  }
0xe6: {  	v5 =	vld [tilespmem:s24+$0xFFFFFFE0];
	_ =	sdelay $0x1  }
.Ltmp8:
0xe7: {  	(pc) =	sbr.rel @p3 .LBB2_8-.Ltmp8, $4  }
0xe8: {  	s26 =	sadd.s32 $0xFFFFFFC0, s26  }
0xe9: {  	s30 =	sadd.s32 $0x10, s26  }
0xea: {  	v6 =	vmov s30;
	v7 =	vshrl.u32 v5, $0x18  }
0xeb: {  	vm0 =	vgt.s32 v6, v0;
	vm1 =	veq.s32 v7, v4;
	s30 =	spop (v2sf)  }
.LBB2_9:
0xec: {  	s28 =	sadd.s32 @p2 s29, s30  }
0xed: {  	vm0 =	vmand vm0, vm1;
	s25 =	smov.u32 @p2 s28  }
0xee: {  	[tilespmem:s25+$0x2000] =	vst.msk vm0, v5;
	v5 =	vmpcnt.ones.xlane vm0  }
0xef: {  	v6 =	vld [tilespmem:s24+$0xFFFFFFF0]  }
0xf0: {  	(v2sf) =	vpush v5, $0x0;
	_ =	sdelay $0x3  }
0xf1: {  	v5 =	vmov s26;
	v7 =	vshrl.u32 v6, $0x18  }
0xf2: {  	vm10 =	vgt.s32 v5, v0;
	vm11 =	veq.s32 v7, v4  }
0xf3: {  	vm0 =	vmand vm10, vm11  }
0xf4: {  	v5 =	vmpcnt.ones.xlane vm0;
	_ =	sdelay $0x1  }
0xf5: {  	(v2sf) =	vpush v5, $0x0;
	_ =	sdelay $0x5  }
0xf6: {  	s29 =	spop (v2sf)  }
0xf7: {  	s25 =	sadd.s32 s25, s29  }
0xf8: {  	[tilespmem:s25+$0x2000] =	vst.msk vm0, v6  }
0xf9: {  	v5 =	vld [tilespmem:s24+$0x0];
	_ =	sdelay $0x3  }
0xfa: {  	s30 =	sadd.s32 $0xFFFFFFF0, s26  }
0xfb: {  	v59 =	vmov s30;
	v60 =	vshrl.u32 v5, $0x18  }
0xfc: {  	vm12 =	vgt.s32 v59, v0;
	vm13 =	veq.s32 v60, v4;
	s31 =	spop (v2sf)  }
0xfd: {  	s25 =	sadd.s32 s25, s31;
	vm0 =	vmand vm12, vm13  }
0xfe: {  	[tilespmem:s25+$0x2000] =	vst.msk vm0, v5  }
0xff: {  	v5 =	vld [tilespmem:s24+$0x10];
	_ =	sdelay $0x3  }
0x100: {  	s29 =	sadd.s32 $0xFFFFFFE0, s26  }
0x101: {  	v61 =	vmov s29;
	v62 =	vshrl.u32 v5, $0x18  }
0x102: {  	vm2 =	vgt.s32 v61, v0;
	vm14 =	veq.s32 v62, v4  }
0x103: {  	v4 =	vmpcnt.ones.xlane vm0;
	vm15 =	vmand vm2, vm14  }
0x104: {  	v63 =	vmpcnt.ones.xlane vm15  }
0x105: {  	(v2sf) =	vpush v4, $0x0  }
0x106: {  	(v2sf) =	vpush v63, $0x0;
	_ =	sdelay $0xd  }
0x107: {  	s30 =	spop (v2sf)  }
0x108: {  	s24 =	sadd.s32 s25, s30;
	s31 =	spop (v2sf)  }
0x109: {  	[tilespmem:s24+$0x2000] =	vst.msk vm15, v5;
	s24 =	sadd.s32 s24, s31  }
.LBB2_10:
0x10a: {  	s25 =	sadd.s32 $0xF, s24  }
0x10b: {  	s26 =	sand.u32 $0xF, s25  }
0x10c: {  	s31 =	sshra.s32 s25, $0x1F;
	p3 =	slt.s32 s25, $0x1;
	p2 =	sne.s32 s26, $0x0  }
0x10d: {  	s26 =	sshrl.u32 s31, $0x1C;
	p2 =	por !p3, !p2  }
0x10e: {  	s25 =	sadd.s32 s26, s25;
	s26 =	simm.s32 $0x1;
	p2 =	por !p2, !p2  }
0x10f: {  	s25 =	sshra.s32 s25, $0x4;
	s26 =	simm.s32 @!p2 $0x0  }
0x110: {  	s26 =	ssub.s32 s25, s26  }
0x111: {  	p2 =	slt.s32 s26, $0x1  }
.Ltmp9:
0x112: {  	_ = 	snop;
	(pc) =	sbr.rel @p2 .LBB2_14-.Ltmp9, $3  }
0x113: {  	_ =	sdelay $0x1  }
0x114: {  	s23 =	sshll.u32 s23, $0xF  }
0x115: {  	s23 =	sor.u32 $0x3000, s23;
	s25 =	simm.s32 $0x2000  }
0x116: {  	v4 =	vld [tilespmem:s25+$0x0];
	_ =	sdelay $0x4  }
0x117: {  	v5 =	vmov s24;
	v6 =	vshrl.u32 v4, $0xC  }
0x118: {  	vm0 =	vgt.s32 v5, v0;
	v5 =	vand.u32 $0xFFF, v6  }
0x119: {  	v5 =	vnsel vm0, $0x0, v5  }
0x11a: {  	v6 =	vshll.u32 v5, $0x3  }
0x11b: {  	v5 =	vand.u32 $0x7F, v5;
	v6 =	vand.u32 $0x7C00, v6  }
0x11c: {  	v5 =	vor.u32 v5, v6  }
0x11d: {  	v4 =	vand.u32 $0xFFF, v4  }
0x11e: {  	v4 =	vsel vm0, v4, v3  }
0x11f: {  	v6 =	vshll.u32 v4, $0x3  }
0x120: {  	v4 =	vand.u32 $0x7F, v4;
	v6 =	vand.u32 $0xFC00, v6  }
0x121: {  	v6 =	vor.u32 v4, v6;
	v7 =	vld.idx.msk [tilespmem:v5+s23+$0x0], $0xffff  }
0x122: {  	v4 =	vor.u32 $0x80, v5;
	_ =	sdelay $0x3  }
0x123: {  	[tilespmem:v6+s17+$0x0] =	vst.idx.msk $0xffff, v7  }
0x124: {  	v7 =	vor.u32 $0x80, v6;
	v4 =	vld.idx.msk [tilespmem:v4+s23+$0x0], $0xffff  }
0x125: {  	v8 =	vor.u32 $0x100, v5;
	_ =	sdelay $0x3  }
0x126: {  	[tilespmem:v7+s17+$0x0] =	vst.idx.msk $0xffff, v4  }
0x127: {  	v7 =	vor.u32 $0x100, v6;
	v4 =	vld.idx.msk [tilespmem:v8+s23+$0x0], $0xffff  }
0x128: {  	v60 =	vor.u32 $0x180, v5;
	_ =	sdelay $0x3  }
0x129: {  	[tilespmem:v7+s17+$0x0] =	vst.idx.msk $0xffff, v4  }
0x12a: {  	v7 =	vor.u32 $0x180, v6;
	v4 =	vld.idx.msk [tilespmem:v60+s23+$0x0], $0xffff  }
0x12b: {  	v61 =	vor.u32 $0x200, v5;
	_ =	sdelay $0x3  }
0x12c: {  	[tilespmem:v7+s17+$0x0] =	vst.idx.msk $0xffff, v4  }
0x12d: {  	v7 =	vor.u32 $0x200, v6;
	v4 =	vld.idx.msk [tilespmem:v61+s23+$0x0], $0xffff  }
0x12e: {  	v62 =	vor.u32 $0x280, v5;
	_ =	sdelay $0x3  }
0x12f: {  	[tilespmem:v7+s17+$0x0] =	vst.idx.msk $0xffff, v4  }
0x130: {  	v7 =	vor.u32 $0x280, v6;
	v4 =	vld.idx.msk [tilespmem:v62+s23+$0x0], $0xffff  }
0x131: {  	v63 =	vor.u32 $0x300, v5;
	_ =	sdelay $0x3  }
0x132: {  	[tilespmem:v7+s17+$0x0] =	vst.idx.msk $0xffff, v4  }
0x133: {  	v7 =	vor.u32 $0x300, v6;
	v4 =	vld.idx.msk [tilespmem:v63+s23+$0x0], $0xffff  }
0x134: {  	v5 =	vor.u32 $0x380, v5;
	_ =	sdelay $0x3  }
0x135: {  	p2 =	sne.s32 s26, $0x1;
	[tilespmem:v7+s17+$0x0] =	vst.idx.msk $0xffff, v4  }
.Ltmp10:
0x136: {  	v4 =	vld.idx.msk [tilespmem:v5+s23+$0x0], $0xffff;
	v5 =	vor.u32 $0x380, v6;
	(pc) =	sbr.rel @!p2 .LBB2_13-.Ltmp10, $2  }
0x137: {  	_ =	sdelay $0x2  }
0x138: {  	s26 =	sadd.s32 $0xFFFFFFFF, s26  }
.LBB2_12:
0x139: {  	p2 =	sne.s32 s26, $0x1;
	[tilespmem:v5+s17+$0x0] =	vst.idx.msk $0xffff, v4;
	s25 =	sadd.s32 $0x10, s25;
	s24 =	sadd.s32 $0xFFFFFFF0, s24  }
0x13a: {  	s26 =	sadd.s32 $0xFFFFFFFF, s26;
	v4 =	vld [tilespmem:s25+$0x0];
	_ =	sdelay $0x4  }
0x13b: {  	v5 =	vmov s24;
	v6 =	vshrl.u32 v4, $0xC  }
0x13c: {  	vm0 =	vgt.s32 v5, v0;
	v4 =	vand.u32 $0xFFF, v4;
	v5 =	vand.u32 $0xFFF, v6  }
0x13d: {  	v4 =	vsel vm0, v4, v3;
	v5 =	vnsel vm0, $0x0, v5  }
0x13e: {  	v7 =	vshll.u32 v4, $0x3;
	v6 =	vshll.u32 v5, $0x3  }
0x13f: {  	v5 =	vand.u32 $0x7F, v5;
	v7 =	vand.u32 $0xFC00, v7;
	v6 =	vand.u32 $0x7C00, v6  }
0x140: {  	v5 =	vor.u32 v5, v6;
	_ =	sdelay $0x4  }
0x141: {  	v4 =	vand.u32 $0x7F, v4;
	v6 =	vld.idx.msk [tilespmem:v5+s23+$0x0], $0xffff  }
0x142: {  	v7 =	vor.u32 v4, v7  }
0x143: {  	v4 =	vor.u32 $0x80, v5;
	_ =	sdelay $0x3  }
0x144: {  	[tilespmem:v7+s17+$0x0] =	vst.idx.msk $0xffff, v6  }
0x145: {  	v4 =	vld.idx.msk [tilespmem:v4+s23+$0x0], $0xffff  }
0x146: {  	v6 =	vor.u32 $0x80, v7  }
0x147: {  	v8 =	vor.u32 $0x100, v5;
	_ =	sdelay $0x3  }
0x148: {  	[tilespmem:v6+s17+$0x0] =	vst.idx.msk $0xffff, v4  }
0x149: {  	v4 =	vld.idx.msk [tilespmem:v8+s23+$0x0], $0xffff  }
0x14a: {  	v6 =	vor.u32 $0x100, v7  }
0x14b: {  	v8 =	vor.u32 $0x180, v5;
	_ =	sdelay $0x3  }
0x14c: {  	[tilespmem:v6+s17+$0x0] =	vst.idx.msk $0xffff, v4  }
0x14d: {  	v4 =	vld.idx.msk [tilespmem:v8+s23+$0x0], $0xffff  }
0x14e: {  	v6 =	vor.u32 $0x180, v7  }
0x14f: {  	v8 =	vor.u32 $0x200, v5;
	_ =	sdelay $0x3  }
0x150: {  	[tilespmem:v6+s17+$0x0] =	vst.idx.msk $0xffff, v4  }
0x151: {  	v4 =	vld.idx.msk [tilespmem:v8+s23+$0x0], $0xffff  }
0x152: {  	v6 =	vor.u32 $0x200, v7  }
0x153: {  	v8 =	vor.u32 $0x280, v5;
	_ =	sdelay $0x3  }
0x154: {  	[tilespmem:v6+s17+$0x0] =	vst.idx.msk $0xffff, v4  }
0x155: {  	v4 =	vld.idx.msk [tilespmem:v8+s23+$0x0], $0xffff  }
0x156: {  	v6 =	vor.u32 $0x280, v7  }
0x157: {  	v8 =	vor.u32 $0x300, v5;
	_ =	sdelay $0x3  }
0x158: {  	[tilespmem:v6+s17+$0x0] =	vst.idx.msk $0xffff, v4  }
0x159: {  	v4 =	vld.idx.msk [tilespmem:v8+s23+$0x0], $0xffff  }
0x15a: {  	v6 =	vor.u32 $0x300, v7  }
0x15b: {  	v5 =	vor.u32 $0x380, v5;
	_ =	sdelay $0x1  }
.Ltmp11:
0x15c: {  	(pc) =	sbr.rel @p2 .LBB2_12-.Ltmp11, $4  }
0x15d: {  	_ = 	snop  }
0x15e: {  	[tilespmem:v6+s17+$0x0] =	vst.idx.msk $0xffff, v4  }
0x15f: {  	v4 =	vld.idx.msk [tilespmem:v5+s23+$0x0], $0xffff  }
0x160: {  	v5 =	vor.u32 $0x380, v7  }
.Ltmp12:
0x161: {  	_ = 	snop;
	(pc) =	sbr.rel .LBB2_13-.Ltmp12, $1  }
0x162: {  	_ =	sdelay $0x3  }
.LBB2_6:
.Ltmp13:
0x163: {  	(pc) =	sbr.rel .LBB2_9-.Ltmp13, $2  }
0x164: {  	_ =	sdelay $0x2  }
0x165: {  	s26 =	smov.u32 s19  }
.LBB2_15:
.Ltmp14:
0x166: {  	(pc) =	sbr.rel @!p0 .LBB2_16-.Ltmp14, $2  }
0x167: {  	_ =	sdelay $0x2  }
0x168: {  	s21 =	simm.s32 $0x0  }
.Ltmp15:
0x169: {  	(pc) =	sbr.rel @p1 .LBB2_33-.Ltmp15, $4  }
0x16a: {  	[tilespmem:s14], [sflag:$0x3] =	stream.linear.gather [hbm4b:s11+s21], $0x800, $0x38;
	[tilespmem:$0x1B400] =	vst v63  }
0x16b: {  	_ =	swait.ge [sflag:s16], $0x800  }
0x16c: {  	[sflag:s16] =	ssyncset.done $0x0  }
0x16d: {  	s22 =	simm.s32 $0x1020;
	[sflag:s16] =	ssyncadd.s32 $0xFFFFF800  }
0x16e: {  	v4 =	vld [tilespmem:s22+$0xFFFFFFE0]  }
0x16f: {  	p2 =	sne.s32 s20, $0x1  }
.Ltmp16:
0x170: {  	_ = 	snop;
	(pc) =	sbr.rel @!p2 .LBB2_29-.Ltmp16, $4  }
0x171: {  	_ = 	snop  }
0x172: {  	s23 =	sadd.s32 $0x10, s19  }
0x173: {  	v5 =	vmov s23;
	v6 =	vand.u32 $0xFF000000, v4  }
0x174: {  	s20 =	sadd.s32 $0xFFFFFFFF, s20;
	p1 =	por $0x0, $0x0;
	vm0 =	vgt.s32 v5, v0;
	vm1 =	veq.s32 v6, $0x6000000  }
0x175: {  	vm0 =	vmand vm0, vm1  }
0x176: {  	[tilespmem:s21+$0x2000] =	vst.msk vm0, v4;
	v4 =	vmpcnt.ones.xlane vm0  }
0x177: {  	v5 =	vld [tilespmem:s22+$0xFFFFFFF0]  }
0x178: {  	(v2sf) =	vpush v4, $0x0;
	_ =	sdelay $0x3  }
0x179: {  	v4 =	vmov s19;
	v6 =	vand.u32 $0xFF000000, v5  }
0x17a: {  	vm0 =	vgt.s32 v4, v0;
	vm1 =	veq.s32 v6, $0x6000000  }
0x17b: {  	vm0 =	vmand vm0, vm1  }
0x17c: {  	v4 =	vmpcnt.ones.xlane vm0;
	_ =	sdelay $0x1  }
0x17d: {  	(v2sf) =	vpush v4, $0x0;
	_ =	sdelay $0x5  }
0x17e: {  	s23 =	spop (v2sf)  }
0x17f: {  	s23 =	sadd.s32 s21, s23  }
0x180: {  	[tilespmem:s23+$0x2000] =	vst.msk vm0, v5  }
0x181: {  	v4 =	vld [tilespmem:s22+$0x0];
	_ =	sdelay $0x3  }
0x182: {  	s24 =	sadd.s32 $0xFFFFFFF0, s19  }
0x183: {  	v5 =	vmov s24;
	v6 =	vand.u32 $0xFF000000, v4  }
0x184: {  	vm0 =	vgt.s32 v5, v0;
	vm1 =	veq.s32 v6, $0x6000000;
	s28 =	spop (v2sf)  }
0x185: {  	s23 =	sadd.s32 s23, s28;
	vm0 =	vmand vm0, vm1  }
0x186: {  	[tilespmem:s23+$0x2000] =	vst.msk vm0, v4;
	v4 =	vmpcnt.ones.xlane vm0  }
0x187: {  	v5 =	vld [tilespmem:s22+$0x10]  }
0x188: {  	(v2sf) =	vpush v4, $0x0;
	_ =	sdelay $0x2  }
0x189: {  	s29 =	sadd.s32 $0xFFFFFFE0, s19  }
0x18a: {  	v4 =	vmov s29;
	v6 =	vand.u32 $0xFF000000, v5  }
0x18b: {  	vm0 =	vgt.s32 v4, v0;
	vm1 =	veq.s32 v6, $0x6000000  }
0x18c: {  	vm0 =	vmand vm0, vm1  }
0x18d: {  	v4 =	vmpcnt.ones.xlane vm0;
	_ =	sdelay $0x1  }
0x18e: {  	(v2sf) =	vpush v4, $0x0;
	_ =	sdelay $0x5  }
0x18f: {  	s30 =	spop (v2sf)  }
0x190: {  	s23 =	sadd.s32 s23, s30  }
0x191: {  	s22 =	sadd.s32 $0x40, s22;
	[tilespmem:s23+$0x2000] =	vst.msk vm0, v5  }
0x192: {  	v4 =	vld [tilespmem:s22+$0xFFFFFFE0]  }
0x193: {  	p2 =	sne.s32 s20, $0x1  }
.Ltmp17:
0x194: {  	_ = 	snop;
	(pc) =	sbr.rel @!p2 .LBB2_32-.Ltmp17, $4  }
0x195: {  	s19 =	sadd.s32 $0xFFFFFFC0, s19  }
0x196: {  	s31 =	sadd.s32 $0x10, s19  }
0x197: {  	v5 =	vmov s31;
	v6 =	vand.u32 $0xFF000000, v4  }
0x198: {  	s20 =	sadd.s32 $0xFFFFFFFF, s20;
	p1 =	por $0x1, $0x1;
	vm0 =	vgt.s32 v5, v0;
	vm1 =	veq.s32 v6, $0x6000000;
	s24 =	spop (v2sf)  }
.LBB2_31:
0x199: {  	p2 =	sne.s32 s20, $0x1;
	s20 =	sadd.s32 $0xFFFFFFFF, s20;
	vm0 =	vmand vm0, vm1;
	s23 =	sadd.s32 s23, s24  }
0x19a: {  	[tilespmem:s23+$0x2000] =	vst.msk vm0, v4;
	v4 =	vmpcnt.ones.xlane vm0  }
0x19b: {  	v5 =	vld [tilespmem:s22+$0xFFFFFFF0]  }
0x19c: {  	(v2sf) =	vpush v4, $0x0;
	_ =	sdelay $0x3  }
0x19d: {  	v4 =	vmov s19;
	v6 =	vand.u32 $0xFF000000, v5  }
0x19e: {  	vm0 =	vgt.s32 v4, v0;
	vm1 =	veq.s32 v6, $0x6000000  }
0x19f: {  	vm0 =	vmand vm0, vm1  }
0x1a0: {  	v4 =	vmpcnt.ones.xlane vm0;
	_ =	sdelay $0x1  }
0x1a1: {  	(v2sf) =	vpush v4, $0x0;
	_ =	sdelay $0x5  }
0x1a2: {  	s24 =	spop (v2sf)  }
0x1a3: {  	s23 =	sadd.s32 s23, s24  }
0x1a4: {  	[tilespmem:s23+$0x2000] =	vst.msk vm0, v5  }
0x1a5: {  	v4 =	vld [tilespmem:s22+$0x0];
	_ =	sdelay $0x3  }
0x1a6: {  	s24 =	sadd.s32 $0xFFFFFFF0, s19  }
0x1a7: {  	v5 =	vmov s24;
	v6 =	vand.u32 $0xFF000000, v4  }
0x1a8: {  	vm0 =	vgt.s32 v5, v0;
	vm1 =	veq.s32 v6, $0x6000000;
	s24 =	spop (v2sf)  }
0x1a9: {  	s23 =	sadd.s32 s23, s24;
	vm0 =	vmand vm0, vm1  }
0x1aa: {  	[tilespmem:s23+$0x2000] =	vst.msk vm0, v4;
	v4 =	vmpcnt.ones.xlane vm0  }
0x1ab: {  	v5 =	vld [tilespmem:s22+$0x10]  }
0x1ac: {  	(v2sf) =	vpush v4, $0x0;
	_ =	sdelay $0x2  }
0x1ad: {  	s24 =	sadd.s32 $0xFFFFFFE0, s19  }
0x1ae: {  	v4 =	vmov s24;
	v6 =	vand.u32 $0xFF000000, v5  }
0x1af: {  	vm0 =	vgt.s32 v4, v0;
	vm1 =	veq.s32 v6, $0x6000000  }
0x1b0: {  	vm0 =	vmand vm0, vm1  }
0x1b1: {  	v4 =	vmpcnt.ones.xlane vm0;
	_ =	sdelay $0x1  }
0x1b2: {  	(v2sf) =	vpush v4, $0x0;
	_ =	sdelay $0x5  }
0x1b3: {  	s24 =	spop (v2sf)  }
0x1b4: {  	s23 =	sadd.s32 s23, s24  }
0x1b5: {  	s22 =	sadd.s32 $0x40, s22;
	[tilespmem:s23+$0x2000] =	vst.msk vm0, v5  }
0x1b6: {  	v4 =	vld [tilespmem:s22+$0xFFFFFFE0];
	_ =	sdelay $0x1  }
.Ltmp18:
0x1b7: {  	(pc) =	sbr.rel @p2 .LBB2_31-.Ltmp18, $4  }
0x1b8: {  	s19 =	sadd.s32 $0xFFFFFFC0, s19  }
0x1b9: {  	s24 =	sadd.s32 $0x10, s19  }
0x1ba: {  	v5 =	vmov s24;
	v6 =	vand.u32 $0xFF000000, v4  }
0x1bb: {  	vm0 =	vgt.s32 v5, v0;
	vm1 =	veq.s32 v6, $0x6000000;
	s24 =	spop (v2sf)  }
.LBB2_32:
0x1bc: {  	s20 =	sadd.s32 @p1 s23, s24  }
0x1bd: {  	vm0 =	vmand vm0, vm1;
	s21 =	smov.u32 @p1 s20  }
0x1be: {  	[tilespmem:s21+$0x2000] =	vst.msk vm0, v4;
	v4 =	vmpcnt.ones.xlane vm0  }
0x1bf: {  	v5 =	vld [tilespmem:s22+$0xFFFFFFF0]  }
0x1c0: {  	(v2sf) =	vpush v4, $0x0;
	_ =	sdelay $0x3  }
0x1c1: {  	v4 =	vmov s19;
	v6 =	vand.u32 $0xFF000000, v5  }
0x1c2: {  	vm10 =	vgt.s32 v4, v0;
	vm11 =	veq.s32 v6, $0x6000000  }
0x1c3: {  	vm0 =	vmand vm10, vm11  }
0x1c4: {  	v4 =	vmpcnt.ones.xlane vm0;
	_ =	sdelay $0x1  }
0x1c5: {  	(v2sf) =	vpush v4, $0x0;
	_ =	sdelay $0x5  }
0x1c6: {  	s25 =	spop (v2sf)  }
0x1c7: {  	s20 =	sadd.s32 s21, s25  }
0x1c8: {  	[tilespmem:s20+$0x2000] =	vst.msk vm0, v5  }
0x1c9: {  	v4 =	vld [tilespmem:s22+$0x0];
	_ =	sdelay $0x3  }
0x1ca: {  	s26 =	sadd.s32 $0xFFFFFFF0, s19  }
0x1cb: {  	v5 =	vmov s26;
	v61 =	vand.u32 $0xFF000000, v4  }
0x1cc: {  	vm12 =	vgt.s32 v5, v0;
	vm13 =	veq.s32 v61, $0x6000000;
	s28 =	spop (v2sf)  }
0x1cd: {  	s20 =	sadd.s32 s20, s28;
	vm0 =	vmand vm12, vm13  }
0x1ce: {  	[tilespmem:s20+$0x2000] =	vst.msk vm0, v4  }
0x1cf: {  	v4 =	vld [tilespmem:s22+$0x10];
	_ =	sdelay $0x3  }
0x1d0: {  	s29 =	sadd.s32 $0xFFFFFFE0, s19  }
0x1d1: {  	v5 =	vmov s29;
	v62 =	vand.u32 $0xFF000000, v4  }
0x1d2: {  	vm14 =	vgt.s32 v5, v0;
	vm2 =	veq.s32 v62, $0x6000000  }
0x1d3: {  	v5 =	vmpcnt.ones.xlane vm0;
	vm15 =	vmand vm14, vm2  }
0x1d4: {  	v63 =	vmpcnt.ones.xlane vm15  }
0x1d5: {  	(v2sf) =	vpush v5, $0x0  }
0x1d6: {  	(v2sf) =	vpush v63, $0x0;
	_ =	sdelay $0xd  }
0x1d7: {  	s30 =	spop (v2sf)  }
0x1d8: {  	s19 =	sadd.s32 s20, s30;
	s31 =	spop (v2sf)  }
0x1d9: {  	[tilespmem:s19+$0x2000] =	vst.msk vm15, v4;
	s21 =	sadd.s32 s19, s31  }
.LBB2_33:
0x1da: {  	s19 =	sadd.s32 $0xF, s21  }
0x1db: {  	s20 =	sand.u32 $0xF, s19  }
0x1dc: {  	s22 =	sshra.s32 s19, $0x1F;
	p1 =	slt.s32 s19, $0x1;
	p2 =	sne.s32 s20, $0x0  }
0x1dd: {  	s31 =	sshrl.u32 s22, $0x1C;
	p1 =	por !p1, !p2  }
0x1de: {  	s20 =	simm.s32 $0x1;
	s19 =	sadd.s32 s31, s19;
	p1 =	por !p1, !p1  }
0x1df: {  	s19 =	sshra.s32 s19, $0x4;
	s20 =	simm.s32 @!p1 $0x0  }
0x1e0: {  	s20 =	ssub.s32 s19, s20  }
0x1e1: {  	p1 =	slt.s32 s20, $0x1  }
.Ltmp19:
0x1e2: {  	_ = 	snop;
	(pc) =	sbr.rel @p1 .LBB2_37-.Ltmp19, $2  }
0x1e3: {  	_ =	sdelay $0x2  }
0x1e4: {  	s22 =	smov.u32 s6;
	s19 =	simm.s32 $0x2000  }
0x1e5: {  	v4 =	vld [tilespmem:s19+$0x0];
	_ =	sdelay $0x4  }
0x1e6: {  	v5 =	vmov s21;
	v6 =	vshrl.u32 v4, $0xC  }
0x1e7: {  	vm0 =	vgt.s32 v5, v0;
	v5 =	vand.u32 $0xFFF, v6  }
0x1e8: {  	v5 =	vnsel vm0, $0x0, v5  }
0x1e9: {  	v6 =	vshll.u32 v5, $0x3  }
0x1ea: {  	v5 =	vand.u32 $0x7F, v5;
	v6 =	vand.u32 $0x7C00, v6  }
0x1eb: {  	v5 =	vor.u32 v5, v6  }
0x1ec: {  	v4 =	vand.u32 $0xFFF, v4  }
0x1ed: {  	v4 =	vsel vm0, v4, v3  }
0x1ee: {  	v6 =	vshll.u32 v4, $0x3  }
0x1ef: {  	v4 =	vand.u32 $0x7F, v4;
	v6 =	vand.u32 $0xFC00, v6  }
0x1f0: {  	v6 =	vor.u32 v4, v6;
	v7 =	vld.idx.msk [tilespmem:v5+s14+$0x0], $0xffff  }
0x1f1: {  	v4 =	vor.u32 $0x80, v5;
	_ =	sdelay $0x3  }
0x1f2: {  	[tilespmem:v6+s17+$0x0] =	vst.idx.msk $0xffff, v7  }
0x1f3: {  	v7 =	vor.u32 $0x80, v6;
	v4 =	vld.idx.msk [tilespmem:v4+s14+$0x0], $0xffff  }
0x1f4: {  	v8 =	vor.u32 $0x100, v5;
	_ =	sdelay $0x3  }
0x1f5: {  	[tilespmem:v7+s17+$0x0] =	vst.idx.msk $0xffff, v4  }
0x1f6: {  	v7 =	vor.u32 $0x100, v6;
	v4 =	vld.idx.msk [tilespmem:v8+s14+$0x0], $0xffff  }
0x1f7: {  	v60 =	vor.u32 $0x180, v5;
	_ =	sdelay $0x3  }
0x1f8: {  	[tilespmem:v7+s17+$0x0] =	vst.idx.msk $0xffff, v4  }
0x1f9: {  	v7 =	vor.u32 $0x180, v6;
	v4 =	vld.idx.msk [tilespmem:v60+s14+$0x0], $0xffff  }
0x1fa: {  	v61 =	vor.u32 $0x200, v5;
	_ =	sdelay $0x3  }
0x1fb: {  	[tilespmem:v7+s17+$0x0] =	vst.idx.msk $0xffff, v4  }
0x1fc: {  	v7 =	vor.u32 $0x200, v6;
	v4 =	vld.idx.msk [tilespmem:v61+s14+$0x0], $0xffff  }
0x1fd: {  	v62 =	vor.u32 $0x280, v5;
	_ =	sdelay $0x3  }
0x1fe: {  	[tilespmem:v7+s17+$0x0] =	vst.idx.msk $0xffff, v4  }
0x1ff: {  	v7 =	vor.u32 $0x280, v6;
	v4 =	vld.idx.msk [tilespmem:v62+s14+$0x0], $0xffff  }
0x200: {  	v63 =	vor.u32 $0x300, v5;
	_ =	sdelay $0x3  }
0x201: {  	[tilespmem:v7+s17+$0x0] =	vst.idx.msk $0xffff, v4  }
0x202: {  	v7 =	vor.u32 $0x300, v6;
	v4 =	vld.idx.msk [tilespmem:v63+s14+$0x0], $0xffff  }
0x203: {  	p1 =	seq.s32 s20, $0x1;
	v5 =	vor.u32 $0x380, v5  }
.Ltmp20:
0x204: {  	_ = 	snop;
	(pc) =	sbr.rel @p1 .LBB2_36-.Ltmp20, $3  }
0x205: {  	_ =	sdelay $0x1  }
0x206: {  	[tilespmem:v7+s17+$0x0] =	vst.idx.msk $0xffff, v4  }
0x207: {  	s20 =	sadd.s32 $0xFFFFFFFF, s20;
	v4 =	vld.idx.msk [tilespmem:v5+s14+$0x0], $0xffff;
	v5 =	vor.u32 $0x380, v6  }
.LBB2_35:
0x208: {  	_ =	sdelay $0x3  }
0x209: {  	p1 =	seq.s32 s20, $0x1;
	s19 =	sadd.s32 $0x10, s19;
	s21 =	sadd.s32 $0xFFFFFFF0, s21;
	[tilespmem:v5+s17+$0x0] =	vst.idx.msk $0xffff, v4  }
0x20a: {  	s20 =	sadd.s32 $0xFFFFFFFF, s20;
	v4 =	vld [tilespmem:s19+$0x0];
	_ =	sdelay $0x4  }
0x20b: {  	v5 =	vmov s21;
	v6 =	vshrl.u32 v4, $0xC  }
0x20c: {  	vm0 =	vgt.s32 v5, v0;
	v4 =	vand.u32 $0xFFF, v4;
	v5 =	vand.u32 $0xFFF, v6  }
0x20d: {  	v4 =	vsel vm0, v4, v3;
	v5 =	vnsel vm0, $0x0, v5  }
0x20e: {  	v7 =	vshll.u32 v4, $0x3;
	v6 =	vshll.u32 v5, $0x3  }
0x20f: {  	v5 =	vand.u32 $0x7F, v5;
	v7 =	vand.u32 $0xFC00, v7;
	v6 =	vand.u32 $0x7C00, v6  }
0x210: {  	v5 =	vor.u32 v5, v6;
	_ =	sdelay $0x4  }
0x211: {  	v4 =	vand.u32 $0x7F, v4;
	v6 =	vld.idx.msk [tilespmem:v5+s14+$0x0], $0xffff  }
0x212: {  	v7 =	vor.u32 v4, v7  }
0x213: {  	v4 =	vor.u32 $0x80, v5;
	_ =	sdelay $0x3  }
0x214: {  	[tilespmem:v7+s17+$0x0] =	vst.idx.msk $0xffff, v6  }
0x215: {  	v4 =	vld.idx.msk [tilespmem:v4+s14+$0x0], $0xffff  }
0x216: {  	v6 =	vor.u32 $0x80, v7  }
0x217: {  	v8 =	vor.u32 $0x100, v5;
	_ =	sdelay $0x3  }
0x218: {  	[tilespmem:v6+s17+$0x0] =	vst.idx.msk $0xffff, v4  }
0x219: {  	v4 =	vld.idx.msk [tilespmem:v8+s14+$0x0], $0xffff  }
0x21a: {  	v6 =	vor.u32 $0x100, v7  }
0x21b: {  	v8 =	vor.u32 $0x180, v5;
	_ =	sdelay $0x3  }
0x21c: {  	[tilespmem:v6+s17+$0x0] =	vst.idx.msk $0xffff, v4  }
0x21d: {  	v4 =	vld.idx.msk [tilespmem:v8+s14+$0x0], $0xffff  }
0x21e: {  	v6 =	vor.u32 $0x180, v7  }
0x21f: {  	v8 =	vor.u32 $0x200, v5;
	_ =	sdelay $0x3  }
0x220: {  	[tilespmem:v6+s17+$0x0] =	vst.idx.msk $0xffff, v4  }
0x221: {  	v4 =	vld.idx.msk [tilespmem:v8+s14+$0x0], $0xffff  }
0x222: {  	v6 =	vor.u32 $0x200, v7  }
0x223: {  	v8 =	vor.u32 $0x280, v5;
	_ =	sdelay $0x3  }
0x224: {  	[tilespmem:v6+s17+$0x0] =	vst.idx.msk $0xffff, v4  }
0x225: {  	v4 =	vld.idx.msk [tilespmem:v8+s14+$0x0], $0xffff  }
0x226: {  	v6 =	vor.u32 $0x280, v7  }
0x227: {  	v8 =	vor.u32 $0x300, v5;
	_ =	sdelay $0x3  }
0x228: {  	[tilespmem:v6+s17+$0x0] =	vst.idx.msk $0xffff, v4  }
0x229: {  	v4 =	vld.idx.msk [tilespmem:v8+s14+$0x0], $0xffff  }
0x22a: {  	v6 =	vor.u32 $0x300, v7  }
0x22b: {  	v5 =	vor.u32 $0x380, v5;
	_ =	sdelay $0x1  }
.Ltmp21:
0x22c: {  	(pc) =	sbr.rel @!p1 .LBB2_35-.Ltmp21, $4  }
0x22d: {  	_ = 	snop  }
0x22e: {  	[tilespmem:v6+s17+$0x0] =	vst.idx.msk $0xffff, v4  }
0x22f: {  	v4 =	vld.idx.msk [tilespmem:v5+s14+$0x0], $0xffff  }
0x230: {  	v5 =	vor.u32 $0x380, v7  }
.LBB2_36:
.Ltmp22:
0x231: {  	_ = 	snop;
	(pc) =	sbr.rel .LBB2_37-.Ltmp22, $2  }
0x232: {  	_ =	sdelay $0x2  }
0x233: {  	s22 =	smov.u32 s6;
	[tilespmem:v5+s17+$0x0] =	vst.idx.msk $0xffff, v4  }
.LBB2_16:
.Ltmp23:
0x234: {  	(pc) =	sbr.rel @p1 .LBB2_22-.Ltmp23, $4  }
0x235: {  	[tilespmem:s14], [sflag:$0x3] =	stream.linear.gather [hbm4b:s10+s21], $0x1000, $0x38;
	[tilespmem:$0x1B400] =	vst v63  }
0x236: {  	_ =	swait.ge [sflag:s16], $0x1000  }
0x237: {  	[sflag:s16] =	ssyncset.done $0x0  }
0x238: {  	s22 =	simm.s32 $0x1020;
	[sflag:s16] =	ssyncadd.s32 $0xFFFFF000  }
0x239: {  	v4 =	vld [tilespmem:s22+$0xFFFFFFE0]  }
0x23a: {  	p2 =	sne.s32 s20, $0x1  }
.Ltmp24:
0x23b: {  	_ = 	snop;
	(pc) =	sbr.rel @!p2 .LBB2_18-.Ltmp24, $4  }
0x23c: {  	_ = 	snop  }
0x23d: {  	s23 =	sadd.s32 $0x10, s19  }
0x23e: {  	v5 =	vmov s23;
	v6 =	vand.u32 $0xFF000000, v4  }
0x23f: {  	s20 =	sadd.s32 $0xFFFFFFFF, s20;
	p1 =	por $0x0, $0x0;
	vm0 =	vgt.s32 v5, v0;
	vm1 =	veq.s32 v6, $0x6000000  }
0x240: {  	vm0 =	vmand vm0, vm1  }
0x241: {  	[tilespmem:s21+$0x2000] =	vst.msk vm0, v4;
	v4 =	vmpcnt.ones.xlane vm0  }
0x242: {  	v5 =	vld [tilespmem:s22+$0xFFFFFFF0]  }
0x243: {  	(v2sf) =	vpush v4, $0x0;
	_ =	sdelay $0x3  }
0x244: {  	v4 =	vmov s19;
	v6 =	vand.u32 $0xFF000000, v5  }
0x245: {  	vm0 =	vgt.s32 v4, v0;
	vm1 =	veq.s32 v6, $0x6000000  }
0x246: {  	vm0 =	vmand vm0, vm1  }
0x247: {  	v4 =	vmpcnt.ones.xlane vm0;
	_ =	sdelay $0x1  }
0x248: {  	(v2sf) =	vpush v4, $0x0;
	_ =	sdelay $0x5  }
0x249: {  	s23 =	spop (v2sf)  }
0x24a: {  	s23 =	sadd.s32 s21, s23  }
0x24b: {  	[tilespmem:s23+$0x2000] =	vst.msk vm0, v5  }
0x24c: {  	v4 =	vld [tilespmem:s22+$0x0];
	_ =	sdelay $0x3  }
0x24d: {  	s24 =	sadd.s32 $0xFFFFFFF0, s19  }
0x24e: {  	v5 =	vmov s24;
	v6 =	vand.u32 $0xFF000000, v4  }
0x24f: {  	vm0 =	vgt.s32 v5, v0;
	vm1 =	veq.s32 v6, $0x6000000;
	s28 =	spop (v2sf)  }
0x250: {  	s23 =	sadd.s32 s23, s28;
	vm0 =	vmand vm0, vm1  }
0x251: {  	[tilespmem:s23+$0x2000] =	vst.msk vm0, v4;
	v4 =	vmpcnt.ones.xlane vm0  }
0x252: {  	v5 =	vld [tilespmem:s22+$0x10]  }
0x253: {  	(v2sf) =	vpush v4, $0x0;
	_ =	sdelay $0x2  }
0x254: {  	s29 =	sadd.s32 $0xFFFFFFE0, s19  }
0x255: {  	v4 =	vmov s29;
	v6 =	vand.u32 $0xFF000000, v5  }
0x256: {  	vm0 =	vgt.s32 v4, v0;
	vm1 =	veq.s32 v6, $0x6000000  }
0x257: {  	vm0 =	vmand vm0, vm1  }
0x258: {  	v4 =	vmpcnt.ones.xlane vm0;
	_ =	sdelay $0x1  }
0x259: {  	(v2sf) =	vpush v4, $0x0;
	_ =	sdelay $0x5  }
0x25a: {  	s30 =	spop (v2sf)  }
0x25b: {  	s23 =	sadd.s32 s23, s30  }
0x25c: {  	s22 =	sadd.s32 $0x40, s22;
	[tilespmem:s23+$0x2000] =	vst.msk vm0, v5  }
0x25d: {  	v4 =	vld [tilespmem:s22+$0xFFFFFFE0]  }
0x25e: {  	p2 =	sne.s32 s20, $0x1  }
.Ltmp25:
0x25f: {  	_ = 	snop;
	(pc) =	sbr.rel @!p2 .LBB2_21-.Ltmp25, $4  }
0x260: {  	s19 =	sadd.s32 $0xFFFFFFC0, s19  }
0x261: {  	s31 =	sadd.s32 $0x10, s19  }
0x262: {  	v5 =	vmov s31;
	v6 =	vand.u32 $0xFF000000, v4  }
0x263: {  	s20 =	sadd.s32 $0xFFFFFFFF, s20;
	p1 =	por $0x1, $0x1;
	vm0 =	vgt.s32 v5, v0;
	vm1 =	veq.s32 v6, $0x6000000;
	s24 =	spop (v2sf)  }
.LBB2_20:
0x264: {  	p2 =	sne.s32 s20, $0x1;
	s20 =	sadd.s32 $0xFFFFFFFF, s20;
	vm0 =	vmand vm0, vm1;
	s23 =	sadd.s32 s23, s24  }
0x265: {  	[tilespmem:s23+$0x2000] =	vst.msk vm0, v4;
	v4 =	vmpcnt.ones.xlane vm0  }
0x266: {  	v5 =	vld [tilespmem:s22+$0xFFFFFFF0]  }
0x267: {  	(v2sf) =	vpush v4, $0x0;
	_ =	sdelay $0x3  }
0x268: {  	v4 =	vmov s19;
	v6 =	vand.u32 $0xFF000000, v5  }
0x269: {  	vm0 =	vgt.s32 v4, v0;
	vm1 =	veq.s32 v6, $0x6000000  }
0x26a: {  	vm0 =	vmand vm0, vm1  }
0x26b: {  	v4 =	vmpcnt.ones.xlane vm0;
	_ =	sdelay $0x1  }
0x26c: {  	(v2sf) =	vpush v4, $0x0;
	_ =	sdelay $0x5  }
0x26d: {  	s24 =	spop (v2sf)  }
0x26e: {  	s23 =	sadd.s32 s23, s24  }
0x26f: {  	[tilespmem:s23+$0x2000] =	vst.msk vm0, v5  }
0x270: {  	v4 =	vld [tilespmem:s22+$0x0];
	_ =	sdelay $0x3  }
0x271: {  	s24 =	sadd.s32 $0xFFFFFFF0, s19  }
0x272: {  	v5 =	vmov s24;
	v6 =	vand.u32 $0xFF000000, v4  }
0x273: {  	vm0 =	vgt.s32 v5, v0;
	vm1 =	veq.s32 v6, $0x6000000;
	s24 =	spop (v2sf)  }
0x274: {  	s23 =	sadd.s32 s23, s24;
	vm0 =	vmand vm0, vm1  }
0x275: {  	[tilespmem:s23+$0x2000] =	vst.msk vm0, v4;
	v4 =	vmpcnt.ones.xlane vm0  }
0x276: {  	v5 =	vld [tilespmem:s22+$0x10]  }
0x277: {  	(v2sf) =	vpush v4, $0x0;
	_ =	sdelay $0x2  }
0x278: {  	s24 =	sadd.s32 $0xFFFFFFE0, s19  }
0x279: {  	v4 =	vmov s24;
	v6 =	vand.u32 $0xFF000000, v5  }
0x27a: {  	vm0 =	vgt.s32 v4, v0;
	vm1 =	veq.s32 v6, $0x6000000  }
0x27b: {  	vm0 =	vmand vm0, vm1  }
0x27c: {  	v4 =	vmpcnt.ones.xlane vm0;
	_ =	sdelay $0x1  }
0x27d: {  	(v2sf) =	vpush v4, $0x0;
	_ =	sdelay $0x5  }
0x27e: {  	s24 =	spop (v2sf)  }
0x27f: {  	s23 =	sadd.s32 s23, s24  }
0x280: {  	s22 =	sadd.s32 $0x40, s22;
	[tilespmem:s23+$0x2000] =	vst.msk vm0, v5  }
0x281: {  	v4 =	vld [tilespmem:s22+$0xFFFFFFE0];
	_ =	sdelay $0x1  }
.Ltmp26:
0x282: {  	(pc) =	sbr.rel @p2 .LBB2_20-.Ltmp26, $4  }
0x283: {  	s19 =	sadd.s32 $0xFFFFFFC0, s19  }
0x284: {  	s24 =	sadd.s32 $0x10, s19  }
0x285: {  	v5 =	vmov s24;
	v6 =	vand.u32 $0xFF000000, v4  }
0x286: {  	vm0 =	vgt.s32 v5, v0;
	vm1 =	veq.s32 v6, $0x6000000;
	s24 =	spop (v2sf)  }
.LBB2_21:
0x287: {  	s20 =	sadd.s32 @p1 s23, s24  }
0x288: {  	vm0 =	vmand vm0, vm1;
	s21 =	smov.u32 @p1 s20  }
0x289: {  	[tilespmem:s21+$0x2000] =	vst.msk vm0, v4;
	v4 =	vmpcnt.ones.xlane vm0  }
0x28a: {  	v5 =	vld [tilespmem:s22+$0xFFFFFFF0]  }
0x28b: {  	(v2sf) =	vpush v4, $0x0;
	_ =	sdelay $0x3  }
0x28c: {  	v4 =	vmov s19;
	v6 =	vand.u32 $0xFF000000, v5  }
0x28d: {  	vm10 =	vgt.s32 v4, v0;
	vm11 =	veq.s32 v6, $0x6000000  }
0x28e: {  	vm0 =	vmand vm10, vm11  }
0x28f: {  	v4 =	vmpcnt.ones.xlane vm0;
	_ =	sdelay $0x1  }
0x290: {  	(v2sf) =	vpush v4, $0x0;
	_ =	sdelay $0x5  }
0x291: {  	s25 =	spop (v2sf)  }
0x292: {  	s20 =	sadd.s32 s21, s25  }
0x293: {  	[tilespmem:s20+$0x2000] =	vst.msk vm0, v5  }
0x294: {  	v4 =	vld [tilespmem:s22+$0x0];
	_ =	sdelay $0x3  }
0x295: {  	s26 =	sadd.s32 $0xFFFFFFF0, s19  }
0x296: {  	v5 =	vmov s26;
	v61 =	vand.u32 $0xFF000000, v4  }
0x297: {  	vm12 =	vgt.s32 v5, v0;
	vm13 =	veq.s32 v61, $0x6000000;
	s28 =	spop (v2sf)  }
0x298: {  	s20 =	sadd.s32 s20, s28;
	vm0 =	vmand vm12, vm13  }
0x299: {  	[tilespmem:s20+$0x2000] =	vst.msk vm0, v4  }
0x29a: {  	v4 =	vld [tilespmem:s22+$0x10];
	_ =	sdelay $0x3  }
0x29b: {  	s29 =	sadd.s32 $0xFFFFFFE0, s19  }
0x29c: {  	v5 =	vmov s29;
	v62 =	vand.u32 $0xFF000000, v4  }
0x29d: {  	vm14 =	vgt.s32 v5, v0;
	vm2 =	veq.s32 v62, $0x6000000  }
0x29e: {  	v5 =	vmpcnt.ones.xlane vm0;
	vm15 =	vmand vm14, vm2  }
0x29f: {  	v63 =	vmpcnt.ones.xlane vm15  }
0x2a0: {  	(v2sf) =	vpush v5, $0x0  }
0x2a1: {  	(v2sf) =	vpush v63, $0x0;
	_ =	sdelay $0xd  }
0x2a2: {  	s30 =	spop (v2sf)  }
0x2a3: {  	s19 =	sadd.s32 s20, s30;
	s31 =	spop (v2sf)  }
0x2a4: {  	[tilespmem:s19+$0x2000] =	vst.msk vm15, v4;
	s21 =	sadd.s32 s19, s31  }
.LBB2_22:
0x2a5: {  	s19 =	sadd.s32 $0xF, s21  }
0x2a6: {  	s20 =	sand.u32 $0xF, s19  }
0x2a7: {  	s22 =	sshra.s32 s19, $0x1F;
	p1 =	slt.s32 s19, $0x1;
	p2 =	sne.s32 s20, $0x0  }
0x2a8: {  	s31 =	sshrl.u32 s22, $0x1C;
	p1 =	por !p1, !p2  }
0x2a9: {  	s20 =	simm.s32 $0x1;
	s19 =	sadd.s32 s31, s19;
	p1 =	por !p1, !p1  }
0x2aa: {  	s19 =	sshra.s32 s19, $0x4;
	s20 =	simm.s32 @!p1 $0x0  }
0x2ab: {  	s20 =	ssub.s32 s19, s20  }
0x2ac: {  	p1 =	slt.s32 s20, $0x1  }
.Ltmp27:
0x2ad: {  	_ = 	snop;
	(pc) =	sbr.rel @p1 .LBB2_26-.Ltmp27, $2  }
0x2ae: {  	_ =	sdelay $0x2  }
0x2af: {  	s19 =	simm.s32 $0x2000  }
0x2b0: {  	v4 =	vld [tilespmem:s19+$0x0];
	_ =	sdelay $0x4  }
0x2b1: {  	v5 =	vmov s21;
	v6 =	vshrl.u32 v4, $0xC  }
0x2b2: {  	vm0 =	vgt.s32 v5, v0;
	v5 =	vand.u32 $0xFFF, v6  }
0x2b3: {  	v5 =	vnsel vm0, $0x0, v5  }
0x2b4: {  	v6 =	vshll.u32 v5, $0x3  }
0x2b5: {  	v5 =	vand.u32 $0x7F, v5;
	v6 =	vand.u32 $0x7C00, v6  }
0x2b6: {  	v5 =	vor.u32 v5, v6  }
0x2b7: {  	v4 =	vand.u32 $0xFFF, v4  }
0x2b8: {  	v4 =	vsel vm0, v4, v3  }
0x2b9: {  	v6 =	vshll.u32 v4, $0x3  }
0x2ba: {  	v4 =	vand.u32 $0x7F, v4;
	v6 =	vand.u32 $0xFC00, v6  }
0x2bb: {  	v6 =	vor.u32 v4, v6;
	v7 =	vld.idx.msk [tilespmem:v5+s14+$0x0], $0xffff  }
0x2bc: {  	v4 =	vor.u32 $0x80, v5;
	_ =	sdelay $0x3  }
0x2bd: {  	[tilespmem:v6+s17+$0x0] =	vst.idx.msk $0xffff, v7  }
0x2be: {  	v7 =	vor.u32 $0x80, v6;
	v4 =	vld.idx.msk [tilespmem:v4+s14+$0x0], $0xffff  }
0x2bf: {  	v8 =	vor.u32 $0x100, v5;
	_ =	sdelay $0x3  }
0x2c0: {  	[tilespmem:v7+s17+$0x0] =	vst.idx.msk $0xffff, v4  }
0x2c1: {  	v7 =	vor.u32 $0x100, v6;
	v4 =	vld.idx.msk [tilespmem:v8+s14+$0x0], $0xffff  }
0x2c2: {  	v60 =	vor.u32 $0x180, v5;
	_ =	sdelay $0x3  }
0x2c3: {  	[tilespmem:v7+s17+$0x0] =	vst.idx.msk $0xffff, v4  }
0x2c4: {  	v7 =	vor.u32 $0x180, v6;
	v4 =	vld.idx.msk [tilespmem:v60+s14+$0x0], $0xffff  }
0x2c5: {  	v61 =	vor.u32 $0x200, v5;
	_ =	sdelay $0x3  }
0x2c6: {  	[tilespmem:v7+s17+$0x0] =	vst.idx.msk $0xffff, v4  }
0x2c7: {  	v7 =	vor.u32 $0x200, v6;
	v4 =	vld.idx.msk [tilespmem:v61+s14+$0x0], $0xffff  }
0x2c8: {  	v62 =	vor.u32 $0x280, v5;
	_ =	sdelay $0x3  }
0x2c9: {  	[tilespmem:v7+s17+$0x0] =	vst.idx.msk $0xffff, v4  }
0x2ca: {  	v7 =	vor.u32 $0x280, v6;
	v4 =	vld.idx.msk [tilespmem:v62+s14+$0x0], $0xffff  }
0x2cb: {  	v63 =	vor.u32 $0x300, v5;
	_ =	sdelay $0x3  }
0x2cc: {  	[tilespmem:v7+s17+$0x0] =	vst.idx.msk $0xffff, v4  }
0x2cd: {  	v7 =	vor.u32 $0x300, v6;
	v4 =	vld.idx.msk [tilespmem:v63+s14+$0x0], $0xffff  }
0x2ce: {  	v5 =	vor.u32 $0x380, v5;
	_ =	sdelay $0x3  }
0x2cf: {  	p1 =	seq.s32 s20, $0x1;
	[tilespmem:v7+s17+$0x0] =	vst.idx.msk $0xffff, v4  }
.Ltmp28:
0x2d0: {  	v4 =	vld.idx.msk [tilespmem:v5+s14+$0x0], $0xffff;
	v5 =	vor.u32 $0x380, v6;
	(pc) =	sbr.rel @p1 .LBB2_25-.Ltmp28, $2  }
0x2d1: {  	_ =	sdelay $0x2  }
0x2d2: {  	s20 =	sadd.s32 $0xFFFFFFFF, s20  }
.LBB2_24:
0x2d3: {  	p1 =	seq.s32 s20, $0x1;
	[tilespmem:v5+s17+$0x0] =	vst.idx.msk $0xffff, v4;
	s19 =	sadd.s32 $0x10, s19;
	s21 =	sadd.s32 $0xFFFFFFF0, s21  }
0x2d4: {  	s20 =	sadd.s32 $0xFFFFFFFF, s20;
	v4 =	vld [tilespmem:s19+$0x0];
	_ =	sdelay $0x4  }
0x2d5: {  	v5 =	vmov s21;
	v6 =	vshrl.u32 v4, $0xC  }
0x2d6: {  	vm0 =	vgt.s32 v5, v0;
	v4 =	vand.u32 $0xFFF, v4;
	v5 =	vand.u32 $0xFFF, v6  }
0x2d7: {  	v4 =	vsel vm0, v4, v3;
	v5 =	vnsel vm0, $0x0, v5  }
0x2d8: {  	v7 =	vshll.u32 v4, $0x3;
	v6 =	vshll.u32 v5, $0x3  }
0x2d9: {  	v5 =	vand.u32 $0x7F, v5;
	v7 =	vand.u32 $0xFC00, v7;
	v6 =	vand.u32 $0x7C00, v6  }
0x2da: {  	v5 =	vor.u32 v5, v6;
	_ =	sdelay $0x4  }
0x2db: {  	v4 =	vand.u32 $0x7F, v4;
	v6 =	vld.idx.msk [tilespmem:v5+s14+$0x0], $0xffff  }
0x2dc: {  	v7 =	vor.u32 v4, v7  }
0x2dd: {  	v4 =	vor.u32 $0x80, v5;
	_ =	sdelay $0x3  }
0x2de: {  	[tilespmem:v7+s17+$0x0] =	vst.idx.msk $0xffff, v6  }
0x2df: {  	v4 =	vld.idx.msk [tilespmem:v4+s14+$0x0], $0xffff  }
0x2e0: {  	v6 =	vor.u32 $0x80, v7  }
0x2e1: {  	v8 =	vor.u32 $0x100, v5;
	_ =	sdelay $0x3  }
0x2e2: {  	[tilespmem:v6+s17+$0x0] =	vst.idx.msk $0xffff, v4  }
0x2e3: {  	v4 =	vld.idx.msk [tilespmem:v8+s14+$0x0], $0xffff  }
0x2e4: {  	v6 =	vor.u32 $0x100, v7  }
0x2e5: {  	v8 =	vor.u32 $0x180, v5;
	_ =	sdelay $0x3  }
0x2e6: {  	[tilespmem:v6+s17+$0x0] =	vst.idx.msk $0xffff, v4  }
0x2e7: {  	v4 =	vld.idx.msk [tilespmem:v8+s14+$0x0], $0xffff  }
0x2e8: {  	v6 =	vor.u32 $0x180, v7  }
0x2e9: {  	v8 =	vor.u32 $0x200, v5;
	_ =	sdelay $0x3  }
0x2ea: {  	[tilespmem:v6+s17+$0x0] =	vst.idx.msk $0xffff, v4  }
0x2eb: {  	v4 =	vld.idx.msk [tilespmem:v8+s14+$0x0], $0xffff  }
0x2ec: {  	v6 =	vor.u32 $0x200, v7  }
0x2ed: {  	v8 =	vor.u32 $0x280, v5;
	_ =	sdelay $0x3  }
0x2ee: {  	[tilespmem:v6+s17+$0x0] =	vst.idx.msk $0xffff, v4  }
0x2ef: {  	v4 =	vld.idx.msk [tilespmem:v8+s14+$0x0], $0xffff  }
0x2f0: {  	v6 =	vor.u32 $0x280, v7  }
0x2f1: {  	v8 =	vor.u32 $0x300, v5;
	_ =	sdelay $0x3  }
0x2f2: {  	[tilespmem:v6+s17+$0x0] =	vst.idx.msk $0xffff, v4  }
0x2f3: {  	v4 =	vld.idx.msk [tilespmem:v8+s14+$0x0], $0xffff  }
0x2f4: {  	v6 =	vor.u32 $0x300, v7  }
0x2f5: {  	v5 =	vor.u32 $0x380, v5;
	_ =	sdelay $0x1  }
.Ltmp29:
0x2f6: {  	(pc) =	sbr.rel @!p1 .LBB2_24-.Ltmp29, $4  }
0x2f7: {  	_ = 	snop  }
0x2f8: {  	[tilespmem:v6+s17+$0x0] =	vst.idx.msk $0xffff, v4  }
0x2f9: {  	v4 =	vld.idx.msk [tilespmem:v5+s14+$0x0], $0xffff  }
0x2fa: {  	v5 =	vor.u32 $0x380, v7  }
.Ltmp30:
0x2fb: {  	_ = 	snop;
	(pc) =	sbr.rel .LBB2_25-.Ltmp30, $1  }
0x2fc: {  	_ =	sdelay $0x3  }
.LBB2_29:
.Ltmp31:
0x2fd: {  	(pc) =	sbr.rel .LBB2_32-.Ltmp31, $2  }
0x2fe: {  	_ =	sdelay $0x2  }
0x2ff: {  	_ = 	snop  }
.LBB2_18:
.Ltmp32:
0x300: {  	(pc) =	sbr.rel .LBB2_21-.Ltmp32, $2  }
0x301: {  	_ =	sdelay $0x2  }
0x302: {  	_ = 	snop  }
.LBB2_38:
0x303: {  	_ =	sfence.sel $0x180000  }
0x304: {  	[bflag:$0x0] =	sbarrier.arrive $0xFFFF  }
0x305: {  	p0 =	sne.s32 s0, $0x0;
	_ =	strace $0x90000047  }
0x306: {  	s0 =	sadd.s32 @!p0 $0x100000, s3;
	[bflag:$0x2] =	sbarrier.arrive $0xFFFF  }
0x307: {  	[sflag:s0] =	ssyncadd.tile.s32 @!p0 $0x1;
	_ =	shalt  }
.Lfunc_end2:
_tile_overlayer_lowered:
.L_overlay_start_2:
0x308: {  	(tag) =	ssettag $0x2  }
0x309: {  	s0 =	rddreg [dreg:$0x0];
	s2 =	stileid.u32  }
0x30a: {  	s1 =	rddreg [dreg:$0x1];
	p0 =	sne.s32 s2, $0x0  }
0x30b: {  	s3 =	rddreg [dreg:$0x2];
	[bflag:$0x3] =	sbarrier.arrive $0xFFFF;
	s2 =	simm.s32 @!p0 $0x1C03  }
0x30c: {  	[timem:s3], [sflag:s2] =	dma.local @!p0 [hbm:s0], s1  }
0x30d: {  	s0 =	simm.s32 @!p0 $0x3  }
0x30e: {  	_ =	swait.ge @!p0 [sflag:s0], s1  }
0x30f: {  	s1 =	ssub.s32 @!p0 $0x0, s1;
	[sflag:s0] =	ssyncset.done @!p0 $0x0  }
0x310: {  	[sflag:s0] =	ssyncadd.s32 @!p0 s1  }
0x311: {  	[bflag:$0x3] =	sbarrier.arrive $0xFFFF  }
0x312: {  	_ =	shalt  }

</sc_bundles>
